<compile_context>
chip_gen: v7x
topology: tpu7x:2x2x1
jax: 0.10.2.dev20260603
libtpu: 0.0.44.dev20260713+nightly
codegen_flags: <defaults>
</compile_context>

<pallas_src>
import jax
import jax.numpy as jnp
from jax import lax
from jax.experimental import pallas as pl
from jax.experimental.pallas import tpu as pltpu
from jax.experimental.pallas import tpu_sc as plsc

N_TYPES = 1000
WINDOW = 1
NBAND = 1 + 2 * WINDOW
DIM = NBAND * N_TYPES
B, L = 1024, 20

NC, NS, NL = 2, 16, 16
NW = NC * NS
NG = B // NL

HW = 40
NWIN = N_TYPES // HW
NCHUNK = L * NBAND * NWIN
KMAX = 48


def _chunk_params(wid, k):
    c = jnp.minimum(wid + NW * k, NCHUNK - 1)
    m = c // (NBAND * NWIN)
    r = c - m * (NBAND * NWIN)
    band = r // NWIN
    wi = r - band * NWIN
    lo = wi * HW
    v0 = band * N_TYPES + lo
    n = jnp.where(band == 0, lax.rem(m + 1, L),
                  jnp.where(band == 1, m, m - 1))
    valid = jnp.logical_or(band != 2, m > 0)
    n = jnp.maximum(n, 0)
    lo = jnp.where(valid, lo, -2 * N_TYPES)
    return m, v0, n, lo


def _scan_scatter(h_v, vals_v, buf, n, lo, iota, write_vals, fzero):
    @pl.loop(0, NG, init_carry=(n * B, iota), unroll=8)
    def body(g, carry):
        off, jv = carry
        hr = h_v[pl.ds(off, NL)] - lo
        msk = lax.bitcast_convert_type(hr, jnp.uint32) < jnp.uint32(HW)
        if write_vals:
            val = vals_v[pl.ds(off, NL)]
        else:
            val = fzero
        plsc.store_scatter(buf, [hr, jv], val, mask=msk)
        return off + NL, jv + NL


def _reset_and_scan(h_v, vals_v, buf, pn, plo, n, lo, iota, fzero):
    @pl.loop(0, NG, init_carry=(pn * B, n * B, iota), unroll=8)
    def body(g, carry):
        poff, off, jv = carry
        phr = h_v[pl.ds(poff, NL)] - plo
        pmsk = lax.bitcast_convert_type(phr, jnp.uint32) < jnp.uint32(HW)
        plsc.store_scatter(buf, [phr, jv], fzero, mask=pmsk)
        hr = h_v[pl.ds(off, NL)] - lo
        msk = lax.bitcast_convert_type(hr, jnp.uint32) < jnp.uint32(HW)
        val = vals_v[pl.ds(off, NL)]
        plsc.store_scatter(buf, [hr, jv], val, mask=msk)
        return poff + NL, off + NL, jv + NL


def _bow_sc(txt_hbm, vals_hbm, zeros_hbm, out_hbm, h_v, vals_v,
            buf0, buf1, sem0, sem1, insem):
    wid = lax.axis_index("s") * NC + lax.axis_index("c")

    pltpu.sync_copy(txt_hbm, h_v)
    pltpu.sync_copy(vals_hbm, vals_v)

    c0 = pltpu.async_copy(zeros_hbm, buf0, insem)
    c1 = pltpu.async_copy(zeros_hbm, buf1, sem1)

    @pl.loop(0, L * NG, unroll=8)
    def prehash(g):
        sl = pl.ds(g * NL, NL)
        h_v[sl] = lax.rem(h_v[sl], N_TYPES)

    c0.wait()
    c1.wait()

    bufs = (buf0, buf1)
    sems = (sem0, sem1)
    iota = lax.iota(jnp.int32, NL)
    fzero = jnp.zeros((NL,), jnp.float32)

    H1 = 16
    H2 = HW - H1

    def send(p, m, v0):
        pltpu.async_copy(bufs[p].at[pl.ds(0, H1)],
                         out_hbm.at[m, pl.ds(v0, H1)], sems[p])
        pltpu.async_copy(bufs[p].at[pl.ds(H1, H2)],
                         out_hbm.at[m, pl.ds(v0 + H1, H2)], sems[p])

    def fill_and_send(k, p):
        m, v0, n, lo = _chunk_params(wid, k)
        _scan_scatter(h_v, vals_v, bufs[p], n, lo, iota, True, fzero)
        send(p, m, v0)
        return n, lo

    def drain(p):
        pltpu.make_async_copy(
            bufs[p].at[pl.ds(0, H1)],
            out_hbm.at[0, pl.ds(0, H1)], sems[p]).wait()
        pltpu.make_async_copy(
            bufs[p].at[pl.ds(H1, H2)],
            out_hbm.at[0, pl.ds(0, H2)], sems[p]).wait()

    n0, lo0 = fill_and_send(0, 0)
    n1, lo1 = fill_and_send(1, 1)

    @pl.loop(2, KMAX, step=2, init_carry=(n0, lo0, n1, lo1))
    def step(k, carry):
        pn0, plo0, pn1, plo1 = carry
        prev = [(pn0, plo0), (pn1, plo1)]
        cur = [None, None]
        for p in range(2):
            pn, plo = prev[p]
            drain(p)
            m, v0, n, lo = _chunk_params(wid, k + p)
            _reset_and_scan(h_v, vals_v, bufs[p], pn, plo, n, lo, iota,
                            fzero)
            send(p, m, v0)
            cur[p] = (n, lo)
        return cur[0] + cur[1]

    drain(0)
    drain(1)


@jax.jit
def _bow(txt, vals):
    txt_t = txt.T.reshape(-1)
    vals_t = vals.T.reshape(-1)
    zchunk = jnp.zeros((HW, B), jnp.float32)
    mesh = plsc.VectorSubcoreMesh(core_axis_name="c", subcore_axis_name="s")
    out = pl.kernel(
        _bow_sc,
        mesh=mesh,
        compiler_params=pltpu.CompilerParams(
            needs_layout_passes=False, use_tc_tiling_on_sc=True),
        out_type=jax.ShapeDtypeStruct((L, DIM, B), jnp.float32),
        scratch_types=[
            pltpu.VMEM((L * B,), jnp.int32),
            pltpu.VMEM((L * B,), jnp.float32),
            pltpu.VMEM((HW, B), jnp.float32),
            pltpu.VMEM((HW, B), jnp.float32),
            pltpu.SemaphoreType.DMA,
            pltpu.SemaphoreType.DMA,
            pltpu.SemaphoreType.DMA,
        ],
    )(txt_t, vals_t, zchunk)
    return out.transpose(2, 0, 1)


def kernel(txt, vals):
    return _bow(txt, vals)

# --- scband reference (transcript-rebuilt; emitter-appended) ---
"""Pipeline reference for scband-bowfeatures-86517821215729 (READ-ONLY COPY).

The authoritative reference and input builder live on the scoring server;
editing this copy changes nothing except your own understanding.
"""

import jax, jax.numpy as jnp
import numpy as np

N_TYPES = 1000
WINDOW = 1
DIM = (1 + 2 * WINDOW) * N_TYPES
B, L = 1024, 20


def setup_inputs(seed: int = 0) -> dict:
    key = jax.random.key(seed)
    k1, _ = jax.random.split(key)
    txt = jax.random.randint(k1, (B, L), 0, N_TYPES, dtype=jnp.int32)
    vals = jnp.ones((B, L), dtype=jnp.float32)
    return {"txt": txt, "vals": vals}


def reference(txt, vals):
    # BOWFeatures._forward_batch with all sequences at max_len:
    # for each position n, word w=txt[j,n], offset i in [-W, W]:
    #   m = n + i (if in range); v = (i+W)*n_types + (w % n_types); bow[j, m, v] = 1
    # vals is a tensor of ones standing in for the constant 1 writes (scatter-overwrite).
    word_hash = jnp.mod(txt, N_TYPES)  # hashing=False -> word % n_types
    bow = jnp.zeros((B, L, DIM), dtype=vals.dtype)
    bb = jnp.broadcast_to(jnp.arange(B)[:, None], (B, L))
    n_idx = jnp.arange(L)
    for i in range(-WINDOW, WINDOW + 1):
        m = n_idx + i  # target position, may be out of [0, L)
        m_b = jnp.broadcast_to(m[None, :], (B, L))
        v = (i + WINDOW) * N_TYPES + word_hash
        # out-of-range m handled by mode='drop' (matches the python-side bounds check)
        bow = bow.at[bb, m_b, v].set(vals, mode='drop')
    return bow

if __name__ == "__main__":
    import jax
    _d = setup_inputs()
    print(jax.jit(kernel)(*tuple(_d.values())))

</pallas_src>

<mosaic_0001>
#map = affine_map<(d0, d1) -> (0)>
#map1 = affine_map<(d0, d1) -> (0, 0)>
#map2 = affine_map<(d0, d1) -> (0, 0, 0)>
module attributes {stable_mosaic.version = 14 : i64} {
  func.func @_bow_sc(%arg0: i32, %arg1: i32, %arg2: memref<20480xi32, #tpu.memory_space<hbm>>, %arg3: memref<20480xf32, #tpu.memory_space<hbm>>, %arg4: memref<40x1024xf32, #tpu.memory_space<hbm>>, %arg5: memref<20x3000x1024xf32, #tpu.memory_space<hbm>>, %arg6: memref<20480xi32, #tpu.memory_space<vmem>>, %arg7: memref<20480xf32, #tpu.memory_space<vmem>>, %arg8: memref<40x1024xf32, #tpu.memory_space<vmem>>, %arg9: memref<40x1024xf32, #tpu.memory_space<vmem>>, %arg10: memref<!tpu.dma_semaphore, #tpu.memory_space<semaphore_mem>>, %arg11: memref<!tpu.dma_semaphore, #tpu.memory_space<semaphore_mem>>, %arg12: memref<!tpu.dma_semaphore, #tpu.memory_space<semaphore_mem>>) attributes {dimension_semantics = [#tpu.dimension_semantics<core_parallel>, #tpu.dimension_semantics<subcore_parallel>], iteration_bounds = array<i64: 2, 16>, scalar_prefetch = 0 : i64, scratch_operands = 7 : i64, tpu.core_type = #tpu.core_type<sc_vector_subcore>, window_params = [{transform_indices = #map}, {transform_indices = #map}, {transform_indices = #map1}, {transform_indices = #map2}]} {
    %mul3A = arith.constant 2 : i32
    %mul3A_0 = arith.muli %arg1, %mul3A : i32
    %add3A = arith.addi %mul3A_0, %arg0 : i32
    "tpu.region"() ({
      %run_scoped3A = tpu.sem_alloc : memref<!tpu.dma_semaphore, #tpu.memory_space<semaphore_mem>>
      tpu.enqueue_dma source(%arg2 : memref<20480xi32, #tpu.memory_space<hbm>>) target(%arg6 : memref<20480xi32, #tpu.memory_space<vmem>>) target_semaphore(%run_scoped3A : memref<!tpu.dma_semaphore, #tpu.memory_space<semaphore_mem>>)
      tpu.wait_dma2 semaphore(%run_scoped3A : memref<!tpu.dma_semaphore, #tpu.memory_space<semaphore_mem>>) src(%arg2 : memref<20480xi32, #tpu.memory_space<hbm>>) dst(%arg6 : memref<20480xi32, #tpu.memory_space<vmem>>)
      tpu.yield
    }) : () -> ()
    "tpu.region"() ({
      %run_scoped3A = tpu.sem_alloc : memref<!tpu.dma_semaphore, #tpu.memory_space<semaphore_mem>>
      tpu.enqueue_dma source(%arg3 : memref<20480xf32, #tpu.memory_space<hbm>>) target(%arg7 : memref<20480xf32, #tpu.memory_space<vmem>>) target_semaphore(%run_scoped3A : memref<!tpu.dma_semaphore, #tpu.memory_space<semaphore_mem>>)
      tpu.wait_dma2 semaphore(%run_scoped3A : memref<!tpu.dma_semaphore, #tpu.memory_space<semaphore_mem>>) src(%arg3 : memref<20480xf32, #tpu.memory_space<hbm>>) dst(%arg7 : memref<20480xf32, #tpu.memory_space<vmem>>)
      tpu.yield
    }) : () -> ()
    tpu.enqueue_dma source(%arg4 : memref<40x1024xf32, #tpu.memory_space<hbm>>) target(%arg8 : memref<40x1024xf32, #tpu.memory_space<vmem>>) target_semaphore(%arg12 : memref<!tpu.dma_semaphore, #tpu.memory_space<semaphore_mem>>)
    tpu.enqueue_dma source(%arg4 : memref<40x1024xf32, #tpu.memory_space<hbm>>) target(%arg9 : memref<40x1024xf32, #tpu.memory_space<vmem>>) target_semaphore(%arg11 : memref<!tpu.dma_semaphore, #tpu.memory_space<semaphore_mem>>)
    %scan3A = arith.constant 0 : i32
    %scan3A_1 = arith.constant 1280 : i32
    %scan3A_2 = arith.addi %scan3A, %scan3A_1 : i32
    %scan3A_3 = arith.constant 8 : i32
    scf.for %scan3A_293 = %scan3A to %scan3A_2 step %scan3A_3  : i32 {
      %mul3A_294 = arith.constant 1 : i32
      %mul3A_295 = arith.muli %scan3A_293, %mul3A_294 : i32
      %add3A_296 = arith.constant 0 : i32
      %add3A_297 = arith.addi %add3A_296, %mul3A_295 : i32
      %mul3A_298 = arith.constant 16 : i32
      %mul3A_299 = arith.muli %add3A_297, %mul3A_298 : i32
      %get3A = arith.index_cast %mul3A_299 : i32 to index
      %get3A_300 = tpu.vector_load %arg6[%get3A] {strides = array<i32>} : memref<20480xi32, #tpu.memory_space<vmem>>, vector<16xi32>,
      %rem3A_301 = arith.constant 1000 : i32
      %rem3A_302 = vector.broadcast %rem3A_301 : i32 to vector<16xi32>
      %rem3A_303 = arith.remsi %get3A_300, %rem3A_302 : vector<16xi32>
      %swap3A = arith.index_cast %mul3A_299 : i32 to index
      %swap3A_304 = tpu.vector_load %arg6[%swap3A] {strides = array<i32>} : memref<20480xi32, #tpu.memory_space<vmem>>, vector<16xi32>,
      tpu.vector_store %arg6[%swap3A], %rem3A_303 {strides = array<i32>} : memref<20480xi32, #tpu.memory_space<vmem>>, vector<16xi32>,
      %scan3A_305 = arith.constant 1 : i32
      %scan3A_306 = arith.addi %scan3A_293, %scan3A_305 : i32
      %mul3A_307 = arith.constant 1 : i32
      %mul3A_308 = arith.muli %scan3A_306, %mul3A_307 : i32
      %add3A_309 = arith.constant 0 : i32
      %add3A_310 = arith.addi %add3A_309, %mul3A_308 : i32
      %mul3A_311 = arith.constant 16 : i32
      %mul3A_312 = arith.muli %add3A_310, %mul3A_311 : i32
      %get3A_313 = arith.index_cast %mul3A_312 : i32 to index
      %get3A_314 = tpu.vector_load %arg6[%get3A_313] {strides = array<i32>} : memref<20480xi32, #tpu.memory_space<vmem>>, vector<16xi32>,
      %rem3A_315 = arith.constant 1000 : i32
      %rem3A_316 = vector.broadcast %rem3A_315 : i32 to vector<16xi32>
      %rem3A_317 = arith.remsi %get3A_314, %rem3A_316 : vector<16xi32>
      %swap3A_318 = arith.index_cast %mul3A_312 : i32 to index
      %swap3A_319 = tpu.vector_load %arg6[%swap3A_318] {strides = array<i32>} : memref<20480xi32, #tpu.memory_space<vmem>>, vector<16xi32>,
      tpu.vector_store %arg6[%swap3A_318], %rem3A_317 {strides = array<i32>} : memref<20480xi32, #tpu.memory_space<vmem>>, vector<16xi32>,
      %scan3A_320 = arith.constant 2 : i32
      %scan3A_321 = arith.addi %scan3A_293, %scan3A_320 : i32
      %mul3A_322 = arith.constant 1 : i32
      %mul3A_323 = arith.muli %scan3A_321, %mul3A_322 : i32
      %add3A_324 = arith.constant 0 : i32
      %add3A_325 = arith.addi %add3A_324, %mul3A_323 : i32
      %mul3A_326 = arith.constant 16 : i32
      %mul3A_327 = arith.muli %add3A_325, %mul3A_326 : i32
      %get3A_328 = arith.index_cast %mul3A_327 : i32 to index
      %get3A_329 = tpu.vector_load %arg6[%get3A_328] {strides = array<i32>} : memref<20480xi32, #tpu.memory_space<vmem>>, vector<16xi32>,
      %rem3A_330 = arith.constant 1000 : i32
      %rem3A_331 = vector.broadcast %rem3A_330 : i32 to vector<16xi32>
      %rem3A_332 = arith.remsi %get3A_329, %rem3A_331 : vector<16xi32>
      %swap3A_333 = arith.index_cast %mul3A_327 : i32 to index
      %swap3A_334 = tpu.vector_load %arg6[%swap3A_333] {strides = array<i32>} : memref<20480xi32, #tpu.memory_space<vmem>>, vector<16xi32>,
      tpu.vector_store %arg6[%swap3A_333], %rem3A_332 {strides = array<i32>} : memref<20480xi32, #tpu.memory_space<vmem>>, vector<16xi32>,
      %scan3A_335 = arith.constant 3 : i32
      %scan3A_336 = arith.addi %scan3A_293, %scan3A_335 : i32
      %mul3A_337 = arith.constant 1 : i32
      %mul3A_338 = arith.muli %scan3A_336, %mul3A_337 : i32
      %add3A_339 = arith.constant 0 : i32
      %add3A_340 = arith.addi %add3A_339, %mul3A_338 : i32
      %mul3A_341 = arith.constant 16 : i32
      %mul3A_342 = arith.muli %add3A_340, %mul3A_341 : i32
      %get3A_343 = arith.index_cast %mul3A_342 : i32 to index
      %get3A_344 = tpu.vector_load %arg6[%get3A_343] {strides = array<i32>} : memref<20480xi32, #tpu.memory_space<vmem>>, vector<16xi32>,
      %rem3A_345 = arith.constant 1000 : i32
      %rem3A_346 = vector.broadcast %rem3A_345 : i32 to vector<16xi32>
      %rem3A_347 = arith.remsi %get3A_344, %rem3A_346 : vector<16xi32>
      %swap3A_348 = arith.index_cast %mul3A_342 : i32 to index
      %swap3A_349 = tpu.vector_load %arg6[%swap3A_348] {strides = array<i32>} : memref<20480xi32, #tpu.memory_space<vmem>>, vector<16xi32>,
      tpu.vector_store %arg6[%swap3A_348], %rem3A_347 {strides = array<i32>} : memref<20480xi32, #tpu.memory_space<vmem>>, vector<16xi32>,
      %scan3A_350 = arith.constant 4 : i32
      %scan3A_351 = arith.addi %scan3A_293, %scan3A_350 : i32
      %mul3A_352 = arith.constant 1 : i32
      %mul3A_353 = arith.muli %scan3A_351, %mul3A_352 : i32
      %add3A_354 = arith.constant 0 : i32
      %add3A_355 = arith.addi %add3A_354, %mul3A_353 : i32
      %mul3A_356 = arith.constant 16 : i32
      %mul3A_357 = arith.muli %add3A_355, %mul3A_356 : i32
      %get3A_358 = arith.index_cast %mul3A_357 : i32 to index
      %get3A_359 = tpu.vector_load %arg6[%get3A_358] {strides = array<i32>} : memref<20480xi32, #tpu.memory_space<vmem>>, vector<16xi32>,
      %rem3A_360 = arith.constant 1000 : i32
      %rem3A_361 = vector.broadcast %rem3A_360 : i32 to vector<16xi32>
      %rem3A_362 = arith.remsi %get3A_359, %rem3A_361 : vector<16xi32>
      %swap3A_363 = arith.index_cast %mul3A_357 : i32 to index
      %swap3A_364 = tpu.vector_load %arg6[%swap3A_363] {strides = array<i32>} : memref<20480xi32, #tpu.memory_space<vmem>>, vector<16xi32>,
      tpu.vector_store %arg6[%swap3A_363], %rem3A_362 {strides = array<i32>} : memref<20480xi32, #tpu.memory_space<vmem>>, vector<16xi32>,
      %scan3A_365 = arith.constant 5 : i32
      %scan3A_366 = arith.addi %scan3A_293, %scan3A_365 : i32
      %mul3A_367 = arith.constant 1 : i32
      %mul3A_368 = arith.muli %scan3A_366, %mul3A_367 : i32
      %add3A_369 = arith.constant 0 : i32
      %add3A_370 = arith.addi %add3A_369, %mul3A_368 : i32
      %mul3A_371 = arith.constant 16 : i32
      %mul3A_372 = arith.muli %add3A_370, %mul3A_371 : i32
      %get3A_373 = arith.index_cast %mul3A_372 : i32 to index
      %get3A_374 = tpu.vector_load %arg6[%get3A_373] {strides = array<i32>} : memref<20480xi32, #tpu.memory_space<vmem>>, vector<16xi32>,
      %rem3A_375 = arith.constant 1000 : i32
      %rem3A_376 = vector.broadcast %rem3A_375 : i32 to vector<16xi32>
      %rem3A_377 = arith.remsi %get3A_374, %rem3A_376 : vector<16xi32>
      %swap3A_378 = arith.index_cast %mul3A_372 : i32 to index
      %swap3A_379 = tpu.vector_load %arg6[%swap3A_378] {strides = array<i32>} : memref<20480xi32, #tpu.memory_space<vmem>>, vector<16xi32>,
      tpu.vector_store %arg6[%swap3A_378], %rem3A_377 {strides = array<i32>} : memref<20480xi32, #tpu.memory_space<vmem>>, vector<16xi32>,
      %scan3A_380 = arith.constant 6 : i32
      %scan3A_381 = arith.addi %scan3A_293, %scan3A_380 : i32
      %mul3A_382 = arith.constant 1 : i32
      %mul3A_383 = arith.muli %scan3A_381, %mul3A_382 : i32
      %add3A_384 = arith.constant 0 : i32
      %add3A_385 = arith.addi %add3A_384, %mul3A_383 : i32
      %mul3A_386 = arith.constant 16 : i32
      %mul3A_387 = arith.muli %add3A_385, %mul3A_386 : i32
      %get3A_388 = arith.index_cast %mul3A_387 : i32 to index
      %get3A_389 = tpu.vector_load %arg6[%get3A_388] {strides = array<i32>} : memref<20480xi32, #tpu.memory_space<vmem>>, vector<16xi32>,
      %rem3A_390 = arith.constant 1000 : i32
      %rem3A_391 = vector.broadcast %rem3A_390 : i32 to vector<16xi32>
      %rem3A_392 = arith.remsi %get3A_389, %rem3A_391 : vector<16xi32>
      %swap3A_393 = arith.index_cast %mul3A_387 : i32 to index
      %swap3A_394 = tpu.vector_load %arg6[%swap3A_393] {strides = array<i32>} : memref<20480xi32, #tpu.memory_space<vmem>>, vector<16xi32>,
      tpu.vector_store %arg6[%swap3A_393], %rem3A_392 {strides = array<i32>} : memref<20480xi32, #tpu.memory_space<vmem>>, vector<16xi32>,
      %scan3A_395 = arith.constant 7 : i32
      %scan3A_396 = arith.addi %scan3A_293, %scan3A_395 : i32
      %mul3A_397 = arith.constant 1 : i32
      %mul3A_398 = arith.muli %scan3A_396, %mul3A_397 : i32
      %add3A_399 = arith.constant 0 : i32
      %add3A_400 = arith.addi %add3A_399, %mul3A_398 : i32
      %mul3A_401 = arith.constant 16 : i32
      %mul3A_402 = arith.muli %add3A_400, %mul3A_401 : i32
      %get3A_403 = arith.index_cast %mul3A_402 : i32 to index
      %get3A_404 = tpu.vector_load %arg6[%get3A_403] {strides = array<i32>} : memref<20480xi32, #tpu.memory_space<vmem>>, vector<16xi32>,
      %rem3A_405 = arith.constant 1000 : i32
      %rem3A_406 = vector.broadcast %rem3A_405 : i32 to vector<16xi32>
      %rem3A_407 = arith.remsi %get3A_404, %rem3A_406 : vector<16xi32>
      %swap3A_408 = arith.index_cast %mul3A_402 : i32 to index
      %swap3A_409 = tpu.vector_load %arg6[%swap3A_408] {strides = array<i32>} : memref<20480xi32, #tpu.memory_space<vmem>>, vector<16xi32>,
      tpu.vector_store %arg6[%swap3A_408], %rem3A_407 {strides = array<i32>} : memref<20480xi32, #tpu.memory_space<vmem>>, vector<16xi32>,
    }
    %scan3A_4 = arith.constant 1280 : i32
    tpu.wait_dma2 semaphore(%arg12 : memref<!tpu.dma_semaphore, #tpu.memory_space<semaphore_mem>>) src(%arg4 : memref<40x1024xf32, #tpu.memory_space<hbm>>) dst(%arg8 : memref<40x1024xf32, #tpu.memory_space<vmem>>)
    tpu.wait_dma2 semaphore(%arg11 : memref<!tpu.dma_semaphore, #tpu.memory_space<semaphore_mem>>) src(%arg4 : memref<40x1024xf32, #tpu.memory_space<hbm>>) dst(%arg9 : memref<40x1024xf32, #tpu.memory_space<vmem>>)
    %iota3A = tpu.iota {dimensions = array<i32: 0>} : vector<16xi32>
    %broadcast_in_dim3A = arith.constant 0.000000e+00 : f32
    %broadcast_in_dim3A_5 = vector.broadcast %broadcast_in_dim3A : f32 to vector<16xf32>
    %add3A_6 = arith.constant 0 : i32
    %add3A_7 = arith.addi %add3A, %add3A_6 : i32
    %min3A = arith.constant 1499 : i32
    %min3A_8 = arith.minsi %add3A_7, %min3A : i32
    %jit3A = arith.constant 75 : i32
    %div3A = arith.divsi %min3A_8, %jit3A : i32
    %sign3A = arith.constant 0 : i32
    %sign3A_9 = arith.cmpi sgt, %min3A_8, %sign3A : i32
    %sign3A_10 = arith.extui %sign3A_9 : i1 to i32
    %sign3A_11 = arith.constant 0 : i32
    %sign3A_12 = arith.cmpi slt, %min3A_8, %sign3A_11 : i32
    %sign3A_13 = arith.extui %sign3A_12 : i1 to i32
    %sign3A_14 = arith.subi %sign3A_10, %sign3A_13 : i32
    %sign3A_15 = arith.constant 0 : i32
    %sign3A_16 = arith.cmpi sgt, %jit3A, %sign3A_15 : i32
    %sign3A_17 = arith.extui %sign3A_16 : i1 to i32
    %sign3A_18 = arith.constant 0 : i32
    %sign3A_19 = arith.cmpi slt, %jit3A, %sign3A_18 : i32
    %sign3A_20 = arith.extui %sign3A_19 : i1 to i32
    %sign3A_21 = arith.subi %sign3A_17, %sign3A_20 : i32
    %ne3A = arith.cmpi ne, %sign3A_14, %sign3A_21 : i32
    %rem3A = arith.remsi %min3A_8, %jit3A : i32
    %ne3A_22 = arith.constant 0 : i32
    %ne3A_23 = arith.cmpi ne, %rem3A, %ne3A_22 : i32
    %and3A = arith.andi %ne3A, %ne3A_23 : i1
    %sub3A = arith.constant 1 : i32
    %sub3A_24 = arith.subi %div3A, %sub3A : i32
    %select_n3A = arith.select %and3A, %sub3A_24, %div3A : i32
    %mul3A_25 = arith.constant 75 : i32
    %mul3A_26 = arith.muli %select_n3A, %mul3A_25 : i32
    %sub3A_27 = arith.subi %min3A_8, %mul3A_26 : i32
    %jit3A_28 = arith.constant 25 : i32
    %div3A_29 = arith.divsi %sub3A_27, %jit3A_28 : i32
    %sign3A_30 = arith.constant 0 : i32
    %sign3A_31 = arith.cmpi sgt, %sub3A_27, %sign3A_30 : i32
    %sign3A_32 = arith.extui %sign3A_31 : i1 to i32
    %sign3A_33 = arith.constant 0 : i32
    %sign3A_34 = arith.cmpi slt, %sub3A_27, %sign3A_33 : i32
    %sign3A_35 = arith.extui %sign3A_34 : i1 to i32
    %sign3A_36 = arith.subi %sign3A_32, %sign3A_35 : i32
    %sign3A_37 = arith.constant 0 : i32
    %sign3A_38 = arith.cmpi sgt, %jit3A_28, %sign3A_37 : i32
    %sign3A_39 = arith.extui %sign3A_38 : i1 to i32
    %sign3A_40 = arith.constant 0 : i32
    %sign3A_41 = arith.cmpi slt, %jit3A_28, %sign3A_40 : i32
    %sign3A_42 = arith.extui %sign3A_41 : i1 to i32
    %sign3A_43 = arith.subi %sign3A_39, %sign3A_42 : i32
    %ne3A_44 = arith.cmpi ne, %sign3A_36, %sign3A_43 : i32
    %rem3A_45 = arith.remsi %sub3A_27, %jit3A_28 : i32
    %ne3A_46 = arith.constant 0 : i32
    %ne3A_47 = arith.cmpi ne, %rem3A_45, %ne3A_46 : i32
    %and3A_48 = arith.andi %ne3A_44, %ne3A_47 : i1
    %sub3A_49 = arith.constant 1 : i32
    %sub3A_50 = arith.subi %div3A_29, %sub3A_49 : i32
    %select_n3A_51 = arith.select %and3A_48, %sub3A_50, %div3A_29 : i32
    %mul3A_52 = arith.constant 25 : i32
    %mul3A_53 = arith.muli %select_n3A_51, %mul3A_52 : i32
    %sub3A_54 = arith.subi %sub3A_27, %mul3A_53 : i32
    %mul3A_55 = arith.constant 40 : i32
    %mul3A_56 = arith.muli %sub3A_54, %mul3A_55 : i32
    %mul3A_57 = arith.constant 1000 : i32
    %mul3A_58 = arith.muli %select_n3A_51, %mul3A_57 : i32
    %add3A_59 = arith.addi %mul3A_58, %mul3A_56 : i32
    %eq3A = arith.constant 0 : i32
    %eq3A_60 = arith.cmpi eq, %select_n3A_51, %eq3A : i32
    %add3A_61 = arith.constant 1 : i32
    %add3A_62 = arith.addi %select_n3A, %add3A_61 : i32
    %rem3A_63 = arith.constant 20 : i32
    %rem3A_64 = arith.remsi %add3A_62, %rem3A_63 : i32
    %eq3A_65 = arith.constant 1 : i32
    %eq3A_66 = arith.cmpi eq, %select_n3A_51, %eq3A_65 : i32
    %sub3A_67 = arith.constant 1 : i32
    %sub3A_68 = arith.subi %select_n3A, %sub3A_67 : i32
    %select_n3A_69 = arith.select %eq3A_66, %select_n3A, %sub3A_68 : i32
    %select_n3A_70 = arith.select %eq3A_60, %rem3A_64, %select_n3A_69 : i32
    %ne3A_71 = arith.constant 2 : i32
    %ne3A_72 = arith.cmpi ne, %select_n3A_51, %ne3A_71 : i32
    %gt3A = arith.constant 0 : i32
    %gt3A_73 = arith.cmpi sgt, %select_n3A, %gt3A : i32
    %or3A = arith.ori %ne3A_72, %gt3A_73 : i1
    %max3A = arith.constant 0 : i32
    %max3A_74 = arith.maxsi %select_n3A_70, %max3A : i32
    %jit3A_75 = arith.constant -2000 : i32
    %select_n3A_76 = arith.select %or3A, %mul3A_56, %jit3A_75 : i32
    %mul3A_77 = arith.constant 1024 : i32
    %mul3A_78 = arith.muli %max3A_74, %mul3A_77 : i32
    %scan3A_79 = arith.constant 0 : i32
    %scan3A_80 = arith.constant 64 : i32
    %scan3A_81 = arith.addi %scan3A_79, %scan3A_80 : i32
    %scan3A_82 = arith.constant 8 : i32
    %scan3A_83:2 = scf.for %scan3A_293 = %scan3A_79 to %scan3A_81 step %scan3A_82 iter_args(%scan3A_294 = %mul3A_78, %scan3A_295 = %iota3A) -> (i32, vector<16xi32>)  : i32 {
      %mul3A_296 = arith.constant 1 : i32
      %mul3A_297 = arith.muli %scan3A_293, %mul3A_296 : i32
      %add3A_298 = arith.constant 0 : i32
      %add3A_299 = arith.addi %add3A_298, %mul3A_297 : i32
      %get3A = arith.index_cast %scan3A_294 : i32 to index
      %get3A_300 = tpu.vector_load %arg6[%get3A] {strides = array<i32>} : memref<20480xi32, #tpu.memory_space<vmem>>, vector<16xi32>,
      %sub3A_301 = vector.broadcast %select_n3A_76 : i32 to vector<16xi32>
      %sub3A_302 = arith.subi %get3A_300, %sub3A_301 : vector<16xi32>
      %bitcast_convert_type3A = tpu.bitcast %sub3A_302 : vector<16xi32> -> vector<16xi32>
      %lt3A = arith.constant 40 : i32
      %lt3A_303 = vector.broadcast %lt3A : i32 to vector<16xi32>
      %lt3A_304 = arith.cmpi ult, %bitcast_convert_type3A, %lt3A_303 : vector<16xi32>
      %get3A_305 = arith.index_cast %scan3A_294 : i32 to index
      %get3A_306 = tpu.vector_load %arg7[%get3A_305] {strides = array<i32>} : memref<20480xf32, #tpu.memory_space<vmem>>, vector<16xf32>,
      tpu.vector_store_idx %arg8[%sub3A_302, %scan3A_295], %get3A_306 masked %lt3A_304 : memref<40x1024xf32, #tpu.memory_space<vmem>>[vector<16xi32>, vector<16xi32>], vector<16xf32>, vector<16xi1>
      %add3A_307 = arith.constant 16 : i32
      %add3A_308 = arith.addi %scan3A_294, %add3A_307 : i32
      %add3A_309 = arith.constant 16 : i32
      %add3A_310 = vector.broadcast %add3A_309 : i32 to vector<16xi32>
      %add3A_311 = arith.addi %scan3A_295, %add3A_310 : vector<16xi32>
      %scan3A_312 = arith.constant 1 : i32
      %scan3A_313 = arith.addi %scan3A_293, %scan3A_312 : i32
      %mul3A_314 = arith.constant 1 : i32
      %mul3A_315 = arith.muli %scan3A_313, %mul3A_314 : i32
      %add3A_316 = arith.constant 0 : i32
      %add3A_317 = arith.addi %add3A_316, %mul3A_315 : i32
      %get3A_318 = arith.index_cast %add3A_308 : i32 to index
      %get3A_319 = tpu.vector_load %arg6[%get3A_318] {strides = array<i32>} : memref<20480xi32, #tpu.memory_space<vmem>>, vector<16xi32>,
      %sub3A_320 = vector.broadcast %select_n3A_76 : i32 to vector<16xi32>
      %sub3A_321 = arith.subi %get3A_319, %sub3A_320 : vector<16xi32>
      %bitcast_convert_type3A_322 = tpu.bitcast %sub3A_321 : vector<16xi32> -> vector<16xi32>
      %lt3A_323 = arith.constant 40 : i32
      %lt3A_324 = vector.broadcast %lt3A_323 : i32 to vector<16xi32>
      %lt3A_325 = arith.cmpi ult, %bitcast_convert_type3A_322, %lt3A_324 : vector<16xi32>
      %get3A_326 = arith.index_cast %add3A_308 : i32 to index
      %get3A_327 = tpu.vector_load %arg7[%get3A_326] {strides = array<i32>} : memref<20480xf32, #tpu.memory_space<vmem>>, vector<16xf32>,
      tpu.vector_store_idx %arg8[%sub3A_321, %add3A_311], %get3A_327 masked %lt3A_325 : memref<40x1024xf32, #tpu.memory_space<vmem>>[vector<16xi32>, vector<16xi32>], vector<16xf32>, vector<16xi1>
      %add3A_328 = arith.constant 16 : i32
      %add3A_329 = arith.addi %add3A_308, %add3A_328 : i32
      %add3A_330 = arith.constant 16 : i32
      %add3A_331 = vector.broadcast %add3A_330 : i32 to vector<16xi32>
      %add3A_332 = arith.addi %add3A_311, %add3A_331 : vector<16xi32>
      %scan3A_333 = arith.constant 2 : i32
      %scan3A_334 = arith.addi %scan3A_293, %scan3A_333 : i32
      %mul3A_335 = arith.constant 1 : i32
      %mul3A_336 = arith.muli %scan3A_334, %mul3A_335 : i32
      %add3A_337 = arith.constant 0 : i32
      %add3A_338 = arith.addi %add3A_337, %mul3A_336 : i32
      %get3A_339 = arith.index_cast %add3A_329 : i32 to index
      %get3A_340 = tpu.vector_load %arg6[%get3A_339] {strides = array<i32>} : memref<20480xi32, #tpu.memory_space<vmem>>, vector<16xi32>,
      %sub3A_341 = vector.broadcast %select_n3A_76 : i32 to vector<16xi32>
      %sub3A_342 = arith.subi %get3A_340, %sub3A_341 : vector<16xi32>
      %bitcast_convert_type3A_343 = tpu.bitcast %sub3A_342 : vector<16xi32> -> vector<16xi32>
      %lt3A_344 = arith.constant 40 : i32
      %lt3A_345 = vector.broadcast %lt3A_344 : i32 to vector<16xi32>
      %lt3A_346 = arith.cmpi ult, %bitcast_convert_type3A_343, %lt3A_345 : vector<16xi32>
      %get3A_347 = arith.index_cast %add3A_329 : i32 to index
      %get3A_348 = tpu.vector_load %arg7[%get3A_347] {strides = array<i32>} : memref<20480xf32, #tpu.memory_space<vmem>>, vector<16xf32>,
      tpu.vector_store_idx %arg8[%sub3A_342, %add3A_332], %get3A_348 masked %lt3A_346 : memref<40x1024xf32, #tpu.memory_space<vmem>>[vector<16xi32>, vector<16xi32>], vector<16xf32>, vector<16xi1>
      %add3A_349 = arith.constant 16 : i32
      %add3A_350 = arith.addi %add3A_329, %add3A_349 : i32
      %add3A_351 = arith.constant 16 : i32
      %add3A_352 = vector.broadcast %add3A_351 : i32 to vector<16xi32>
      %add3A_353 = arith.addi %add3A_332, %add3A_352 : vector<16xi32>
      %scan3A_354 = arith.constant 3 : i32
      %scan3A_355 = arith.addi %scan3A_293, %scan3A_354 : i32
      %mul3A_356 = arith.constant 1 : i32
      %mul3A_357 = arith.muli %scan3A_355, %mul3A_356 : i32
      %add3A_358 = arith.constant 0 : i32
      %add3A_359 = arith.addi %add3A_358, %mul3A_357 : i32
      %get3A_360 = arith.index_cast %add3A_350 : i32 to index
      %get3A_361 = tpu.vector_load %arg6[%get3A_360] {strides = array<i32>} : memref<20480xi32, #tpu.memory_space<vmem>>, vector<16xi32>,
      %sub3A_362 = vector.broadcast %select_n3A_76 : i32 to vector<16xi32>
      %sub3A_363 = arith.subi %get3A_361, %sub3A_362 : vector<16xi32>
      %bitcast_convert_type3A_364 = tpu.bitcast %sub3A_363 : vector<16xi32> -> vector<16xi32>
      %lt3A_365 = arith.constant 40 : i32
      %lt3A_366 = vector.broadcast %lt3A_365 : i32 to vector<16xi32>
      %lt3A_367 = arith.cmpi ult, %bitcast_convert_type3A_364, %lt3A_366 : vector<16xi32>
      %get3A_368 = arith.index_cast %add3A_350 : i32 to index
      %get3A_369 = tpu.vector_load %arg7[%get3A_368] {strides = array<i32>} : memref<20480xf32, #tpu.memory_space<vmem>>, vector<16xf32>,
      tpu.vector_store_idx %arg8[%sub3A_363, %add3A_353], %get3A_369 masked %lt3A_367 : memref<40x1024xf32, #tpu.memory_space<vmem>>[vector<16xi32>, vector<16xi32>], vector<16xf32>, vector<16xi1>
      %add3A_370 = arith.constant 16 : i32
      %add3A_371 = arith.addi %add3A_350, %add3A_370 : i32
      %add3A_372 = arith.constant 16 : i32
      %add3A_373 = vector.broadcast %add3A_372 : i32 to vector<16xi32>
      %add3A_374 = arith.addi %add3A_353, %add3A_373 : vector<16xi32>
      %scan3A_375 = arith.constant 4 : i32
      %scan3A_376 = arith.addi %scan3A_293, %scan3A_375 : i32
      %mul3A_377 = arith.constant 1 : i32
      %mul3A_378 = arith.muli %scan3A_376, %mul3A_377 : i32
      %add3A_379 = arith.constant 0 : i32
      %add3A_380 = arith.addi %add3A_379, %mul3A_378 : i32
      %get3A_381 = arith.index_cast %add3A_371 : i32 to index
      %get3A_382 = tpu.vector_load %arg6[%get3A_381] {strides = array<i32>} : memref<20480xi32, #tpu.memory_space<vmem>>, vector<16xi32>,
      %sub3A_383 = vector.broadcast %select_n3A_76 : i32 to vector<16xi32>
      %sub3A_384 = arith.subi %get3A_382, %sub3A_383 : vector<16xi32>
      %bitcast_convert_type3A_385 = tpu.bitcast %sub3A_384 : vector<16xi32> -> vector<16xi32>
      %lt3A_386 = arith.constant 40 : i32
      %lt3A_387 = vector.broadcast %lt3A_386 : i32 to vector<16xi32>
      %lt3A_388 = arith.cmpi ult, %bitcast_convert_type3A_385, %lt3A_387 : vector<16xi32>
      %get3A_389 = arith.index_cast %add3A_371 : i32 to index
      %get3A_390 = tpu.vector_load %arg7[%get3A_389] {strides = array<i32>} : memref<20480xf32, #tpu.memory_space<vmem>>, vector<16xf32>,
      tpu.vector_store_idx %arg8[%sub3A_384, %add3A_374], %get3A_390 masked %lt3A_388 : memref<40x1024xf32, #tpu.memory_space<vmem>>[vector<16xi32>, vector<16xi32>], vector<16xf32>, vector<16xi1>
      %add3A_391 = arith.constant 16 : i32
      %add3A_392 = arith.addi %add3A_371, %add3A_391 : i32
      %add3A_393 = arith.constant 16 : i32
      %add3A_394 = vector.broadcast %add3A_393 : i32 to vector<16xi32>
      %add3A_395 = arith.addi %add3A_374, %add3A_394 : vector<16xi32>
      %scan3A_396 = arith.constant 5 : i32
      %scan3A_397 = arith.addi %scan3A_293, %scan3A_396 : i32
      %mul3A_398 = arith.constant 1 : i32
      %mul3A_399 = arith.muli %scan3A_397, %mul3A_398 : i32
      %add3A_400 = arith.constant 0 : i32
      %add3A_401 = arith.addi %add3A_400, %mul3A_399 : i32
      %get3A_402 = arith.index_cast %add3A_392 : i32 to index
      %get3A_403 = tpu.vector_load %arg6[%get3A_402] {strides = array<i32>} : memref<20480xi32, #tpu.memory_space<vmem>>, vector<16xi32>,
      %sub3A_404 = vector.broadcast %select_n3A_76 : i32 to vector<16xi32>
      %sub3A_405 = arith.subi %get3A_403, %sub3A_404 : vector<16xi32>
      %bitcast_convert_type3A_406 = tpu.bitcast %sub3A_405 : vector<16xi32> -> vector<16xi32>
      %lt3A_407 = arith.constant 40 : i32
      %lt3A_408 = vector.broadcast %lt3A_407 : i32 to vector<16xi32>
      %lt3A_409 = arith.cmpi ult, %bitcast_convert_type3A_406, %lt3A_408 : vector<16xi32>
      %get3A_410 = arith.index_cast %add3A_392 : i32 to index
      %get3A_411 = tpu.vector_load %arg7[%get3A_410] {strides = array<i32>} : memref<20480xf32, #tpu.memory_space<vmem>>, vector<16xf32>,
      tpu.vector_store_idx %arg8[%sub3A_405, %add3A_395], %get3A_411 masked %lt3A_409 : memref<40x1024xf32, #tpu.memory_space<vmem>>[vector<16xi32>, vector<16xi32>], vector<16xf32>, vector<16xi1>
      %add3A_412 = arith.constant 16 : i32
      %add3A_413 = arith.addi %add3A_392, %add3A_412 : i32
      %add3A_414 = arith.constant 16 : i32
      %add3A_415 = vector.broadcast %add3A_414 : i32 to vector<16xi32>
      %add3A_416 = arith.addi %add3A_395, %add3A_415 : vector<16xi32>
      %scan3A_417 = arith.constant 6 : i32
      %scan3A_418 = arith.addi %scan3A_293, %scan3A_417 : i32
      %mul3A_419 = arith.constant 1 : i32
      %mul3A_420 = arith.muli %scan3A_418, %mul3A_419 : i32
      %add3A_421 = arith.constant 0 : i32
      %add3A_422 = arith.addi %add3A_421, %mul3A_420 : i32
      %get3A_423 = arith.index_cast %add3A_413 : i32 to index
      %get3A_424 = tpu.vector_load %arg6[%get3A_423] {strides = array<i32>} : memref<20480xi32, #tpu.memory_space<vmem>>, vector<16xi32>,
      %sub3A_425 = vector.broadcast %select_n3A_76 : i32 to vector<16xi32>
      %sub3A_426 = arith.subi %get3A_424, %sub3A_425 : vector<16xi32>
      %bitcast_convert_type3A_427 = tpu.bitcast %sub3A_426 : vector<16xi32> -> vector<16xi32>
      %lt3A_428 = arith.constant 40 : i32
      %lt3A_429 = vector.broadcast %lt3A_428 : i32 to vector<16xi32>
      %lt3A_430 = arith.cmpi ult, %bitcast_convert_type3A_427, %lt3A_429 : vector<16xi32>
      %get3A_431 = arith.index_cast %add3A_413 : i32 to index
      %get3A_432 = tpu.vector_load %arg7[%get3A_431] {strides = array<i32>} : memref<20480xf32, #tpu.memory_space<vmem>>, vector<16xf32>,
      tpu.vector_store_idx %arg8[%sub3A_426, %add3A_416], %get3A_432 masked %lt3A_430 : memref<40x1024xf32, #tpu.memory_space<vmem>>[vector<16xi32>, vector<16xi32>], vector<16xf32>, vector<16xi1>
      %add3A_433 = arith.constant 16 : i32
      %add3A_434 = arith.addi %add3A_413, %add3A_433 : i32
      %add3A_435 = arith.constant 16 : i32
      %add3A_436 = vector.broadcast %add3A_435 : i32 to vector<16xi32>
      %add3A_437 = arith.addi %add3A_416, %add3A_436 : vector<16xi32>
      %scan3A_438 = arith.constant 7 : i32
      %scan3A_439 = arith.addi %scan3A_293, %scan3A_438 : i32
      %mul3A_440 = arith.constant 1 : i32
      %mul3A_441 = arith.muli %scan3A_439, %mul3A_440 : i32
      %add3A_442 = arith.constant 0 : i32
      %add3A_443 = arith.addi %add3A_442, %mul3A_441 : i32
      %get3A_444 = arith.index_cast %add3A_434 : i32 to index
      %get3A_445 = tpu.vector_load %arg6[%get3A_444] {strides = array<i32>} : memref<20480xi32, #tpu.memory_space<vmem>>, vector<16xi32>,
      %sub3A_446 = vector.broadcast %select_n3A_76 : i32 to vector<16xi32>
      %sub3A_447 = arith.subi %get3A_445, %sub3A_446 : vector<16xi32>
      %bitcast_convert_type3A_448 = tpu.bitcast %sub3A_447 : vector<16xi32> -> vector<16xi32>
      %lt3A_449 = arith.constant 40 : i32
      %lt3A_450 = vector.broadcast %lt3A_449 : i32 to vector<16xi32>
      %lt3A_451 = arith.cmpi ult, %bitcast_convert_type3A_448, %lt3A_450 : vector<16xi32>
      %get3A_452 = arith.index_cast %add3A_434 : i32 to index
      %get3A_453 = tpu.vector_load %arg7[%get3A_452] {strides = array<i32>} : memref<20480xf32, #tpu.memory_space<vmem>>, vector<16xf32>,
      tpu.vector_store_idx %arg8[%sub3A_447, %add3A_437], %get3A_453 masked %lt3A_451 : memref<40x1024xf32, #tpu.memory_space<vmem>>[vector<16xi32>, vector<16xi32>], vector<16xf32>, vector<16xi1>
      %add3A_454 = arith.constant 16 : i32
      %add3A_455 = arith.addi %add3A_434, %add3A_454 : i32
      %add3A_456 = arith.constant 16 : i32
      %add3A_457 = vector.broadcast %add3A_456 : i32 to vector<16xi32>
      %add3A_458 = arith.addi %add3A_437, %add3A_457 : vector<16xi32>
      scf.yield %add3A_455, %add3A_458 : i32, vector<16xi32>
    }
    %scan3A_84 = arith.constant 64 : i32
    %dma_start3A = arith.constant 0 : i32
    %dma_start3A_85 = arith.constant 0 : i32
    %dma_start3A_86 = tpu.memref_slice %arg8[%dma_start3A, %dma_start3A_85] : memref<40x1024xf32, #tpu.memory_space<vmem>> -> memref<16x1024xf32, #tpu.memory_space<vmem>>
    %dma_start3A_87 = arith.constant 0 : i32
    %dma_start3A_88 = tpu.memref_slice %arg5[%select_n3A, %add3A_59, %dma_start3A_87] : memref<20x3000x1024xf32, #tpu.memory_space<hbm>> -> memref<1x16x1024xf32, #tpu.memory_space<hbm>>
    %dma_start3A_89 = tpu.memref_squeeze %dma_start3A_88 : memref<1x16x1024xf32, #tpu.memory_space<hbm>> -> memref<16x1024xf32, #tpu.memory_space<hbm>>
    %dma_start3A_90 = arith.constant 0 : i32
    %dma_start3A_91 = tpu.memref_slice %arg5[%select_n3A, %add3A_59, %dma_start3A_90] : memref<20x3000x1024xf32, #tpu.memory_space<hbm>> -> memref<1x16x1024xf32, #tpu.memory_space<hbm>>
    %dma_start3A_92 = tpu.memref_squeeze %dma_start3A_91 : memref<1x16x1024xf32, #tpu.memory_space<hbm>> -> memref<16x1024xf32, #tpu.memory_space<hbm>>
    %dma_start3A_93 = arith.constant 0 : i32
    %dma_start3A_94 = arith.constant 0 : i32
    %dma_start3A_95 = tpu.memref_slice %arg8[%dma_start3A_93, %dma_start3A_94] : memref<40x1024xf32, #tpu.memory_space<vmem>> -> memref<16x1024xf32, #tpu.memory_space<vmem>>
    tpu.enqueue_dma source(%dma_start3A_95 : memref<16x1024xf32, #tpu.memory_space<vmem>>) target(%dma_start3A_92 : memref<16x1024xf32, #tpu.memory_space<hbm>>) target_semaphore(%arg10 : memref<!tpu.dma_semaphore, #tpu.memory_space<semaphore_mem>>)
    %add3A_96 = arith.constant 16 : i32
    %add3A_97 = arith.addi %add3A_59, %add3A_96 : i32
    %dma_start3A_98 = arith.constant 16 : i32
    %dma_start3A_99 = arith.constant 0 : i32
    %dma_start3A_100 = tpu.memref_slice %arg8[%dma_start3A_98, %dma_start3A_99] : memref<40x1024xf32, #tpu.memory_space<vmem>> -> memref<24x1024xf32, #tpu.memory_space<vmem>>
    %dma_start3A_101 = arith.constant 0 : i32
    %dma_start3A_102 = tpu.memref_slice %arg5[%select_n3A, %add3A_97, %dma_start3A_101] : memref<20x3000x1024xf32, #tpu.memory_space<hbm>> -> memref<1x24x1024xf32, #tpu.memory_space<hbm>>
    %dma_start3A_103 = tpu.memref_squeeze %dma_start3A_102 : memref<1x24x1024xf32, #tpu.memory_space<hbm>> -> memref<24x1024xf32, #tpu.memory_space<hbm>>
    %dma_start3A_104 = arith.constant 0 : i32
    %dma_start3A_105 = tpu.memref_slice %arg5[%select_n3A, %add3A_97, %dma_start3A_104] : memref<20x3000x1024xf32, #tpu.memory_space<hbm>> -> memref<1x24x1024xf32, #tpu.memory_space<hbm>>
    %dma_start3A_106 = tpu.memref_squeeze %dma_start3A_105 : memref<1x24x1024xf32, #tpu.memory_space<hbm>> -> memref<24x1024xf32, #tpu.memory_space<hbm>>
    %dma_start3A_107 = arith.constant 16 : i32
    %dma_start3A_108 = arith.constant 0 : i32
    %dma_start3A_109 = tpu.memref_slice %arg8[%dma_start3A_107, %dma_start3A_108] : memref<40x1024xf32, #tpu.memory_space<vmem>> -> memref<24x1024xf32, #tpu.memory_space<vmem>>
    tpu.enqueue_dma source(%dma_start3A_109 : memref<24x1024xf32, #tpu.memory_space<vmem>>) target(%dma_start3A_106 : memref<24x1024xf32, #tpu.memory_space<hbm>>) target_semaphore(%arg10 : memref<!tpu.dma_semaphore, #tpu.memory_space<semaphore_mem>>)
    %add3A_110 = arith.constant 32 : i32
    %add3A_111 = arith.addi %add3A, %add3A_110 : i32
    %min3A_112 = arith.constant 1499 : i32
    %min3A_113 = arith.minsi %add3A_111, %min3A_112 : i32
    %jit3A_114 = arith.constant 75 : i32
    %div3A_115 = arith.divsi %min3A_113, %jit3A_114 : i32
    %sign3A_116 = arith.constant 0 : i32
    %sign3A_117 = arith.cmpi sgt, %min3A_113, %sign3A_116 : i32
    %sign3A_118 = arith.extui %sign3A_117 : i1 to i32
    %sign3A_119 = arith.constant 0 : i32
    %sign3A_120 = arith.cmpi slt, %min3A_113, %sign3A_119 : i32
    %sign3A_121 = arith.extui %sign3A_120 : i1 to i32
    %sign3A_122 = arith.subi %sign3A_118, %sign3A_121 : i32
    %sign3A_123 = arith.constant 0 : i32
    %sign3A_124 = arith.cmpi sgt, %jit3A_114, %sign3A_123 : i32
    %sign3A_125 = arith.extui %sign3A_124 : i1 to i32
    %sign3A_126 = arith.constant 0 : i32
    %sign3A_127 = arith.cmpi slt, %jit3A_114, %sign3A_126 : i32
    %sign3A_128 = arith.extui %sign3A_127 : i1 to i32
    %sign3A_129 = arith.subi %sign3A_125, %sign3A_128 : i32
    %ne3A_130 = arith.cmpi ne, %sign3A_122, %sign3A_129 : i32
    %rem3A_131 = arith.remsi %min3A_113, %jit3A_114 : i32
    %ne3A_132 = arith.constant 0 : i32
    %ne3A_133 = arith.cmpi ne, %rem3A_131, %ne3A_132 : i32
    %and3A_134 = arith.andi %ne3A_130, %ne3A_133 : i1
    %sub3A_135 = arith.constant 1 : i32
    %sub3A_136 = arith.subi %div3A_115, %sub3A_135 : i32
    %select_n3A_137 = arith.select %and3A_134, %sub3A_136, %div3A_115 : i32
    %mul3A_138 = arith.constant 75 : i32
    %mul3A_139 = arith.muli %select_n3A_137, %mul3A_138 : i32
    %sub3A_140 = arith.subi %min3A_113, %mul3A_139 : i32
    %jit3A_141 = arith.constant 25 : i32
    %div3A_142 = arith.divsi %sub3A_140, %jit3A_141 : i32
    %sign3A_143 = arith.constant 0 : i32
    %sign3A_144 = arith.cmpi sgt, %sub3A_140, %sign3A_143 : i32
    %sign3A_145 = arith.extui %sign3A_144 : i1 to i32
    %sign3A_146 = arith.constant 0 : i32
    %sign3A_147 = arith.cmpi slt, %sub3A_140, %sign3A_146 : i32
    %sign3A_148 = arith.extui %sign3A_147 : i1 to i32
    %sign3A_149 = arith.subi %sign3A_145, %sign3A_148 : i32
    %sign3A_150 = arith.constant 0 : i32
    %sign3A_151 = arith.cmpi sgt, %jit3A_141, %sign3A_150 : i32
    %sign3A_152 = arith.extui %sign3A_151 : i1 to i32
    %sign3A_153 = arith.constant 0 : i32
    %sign3A_154 = arith.cmpi slt, %jit3A_141, %sign3A_153 : i32
    %sign3A_155 = arith.extui %sign3A_154 : i1 to i32
    %sign3A_156 = arith.subi %sign3A_152, %sign3A_155 : i32
    %ne3A_157 = arith.cmpi ne, %sign3A_149, %sign3A_156 : i32
    %rem3A_158 = arith.remsi %sub3A_140, %jit3A_141 : i32
    %ne3A_159 = arith.constant 0 : i32
    %ne3A_160 = arith.cmpi ne, %rem3A_158, %ne3A_159 : i32
    %and3A_161 = arith.andi %ne3A_157, %ne3A_160 : i1
    %sub3A_162 = arith.constant 1 : i32
    %sub3A_163 = arith.subi %div3A_142, %sub3A_162 : i32
    %select_n3A_164 = arith.select %and3A_161, %sub3A_163, %div3A_142 : i32
    %mul3A_165 = arith.constant 25 : i32
    %mul3A_166 = arith.muli %select_n3A_164, %mul3A_165 : i32
    %sub3A_167 = arith.subi %sub3A_140, %mul3A_166 : i32
    %mul3A_168 = arith.constant 40 : i32
    %mul3A_169 = arith.muli %sub3A_167, %mul3A_168 : i32
    %mul3A_170 = arith.constant 1000 : i32
    %mul3A_171 = arith.muli %select_n3A_164, %mul3A_170 : i32
    %add3A_172 = arith.addi %mul3A_171, %mul3A_169 : i32
    %eq3A_173 = arith.constant 0 : i32
    %eq3A_174 = arith.cmpi eq, %select_n3A_164, %eq3A_173 : i32
    %add3A_175 = arith.constant 1 : i32
    %add3A_176 = arith.addi %select_n3A_137, %add3A_175 : i32
    %rem3A_177 = arith.constant 20 : i32
    %rem3A_178 = arith.remsi %add3A_176, %rem3A_177 : i32
    %eq3A_179 = arith.constant 1 : i32
    %eq3A_180 = arith.cmpi eq, %select_n3A_164, %eq3A_179 : i32
    %sub3A_181 = arith.constant 1 : i32
    %sub3A_182 = arith.subi %select_n3A_137, %sub3A_181 : i32
    %select_n3A_183 = arith.select %eq3A_180, %select_n3A_137, %sub3A_182 : i32
    %select_n3A_184 = arith.select %eq3A_174, %rem3A_178, %select_n3A_183 : i32
    %ne3A_185 = arith.constant 2 : i32
    %ne3A_186 = arith.cmpi ne, %select_n3A_164, %ne3A_185 : i32
    %gt3A_187 = arith.constant 0 : i32
    %gt3A_188 = arith.cmpi sgt, %select_n3A_137, %gt3A_187 : i32
    %or3A_189 = arith.ori %ne3A_186, %gt3A_188 : i1
    %max3A_190 = arith.constant 0 : i32
    %max3A_191 = arith.maxsi %select_n3A_184, %max3A_190 : i32
    %jit3A_192 = arith.constant -2000 : i32
    %select_n3A_193 = arith.select %or3A_189, %mul3A_169, %jit3A_192 : i32
    %mul3A_194 = arith.constant 1024 : i32
    %mul3A_195 = arith.muli %max3A_191, %mul3A_194 : i32
    %scan3A_196 = arith.constant 0 : i32
    %scan3A_197 = arith.constant 64 : i32
    %scan3A_198 = arith.addi %scan3A_196, %scan3A_197 : i32
    %scan3A_199 = arith.constant 8 : i32
    %scan3A_200:2 = scf.for %scan3A_293 = %scan3A_196 to %scan3A_198 step %scan3A_199 iter_args(%scan3A_294 = %mul3A_195, %scan3A_295 = %iota3A) -> (i32, vector<16xi32>)  : i32 {
      %mul3A_296 = arith.constant 1 : i32
      %mul3A_297 = arith.muli %scan3A_293, %mul3A_296 : i32
      %add3A_298 = arith.constant 0 : i32
      %add3A_299 = arith.addi %add3A_298, %mul3A_297 : i32
      %get3A = arith.index_cast %scan3A_294 : i32 to index
      %get3A_300 = tpu.vector_load %arg6[%get3A] {strides = array<i32>} : memref<20480xi32, #tpu.memory_space<vmem>>, vector<16xi32>,
      %sub3A_301 = vector.broadcast %select_n3A_193 : i32 to vector<16xi32>
      %sub3A_302 = arith.subi %get3A_300, %sub3A_301 : vector<16xi32>
      %bitcast_convert_type3A = tpu.bitcast %sub3A_302 : vector<16xi32> -> vector<16xi32>
      %lt3A = arith.constant 40 : i32
      %lt3A_303 = vector.broadcast %lt3A : i32 to vector<16xi32>
      %lt3A_304 = arith.cmpi ult, %bitcast_convert_type3A, %lt3A_303 : vector<16xi32>
      %get3A_305 = arith.index_cast %scan3A_294 : i32 to index
      %get3A_306 = tpu.vector_load %arg7[%get3A_305] {strides = array<i32>} : memref<20480xf32, #tpu.memory_space<vmem>>, vector<16xf32>,
      tpu.vector_store_idx %arg9[%sub3A_302, %scan3A_295], %get3A_306 masked %lt3A_304 : memref<40x1024xf32, #tpu.memory_space<vmem>>[vector<16xi32>, vector<16xi32>], vector<16xf32>, vector<16xi1>
      %add3A_307 = arith.constant 16 : i32
      %add3A_308 = arith.addi %scan3A_294, %add3A_307 : i32
      %add3A_309 = arith.constant 16 : i32
      %add3A_310 = vector.broadcast %add3A_309 : i32 to vector<16xi32>
      %add3A_311 = arith.addi %scan3A_295, %add3A_310 : vector<16xi32>
      %scan3A_312 = arith.constant 1 : i32
      %scan3A_313 = arith.addi %scan3A_293, %scan3A_312 : i32
      %mul3A_314 = arith.constant 1 : i32
      %mul3A_315 = arith.muli %scan3A_313, %mul3A_314 : i32
      %add3A_316 = arith.constant 0 : i32
      %add3A_317 = arith.addi %add3A_316, %mul3A_315 : i32
      %get3A_318 = arith.index_cast %add3A_308 : i32 to index
      %get3A_319 = tpu.vector_load %arg6[%get3A_318] {strides = array<i32>} : memref<20480xi32, #tpu.memory_space<vmem>>, vector<16xi32>,
      %sub3A_320 = vector.broadcast %select_n3A_193 : i32 to vector<16xi32>
      %sub3A_321 = arith.subi %get3A_319, %sub3A_320 : vector<16xi32>
      %bitcast_convert_type3A_322 = tpu.bitcast %sub3A_321 : vector<16xi32> -> vector<16xi32>
      %lt3A_323 = arith.constant 40 : i32
      %lt3A_324 = vector.broadcast %lt3A_323 : i32 to vector<16xi32>
      %lt3A_325 = arith.cmpi ult, %bitcast_convert_type3A_322, %lt3A_324 : vector<16xi32>
      %get3A_326 = arith.index_cast %add3A_308 : i32 to index
      %get3A_327 = tpu.vector_load %arg7[%get3A_326] {strides = array<i32>} : memref<20480xf32, #tpu.memory_space<vmem>>, vector<16xf32>,
      tpu.vector_store_idx %arg9[%sub3A_321, %add3A_311], %get3A_327 masked %lt3A_325 : memref<40x1024xf32, #tpu.memory_space<vmem>>[vector<16xi32>, vector<16xi32>], vector<16xf32>, vector<16xi1>
      %add3A_328 = arith.constant 16 : i32
      %add3A_329 = arith.addi %add3A_308, %add3A_328 : i32
      %add3A_330 = arith.constant 16 : i32
      %add3A_331 = vector.broadcast %add3A_330 : i32 to vector<16xi32>
      %add3A_332 = arith.addi %add3A_311, %add3A_331 : vector<16xi32>
      %scan3A_333 = arith.constant 2 : i32
      %scan3A_334 = arith.addi %scan3A_293, %scan3A_333 : i32
      %mul3A_335 = arith.constant 1 : i32
      %mul3A_336 = arith.muli %scan3A_334, %mul3A_335 : i32
      %add3A_337 = arith.constant 0 : i32
      %add3A_338 = arith.addi %add3A_337, %mul3A_336 : i32
      %get3A_339 = arith.index_cast %add3A_329 : i32 to index
      %get3A_340 = tpu.vector_load %arg6[%get3A_339] {strides = array<i32>} : memref<20480xi32, #tpu.memory_space<vmem>>, vector<16xi32>,
      %sub3A_341 = vector.broadcast %select_n3A_193 : i32 to vector<16xi32>
      %sub3A_342 = arith.subi %get3A_340, %sub3A_341 : vector<16xi32>
      %bitcast_convert_type3A_343 = tpu.bitcast %sub3A_342 : vector<16xi32> -> vector<16xi32>
      %lt3A_344 = arith.constant 40 : i32
      %lt3A_345 = vector.broadcast %lt3A_344 : i32 to vector<16xi32>
      %lt3A_346 = arith.cmpi ult, %bitcast_convert_type3A_343, %lt3A_345 : vector<16xi32>
      %get3A_347 = arith.index_cast %add3A_329 : i32 to index
      %get3A_348 = tpu.vector_load %arg7[%get3A_347] {strides = array<i32>} : memref<20480xf32, #tpu.memory_space<vmem>>, vector<16xf32>,
      tpu.vector_store_idx %arg9[%sub3A_342, %add3A_332], %get3A_348 masked %lt3A_346 : memref<40x1024xf32, #tpu.memory_space<vmem>>[vector<16xi32>, vector<16xi32>], vector<16xf32>, vector<16xi1>
      %add3A_349 = arith.constant 16 : i32
      %add3A_350 = arith.addi %add3A_329, %add3A_349 : i32
      %add3A_351 = arith.constant 16 : i32
      %add3A_352 = vector.broadcast %add3A_351 : i32 to vector<16xi32>
      %add3A_353 = arith.addi %add3A_332, %add3A_352 : vector<16xi32>
      %scan3A_354 = arith.constant 3 : i32
      %scan3A_355 = arith.addi %scan3A_293, %scan3A_354 : i32
      %mul3A_356 = arith.constant 1 : i32
      %mul3A_357 = arith.muli %scan3A_355, %mul3A_356 : i32
      %add3A_358 = arith.constant 0 : i32
      %add3A_359 = arith.addi %add3A_358, %mul3A_357 : i32
      %get3A_360 = arith.index_cast %add3A_350 : i32 to index
      %get3A_361 = tpu.vector_load %arg6[%get3A_360] {strides = array<i32>} : memref<20480xi32, #tpu.memory_space<vmem>>, vector<16xi32>,
      %sub3A_362 = vector.broadcast %select_n3A_193 : i32 to vector<16xi32>
      %sub3A_363 = arith.subi %get3A_361, %sub3A_362 : vector<16xi32>
      %bitcast_convert_type3A_364 = tpu.bitcast %sub3A_363 : vector<16xi32> -> vector<16xi32>
      %lt3A_365 = arith.constant 40 : i32
      %lt3A_366 = vector.broadcast %lt3A_365 : i32 to vector<16xi32>
      %lt3A_367 = arith.cmpi ult, %bitcast_convert_type3A_364, %lt3A_366 : vector<16xi32>
      %get3A_368 = arith.index_cast %add3A_350 : i32 to index
      %get3A_369 = tpu.vector_load %arg7[%get3A_368] {strides = array<i32>} : memref<20480xf32, #tpu.memory_space<vmem>>, vector<16xf32>,
      tpu.vector_store_idx %arg9[%sub3A_363, %add3A_353], %get3A_369 masked %lt3A_367 : memref<40x1024xf32, #tpu.memory_space<vmem>>[vector<16xi32>, vector<16xi32>], vector<16xf32>, vector<16xi1>
      %add3A_370 = arith.constant 16 : i32
      %add3A_371 = arith.addi %add3A_350, %add3A_370 : i32
      %add3A_372 = arith.constant 16 : i32
      %add3A_373 = vector.broadcast %add3A_372 : i32 to vector<16xi32>
      %add3A_374 = arith.addi %add3A_353, %add3A_373 : vector<16xi32>
      %scan3A_375 = arith.constant 4 : i32
      %scan3A_376 = arith.addi %scan3A_293, %scan3A_375 : i32
      %mul3A_377 = arith.constant 1 : i32
      %mul3A_378 = arith.muli %scan3A_376, %mul3A_377 : i32
      %add3A_379 = arith.constant 0 : i32
      %add3A_380 = arith.addi %add3A_379, %mul3A_378 : i32
      %get3A_381 = arith.index_cast %add3A_371 : i32 to index
      %get3A_382 = tpu.vector_load %arg6[%get3A_381] {strides = array<i32>} : memref<20480xi32, #tpu.memory_space<vmem>>, vector<16xi32>,
      %sub3A_383 = vector.broadcast %select_n3A_193 : i32 to vector<16xi32>
      %sub3A_384 = arith.subi %get3A_382, %sub3A_383 : vector<16xi32>
      %bitcast_convert_type3A_385 = tpu.bitcast %sub3A_384 : vector<16xi32> -> vector<16xi32>
      %lt3A_386 = arith.constant 40 : i32
      %lt3A_387 = vector.broadcast %lt3A_386 : i32 to vector<16xi32>
      %lt3A_388 = arith.cmpi ult, %bitcast_convert_type3A_385, %lt3A_387 : vector<16xi32>
      %get3A_389 = arith.index_cast %add3A_371 : i32 to index
      %get3A_390 = tpu.vector_load %arg7[%get3A_389] {strides = array<i32>} : memref<20480xf32, #tpu.memory_space<vmem>>, vector<16xf32>,
      tpu.vector_store_idx %arg9[%sub3A_384, %add3A_374], %get3A_390 masked %lt3A_388 : memref<40x1024xf32, #tpu.memory_space<vmem>>[vector<16xi32>, vector<16xi32>], vector<16xf32>, vector<16xi1>
      %add3A_391 = arith.constant 16 : i32
      %add3A_392 = arith.addi %add3A_371, %add3A_391 : i32
      %add3A_393 = arith.constant 16 : i32
      %add3A_394 = vector.broadcast %add3A_393 : i32 to vector<16xi32>
      %add3A_395 = arith.addi %add3A_374, %add3A_394 : vector<16xi32>
      %scan3A_396 = arith.constant 5 : i32
      %scan3A_397 = arith.addi %scan3A_293, %scan3A_396 : i32
      %mul3A_398 = arith.constant 1 : i32
      %mul3A_399 = arith.muli %scan3A_397, %mul3A_398 : i32
      %add3A_400 = arith.constant 0 : i32
      %add3A_401 = arith.addi %add3A_400, %mul3A_399 : i32
      %get3A_402 = arith.index_cast %add3A_392 : i32 to index
      %get3A_403 = tpu.vector_load %arg6[%get3A_402] {strides = array<i32>} : memref<20480xi32, #tpu.memory_space<vmem>>, vector<16xi32>,
      %sub3A_404 = vector.broadcast %select_n3A_193 : i32 to vector<16xi32>
      %sub3A_405 = arith.subi %get3A_403, %sub3A_404 : vector<16xi32>
      %bitcast_convert_type3A_406 = tpu.bitcast %sub3A_405 : vector<16xi32> -> vector<16xi32>
      %lt3A_407 = arith.constant 40 : i32
      %lt3A_408 = vector.broadcast %lt3A_407 : i32 to vector<16xi32>
      %lt3A_409 = arith.cmpi ult, %bitcast_convert_type3A_406, %lt3A_408 : vector<16xi32>
      %get3A_410 = arith.index_cast %add3A_392 : i32 to index
      %get3A_411 = tpu.vector_load %arg7[%get3A_410] {strides = array<i32>} : memref<20480xf32, #tpu.memory_space<vmem>>, vector<16xf32>,
      tpu.vector_store_idx %arg9[%sub3A_405, %add3A_395], %get3A_411 masked %lt3A_409 : memref<40x1024xf32, #tpu.memory_space<vmem>>[vector<16xi32>, vector<16xi32>], vector<16xf32>, vector<16xi1>
      %add3A_412 = arith.constant 16 : i32
      %add3A_413 = arith.addi %add3A_392, %add3A_412 : i32
      %add3A_414 = arith.constant 16 : i32
      %add3A_415 = vector.broadcast %add3A_414 : i32 to vector<16xi32>
      %add3A_416 = arith.addi %add3A_395, %add3A_415 : vector<16xi32>
      %scan3A_417 = arith.constant 6 : i32
      %scan3A_418 = arith.addi %scan3A_293, %scan3A_417 : i32
      %mul3A_419 = arith.constant 1 : i32
      %mul3A_420 = arith.muli %scan3A_418, %mul3A_419 : i32
      %add3A_421 = arith.constant 0 : i32
      %add3A_422 = arith.addi %add3A_421, %mul3A_420 : i32
      %get3A_423 = arith.index_cast %add3A_413 : i32 to index
      %get3A_424 = tpu.vector_load %arg6[%get3A_423] {strides = array<i32>} : memref<20480xi32, #tpu.memory_space<vmem>>, vector<16xi32>,
      %sub3A_425 = vector.broadcast %select_n3A_193 : i32 to vector<16xi32>
      %sub3A_426 = arith.subi %get3A_424, %sub3A_425 : vector<16xi32>
      %bitcast_convert_type3A_427 = tpu.bitcast %sub3A_426 : vector<16xi32> -> vector<16xi32>
      %lt3A_428 = arith.constant 40 : i32
      %lt3A_429 = vector.broadcast %lt3A_428 : i32 to vector<16xi32>
      %lt3A_430 = arith.cmpi ult, %bitcast_convert_type3A_427, %lt3A_429 : vector<16xi32>
      %get3A_431 = arith.index_cast %add3A_413 : i32 to index
      %get3A_432 = tpu.vector_load %arg7[%get3A_431] {strides = array<i32>} : memref<20480xf32, #tpu.memory_space<vmem>>, vector<16xf32>,
      tpu.vector_store_idx %arg9[%sub3A_426, %add3A_416], %get3A_432 masked %lt3A_430 : memref<40x1024xf32, #tpu.memory_space<vmem>>[vector<16xi32>, vector<16xi32>], vector<16xf32>, vector<16xi1>
      %add3A_433 = arith.constant 16 : i32
      %add3A_434 = arith.addi %add3A_413, %add3A_433 : i32
      %add3A_435 = arith.constant 16 : i32
      %add3A_436 = vector.broadcast %add3A_435 : i32 to vector<16xi32>
      %add3A_437 = arith.addi %add3A_416, %add3A_436 : vector<16xi32>
      %scan3A_438 = arith.constant 7 : i32
      %scan3A_439 = arith.addi %scan3A_293, %scan3A_438 : i32
      %mul3A_440 = arith.constant 1 : i32
      %mul3A_441 = arith.muli %scan3A_439, %mul3A_440 : i32
      %add3A_442 = arith.constant 0 : i32
      %add3A_443 = arith.addi %add3A_442, %mul3A_441 : i32
      %get3A_444 = arith.index_cast %add3A_434 : i32 to index
      %get3A_445 = tpu.vector_load %arg6[%get3A_444] {strides = array<i32>} : memref<20480xi32, #tpu.memory_space<vmem>>, vector<16xi32>,
      %sub3A_446 = vector.broadcast %select_n3A_193 : i32 to vector<16xi32>
      %sub3A_447 = arith.subi %get3A_445, %sub3A_446 : vector<16xi32>
      %bitcast_convert_type3A_448 = tpu.bitcast %sub3A_447 : vector<16xi32> -> vector<16xi32>
      %lt3A_449 = arith.constant 40 : i32
      %lt3A_450 = vector.broadcast %lt3A_449 : i32 to vector<16xi32>
      %lt3A_451 = arith.cmpi ult, %bitcast_convert_type3A_448, %lt3A_450 : vector<16xi32>
      %get3A_452 = arith.index_cast %add3A_434 : i32 to index
      %get3A_453 = tpu.vector_load %arg7[%get3A_452] {strides = array<i32>} : memref<20480xf32, #tpu.memory_space<vmem>>, vector<16xf32>,
      tpu.vector_store_idx %arg9[%sub3A_447, %add3A_437], %get3A_453 masked %lt3A_451 : memref<40x1024xf32, #tpu.memory_space<vmem>>[vector<16xi32>, vector<16xi32>], vector<16xf32>, vector<16xi1>
      %add3A_454 = arith.constant 16 : i32
      %add3A_455 = arith.addi %add3A_434, %add3A_454 : i32
      %add3A_456 = arith.constant 16 : i32
      %add3A_457 = vector.broadcast %add3A_456 : i32 to vector<16xi32>
      %add3A_458 = arith.addi %add3A_437, %add3A_457 : vector<16xi32>
      scf.yield %add3A_455, %add3A_458 : i32, vector<16xi32>
    }
    %scan3A_201 = arith.constant 64 : i32
    %dma_start3A_202 = arith.constant 0 : i32
    %dma_start3A_203 = arith.constant 0 : i32
    %dma_start3A_204 = tpu.memref_slice %arg9[%dma_start3A_202, %dma_start3A_203] : memref<40x1024xf32, #tpu.memory_space<vmem>> -> memref<16x1024xf32, #tpu.memory_space<vmem>>
    %dma_start3A_205 = arith.constant 0 : i32
    %dma_start3A_206 = tpu.memref_slice %arg5[%select_n3A_137, %add3A_172, %dma_start3A_205] : memref<20x3000x1024xf32, #tpu.memory_space<hbm>> -> memref<1x16x1024xf32, #tpu.memory_space<hbm>>
    %dma_start3A_207 = tpu.memref_squeeze %dma_start3A_206 : memref<1x16x1024xf32, #tpu.memory_space<hbm>> -> memref<16x1024xf32, #tpu.memory_space<hbm>>
    %dma_start3A_208 = arith.constant 0 : i32
    %dma_start3A_209 = tpu.memref_slice %arg5[%select_n3A_137, %add3A_172, %dma_start3A_208] : memref<20x3000x1024xf32, #tpu.memory_space<hbm>> -> memref<1x16x1024xf32, #tpu.memory_space<hbm>>
    %dma_start3A_210 = tpu.memref_squeeze %dma_start3A_209 : memref<1x16x1024xf32, #tpu.memory_space<hbm>> -> memref<16x1024xf32, #tpu.memory_space<hbm>>
    %dma_start3A_211 = arith.constant 0 : i32
    %dma_start3A_212 = arith.constant 0 : i32
    %dma_start3A_213 = tpu.memref_slice %arg9[%dma_start3A_211, %dma_start3A_212] : memref<40x1024xf32, #tpu.memory_space<vmem>> -> memref<16x1024xf32, #tpu.memory_space<vmem>>
    tpu.enqueue_dma source(%dma_start3A_213 : memref<16x1024xf32, #tpu.memory_space<vmem>>) target(%dma_start3A_210 : memref<16x1024xf32, #tpu.memory_space<hbm>>) target_semaphore(%arg11 : memref<!tpu.dma_semaphore, #tpu.memory_space<semaphore_mem>>)
    %add3A_214 = arith.constant 16 : i32
    %add3A_215 = arith.addi %add3A_172, %add3A_214 : i32
    %dma_start3A_216 = arith.constant 16 : i32
    %dma_start3A_217 = arith.constant 0 : i32
    %dma_start3A_218 = tpu.memref_slice %arg9[%dma_start3A_216, %dma_start3A_217] : memref<40x1024xf32, #tpu.memory_space<vmem>> -> memref<24x1024xf32, #tpu.memory_space<vmem>>
    %dma_start3A_219 = arith.constant 0 : i32
    %dma_start3A_220 = tpu.memref_slice %arg5[%select_n3A_137, %add3A_215, %dma_start3A_219] : memref<20x3000x1024xf32, #tpu.memory_space<hbm>> -> memref<1x24x1024xf32, #tpu.memory_space<hbm>>
    %dma_start3A_221 = tpu.memref_squeeze %dma_start3A_220 : memref<1x24x1024xf32, #tpu.memory_space<hbm>> -> memref<24x1024xf32, #tpu.memory_space<hbm>>
    %dma_start3A_222 = arith.constant 0 : i32
    %dma_start3A_223 = tpu.memref_slice %arg5[%select_n3A_137, %add3A_215, %dma_start3A_222] : memref<20x3000x1024xf32, #tpu.memory_space<hbm>> -> memref<1x24x1024xf32, #tpu.memory_space<hbm>>
    %dma_start3A_224 = tpu.memref_squeeze %dma_start3A_223 : memref<1x24x1024xf32, #tpu.memory_space<hbm>> -> memref<24x1024xf32, #tpu.memory_space<hbm>>
    %dma_start3A_225 = arith.constant 16 : i32
    %dma_start3A_226 = arith.constant 0 : i32
    %dma_start3A_227 = tpu.memref_slice %arg9[%dma_start3A_225, %dma_start3A_226] : memref<40x1024xf32, #tpu.memory_space<vmem>> -> memref<24x1024xf32, #tpu.memory_space<vmem>>
    tpu.enqueue_dma source(%dma_start3A_227 : memref<24x1024xf32, #tpu.memory_space<vmem>>) target(%dma_start3A_224 : memref<24x1024xf32, #tpu.memory_space<hbm>>) target_semaphore(%arg11 : memref<!tpu.dma_semaphore, #tpu.memory_space<semaphore_mem>>)
    %scan3A_228 = arith.constant 0 : i32
    %scan3A_229 = arith.constant 23 : i32
    %scan3A_230 = arith.addi %scan3A_228, %scan3A_229 : i32
    %scan3A_231 = arith.constant 1 : i32
    %scan3A_232:4 = scf.for %scan3A_293 = %scan3A_228 to %scan3A_230 step %scan3A_231 iter_args(%scan3A_294 = %max3A_74, %scan3A_295 = %select_n3A_76, %scan3A_296 = %max3A_191, %scan3A_297 = %select_n3A_193) -> (i32, i32, i32, i32)  : i32 {
      %mul3A_298 = arith.constant 2 : i32
      %mul3A_299 = arith.muli %scan3A_293, %mul3A_298 : i32
      %add3A_300 = arith.constant 2 : i32
      %add3A_301 = arith.addi %add3A_300, %mul3A_299 : i32
      %dma_wait3A_302 = arith.constant 0 : i32
      %dma_wait3A_303 = arith.constant 0 : i32
      %dma_wait3A_304 = arith.constant 0 : i32
      %dma_wait3A_305 = tpu.memref_slice %arg8[%dma_wait3A_303, %dma_wait3A_304] : memref<40x1024xf32, #tpu.memory_space<vmem>> -> memref<16x1024xf32, #tpu.memory_space<vmem>>
      %dma_wait3A_306 = arith.constant 0 : i32
      %dma_wait3A_307 = arith.constant 0 : i32
      %dma_wait3A_308 = tpu.memref_slice %arg5[%dma_wait3A_302, %dma_wait3A_306, %dma_wait3A_307] : memref<20x3000x1024xf32, #tpu.memory_space<hbm>> -> memref<1x16x1024xf32, #tpu.memory_space<hbm>>
      %dma_wait3A_309 = tpu.memref_squeeze %dma_wait3A_308 : memref<1x16x1024xf32, #tpu.memory_space<hbm>> -> memref<16x1024xf32, #tpu.memory_space<hbm>>
      %dma_wait3A_310 = arith.constant 0 : i32
      %dma_wait3A_311 = arith.constant 0 : i32
      %dma_wait3A_312 = tpu.memref_slice %arg5[%dma_wait3A_302, %dma_wait3A_310, %dma_wait3A_311] : memref<20x3000x1024xf32, #tpu.memory_space<hbm>> -> memref<1x16x1024xf32, #tpu.memory_space<hbm>>
      %dma_wait3A_313 = tpu.memref_squeeze %dma_wait3A_312 : memref<1x16x1024xf32, #tpu.memory_space<hbm>> -> memref<16x1024xf32, #tpu.memory_space<hbm>>
      %dma_wait3A_314 = arith.constant 0 : i32
      %dma_wait3A_315 = arith.constant 0 : i32
      %dma_wait3A_316 = tpu.memref_slice %arg8[%dma_wait3A_314, %dma_wait3A_315] : memref<40x1024xf32, #tpu.memory_space<vmem>> -> memref<16x1024xf32, #tpu.memory_space<vmem>>
      tpu.wait_dma2 semaphore(%arg10 : memref<!tpu.dma_semaphore, #tpu.memory_space<semaphore_mem>>) src(%dma_wait3A_316 : memref<16x1024xf32, #tpu.memory_space<vmem>>) dst(%dma_wait3A_313 : memref<16x1024xf32, #tpu.memory_space<hbm>>)
      %dma_wait3A_317 = arith.constant 0 : i32
      %dma_wait3A_318 = arith.constant 16 : i32
      %dma_wait3A_319 = arith.constant 0 : i32
      %dma_wait3A_320 = tpu.memref_slice %arg8[%dma_wait3A_318, %dma_wait3A_319] : memref<40x1024xf32, #tpu.memory_space<vmem>> -> memref<24x1024xf32, #tpu.memory_space<vmem>>
      %dma_wait3A_321 = arith.constant 0 : i32
      %dma_wait3A_322 = arith.constant 0 : i32
      %dma_wait3A_323 = tpu.memref_slice %arg5[%dma_wait3A_317, %dma_wait3A_321, %dma_wait3A_322] : memref<20x3000x1024xf32, #tpu.memory_space<hbm>> -> memref<1x24x1024xf32, #tpu.memory_space<hbm>>
      %dma_wait3A_324 = tpu.memref_squeeze %dma_wait3A_323 : memref<1x24x1024xf32, #tpu.memory_space<hbm>> -> memref<24x1024xf32, #tpu.memory_space<hbm>>
      %dma_wait3A_325 = arith.constant 0 : i32
      %dma_wait3A_326 = arith.constant 0 : i32
      %dma_wait3A_327 = tpu.memref_slice %arg5[%dma_wait3A_317, %dma_wait3A_325, %dma_wait3A_326] : memref<20x3000x1024xf32, #tpu.memory_space<hbm>> -> memref<1x24x1024xf32, #tpu.memory_space<hbm>>
      %dma_wait3A_328 = tpu.memref_squeeze %dma_wait3A_327 : memref<1x24x1024xf32, #tpu.memory_space<hbm>> -> memref<24x1024xf32, #tpu.memory_space<hbm>>
      %dma_wait3A_329 = arith.constant 16 : i32
      %dma_wait3A_330 = arith.constant 0 : i32
      %dma_wait3A_331 = tpu.memref_slice %arg8[%dma_wait3A_329, %dma_wait3A_330] : memref<40x1024xf32, #tpu.memory_space<vmem>> -> memref<24x1024xf32, #tpu.memory_space<vmem>>
      tpu.wait_dma2 semaphore(%arg10 : memref<!tpu.dma_semaphore, #tpu.memory_space<semaphore_mem>>) src(%dma_wait3A_331 : memref<24x1024xf32, #tpu.memory_space<vmem>>) dst(%dma_wait3A_328 : memref<24x1024xf32, #tpu.memory_space<hbm>>)
      %add3A_332 = arith.constant 0 : i32
      %add3A_333 = arith.addi %add3A_301, %add3A_332 : i32
      %mul3A_334 = arith.constant 32 : i32
      %mul3A_335 = arith.muli %mul3A_334, %add3A_333 : i32
      %add3A_336 = arith.addi %add3A, %mul3A_335 : i32
      %min3A_337 = arith.constant 1499 : i32
      %min3A_338 = arith.minsi %add3A_336, %min3A_337 : i32
      %jit3A_339 = arith.constant 75 : i32
      %div3A_340 = arith.divsi %min3A_338, %jit3A_339 : i32
      %sign3A_341 = arith.constant 0 : i32
      %sign3A_342 = arith.cmpi sgt, %min3A_338, %sign3A_341 : i32
      %sign3A_343 = arith.extui %sign3A_342 : i1 to i32
      %sign3A_344 = arith.constant 0 : i32
      %sign3A_345 = arith.cmpi slt, %min3A_338, %sign3A_344 : i32
      %sign3A_346 = arith.extui %sign3A_345 : i1 to i32
      %sign3A_347 = arith.subi %sign3A_343, %sign3A_346 : i32
      %sign3A_348 = arith.constant 0 : i32
      %sign3A_349 = arith.cmpi sgt, %jit3A_339, %sign3A_348 : i32
      %sign3A_350 = arith.extui %sign3A_349 : i1 to i32
      %sign3A_351 = arith.constant 0 : i32
      %sign3A_352 = arith.cmpi slt, %jit3A_339, %sign3A_351 : i32
      %sign3A_353 = arith.extui %sign3A_352 : i1 to i32
      %sign3A_354 = arith.subi %sign3A_350, %sign3A_353 : i32
      %ne3A_355 = arith.cmpi ne, %sign3A_347, %sign3A_354 : i32
      %rem3A_356 = arith.remsi %min3A_338, %jit3A_339 : i32
      %ne3A_357 = arith.constant 0 : i32
      %ne3A_358 = arith.cmpi ne, %rem3A_356, %ne3A_357 : i32
      %and3A_359 = arith.andi %ne3A_355, %ne3A_358 : i1
      %sub3A_360 = arith.constant 1 : i32
      %sub3A_361 = arith.subi %div3A_340, %sub3A_360 : i32
      %select_n3A_362 = arith.select %and3A_359, %sub3A_361, %div3A_340 : i32
      %mul3A_363 = arith.constant 75 : i32
      %mul3A_364 = arith.muli %select_n3A_362, %mul3A_363 : i32
      %sub3A_365 = arith.subi %min3A_338, %mul3A_364 : i32
      %jit3A_366 = arith.constant 25 : i32
      %div3A_367 = arith.divsi %sub3A_365, %jit3A_366 : i32
      %sign3A_368 = arith.constant 0 : i32
      %sign3A_369 = arith.cmpi sgt, %sub3A_365, %sign3A_368 : i32
      %sign3A_370 = arith.extui %sign3A_369 : i1 to i32
      %sign3A_371 = arith.constant 0 : i32
      %sign3A_372 = arith.cmpi slt, %sub3A_365, %sign3A_371 : i32
      %sign3A_373 = arith.extui %sign3A_372 : i1 to i32
      %sign3A_374 = arith.subi %sign3A_370, %sign3A_373 : i32
      %sign3A_375 = arith.constant 0 : i32
      %sign3A_376 = arith.cmpi sgt, %jit3A_366, %sign3A_375 : i32
      %sign3A_377 = arith.extui %sign3A_376 : i1 to i32
      %sign3A_378 = arith.constant 0 : i32
      %sign3A_379 = arith.cmpi slt, %jit3A_366, %sign3A_378 : i32
      %sign3A_380 = arith.extui %sign3A_379 : i1 to i32
      %sign3A_381 = arith.subi %sign3A_377, %sign3A_380 : i32
      %ne3A_382 = arith.cmpi ne, %sign3A_374, %sign3A_381 : i32
      %rem3A_383 = arith.remsi %sub3A_365, %jit3A_366 : i32
      %ne3A_384 = arith.constant 0 : i32
      %ne3A_385 = arith.cmpi ne, %rem3A_383, %ne3A_384 : i32
      %and3A_386 = arith.andi %ne3A_382, %ne3A_385 : i1
      %sub3A_387 = arith.constant 1 : i32
      %sub3A_388 = arith.subi %div3A_367, %sub3A_387 : i32
      %select_n3A_389 = arith.select %and3A_386, %sub3A_388, %div3A_367 : i32
      %mul3A_390 = arith.constant 25 : i32
      %mul3A_391 = arith.muli %select_n3A_389, %mul3A_390 : i32
      %sub3A_392 = arith.subi %sub3A_365, %mul3A_391 : i32
      %mul3A_393 = arith.constant 40 : i32
      %mul3A_394 = arith.muli %sub3A_392, %mul3A_393 : i32
      %mul3A_395 = arith.constant 1000 : i32
      %mul3A_396 = arith.muli %select_n3A_389, %mul3A_395 : i32
      %add3A_397 = arith.addi %mul3A_396, %mul3A_394 : i32
      %eq3A_398 = arith.constant 0 : i32
      %eq3A_399 = arith.cmpi eq, %select_n3A_389, %eq3A_398 : i32
      %add3A_400 = arith.constant 1 : i32
      %add3A_401 = arith.addi %select_n3A_362, %add3A_400 : i32
      %rem3A_402 = arith.constant 20 : i32
      %rem3A_403 = arith.remsi %add3A_401, %rem3A_402 : i32
      %eq3A_404 = arith.constant 1 : i32
      %eq3A_405 = arith.cmpi eq, %select_n3A_389, %eq3A_404 : i32
      %sub3A_406 = arith.constant 1 : i32
      %sub3A_407 = arith.subi %select_n3A_362, %sub3A_406 : i32
      %select_n3A_408 = arith.select %eq3A_405, %select_n3A_362, %sub3A_407 : i32
      %select_n3A_409 = arith.select %eq3A_399, %rem3A_403, %select_n3A_408 : i32
      %ne3A_410 = arith.constant 2 : i32
      %ne3A_411 = arith.cmpi ne, %select_n3A_389, %ne3A_410 : i32
      %gt3A_412 = arith.constant 0 : i32
      %gt3A_413 = arith.cmpi sgt, %select_n3A_362, %gt3A_412 : i32
      %or3A_414 = arith.ori %ne3A_411, %gt3A_413 : i1
      %max3A_415 = arith.constant 0 : i32
      %max3A_416 = arith.maxsi %select_n3A_409, %max3A_415 : i32
      %jit3A_417 = arith.constant -2000 : i32
      %select_n3A_418 = arith.select %or3A_414, %mul3A_394, %jit3A_417 : i32
      %mul3A_419 = arith.constant 1024 : i32
      %mul3A_420 = arith.muli %scan3A_294, %mul3A_419 : i32
      %mul3A_421 = arith.constant 1024 : i32
      %mul3A_422 = arith.muli %max3A_416, %mul3A_421 : i32
      %scan3A_423 = arith.constant 0 : i32
      %scan3A_424 = arith.constant 64 : i32
      %scan3A_425 = arith.addi %scan3A_423, %scan3A_424 : i32
      %scan3A_426 = arith.constant 8 : i32
      %scan3A_427:3 = scf.for %scan3A_608 = %scan3A_423 to %scan3A_425 step %scan3A_426 iter_args(%scan3A_609 = %mul3A_420, %scan3A_610 = %mul3A_422, %scan3A_611 = %iota3A) -> (i32, i32, vector<16xi32>)  : i32 {
        %mul3A_612 = arith.constant 1 : i32
        %mul3A_613 = arith.muli %scan3A_608, %mul3A_612 : i32
        %add3A_614 = arith.constant 0 : i32
        %add3A_615 = arith.addi %add3A_614, %mul3A_613 : i32
        %get3A = arith.index_cast %scan3A_609 : i32 to index
        %get3A_616 = tpu.vector_load %arg6[%get3A] {strides = array<i32>} : memref<20480xi32, #tpu.memory_space<vmem>>, vector<16xi32>,
        %sub3A_617 = vector.broadcast %scan3A_295 : i32 to vector<16xi32>
        %sub3A_618 = arith.subi %get3A_616, %sub3A_617 : vector<16xi32>
        %bitcast_convert_type3A = tpu.bitcast %sub3A_618 : vector<16xi32> -> vector<16xi32>
        %lt3A = arith.constant 40 : i32
        %lt3A_619 = vector.broadcast %lt3A : i32 to vector<16xi32>
        %lt3A_620 = arith.cmpi ult, %bitcast_convert_type3A, %lt3A_619 : vector<16xi32>
        tpu.vector_store_idx %arg8[%sub3A_618, %scan3A_611], %broadcast_in_dim3A_5 masked %lt3A_620 : memref<40x1024xf32, #tpu.memory_space<vmem>>[vector<16xi32>, vector<16xi32>], vector<16xf32>, vector<16xi1>
        %get3A_621 = arith.index_cast %scan3A_610 : i32 to index
        %get3A_622 = tpu.vector_load %arg6[%get3A_621] {strides = array<i32>} : memref<20480xi32, #tpu.memory_space<vmem>>, vector<16xi32>,
        %sub3A_623 = vector.broadcast %select_n3A_418 : i32 to vector<16xi32>
        %sub3A_624 = arith.subi %get3A_622, %sub3A_623 : vector<16xi32>
        %bitcast_convert_type3A_625 = tpu.bitcast %sub3A_624 : vector<16xi32> -> vector<16xi32>
        %lt3A_626 = arith.constant 40 : i32
        %lt3A_627 = vector.broadcast %lt3A_626 : i32 to vector<16xi32>
        %lt3A_628 = arith.cmpi ult, %bitcast_convert_type3A_625, %lt3A_627 : vector<16xi32>
        %get3A_629 = arith.index_cast %scan3A_610 : i32 to index
        %get3A_630 = tpu.vector_load %arg7[%get3A_629] {strides = array<i32>} : memref<20480xf32, #tpu.memory_space<vmem>>, vector<16xf32>,
        tpu.vector_store_idx %arg8[%sub3A_624, %scan3A_611], %get3A_630 masked %lt3A_628 : memref<40x1024xf32, #tpu.memory_space<vmem>>[vector<16xi32>, vector<16xi32>], vector<16xf32>, vector<16xi1>
        %add3A_631 = arith.constant 16 : i32
        %add3A_632 = arith.addi %scan3A_609, %add3A_631 : i32
        %add3A_633 = arith.constant 16 : i32
        %add3A_634 = arith.addi %scan3A_610, %add3A_633 : i32
        %add3A_635 = arith.constant 16 : i32
        %add3A_636 = vector.broadcast %add3A_635 : i32 to vector<16xi32>
        %add3A_637 = arith.addi %scan3A_611, %add3A_636 : vector<16xi32>
        %scan3A_638 = arith.constant 1 : i32
        %scan3A_639 = arith.addi %scan3A_608, %scan3A_638 : i32
        %mul3A_640 = arith.constant 1 : i32
        %mul3A_641 = arith.muli %scan3A_639, %mul3A_640 : i32
        %add3A_642 = arith.constant 0 : i32
        %add3A_643 = arith.addi %add3A_642, %mul3A_641 : i32
        %get3A_644 = arith.index_cast %add3A_632 : i32 to index
        %get3A_645 = tpu.vector_load %arg6[%get3A_644] {strides = array<i32>} : memref<20480xi32, #tpu.memory_space<vmem>>, vector<16xi32>,
        %sub3A_646 = vector.broadcast %scan3A_295 : i32 to vector<16xi32>
        %sub3A_647 = arith.subi %get3A_645, %sub3A_646 : vector<16xi32>
        %bitcast_convert_type3A_648 = tpu.bitcast %sub3A_647 : vector<16xi32> -> vector<16xi32>
        %lt3A_649 = arith.constant 40 : i32
        %lt3A_650 = vector.broadcast %lt3A_649 : i32 to vector<16xi32>
        %lt3A_651 = arith.cmpi ult, %bitcast_convert_type3A_648, %lt3A_650 : vector<16xi32>
        tpu.vector_store_idx %arg8[%sub3A_647, %add3A_637], %broadcast_in_dim3A_5 masked %lt3A_651 : memref<40x1024xf32, #tpu.memory_space<vmem>>[vector<16xi32>, vector<16xi32>], vector<16xf32>, vector<16xi1>
        %get3A_652 = arith.index_cast %add3A_634 : i32 to index
        %get3A_653 = tpu.vector_load %arg6[%get3A_652] {strides = array<i32>} : memref<20480xi32, #tpu.memory_space<vmem>>, vector<16xi32>,
        %sub3A_654 = vector.broadcast %select_n3A_418 : i32 to vector<16xi32>
        %sub3A_655 = arith.subi %get3A_653, %sub3A_654 : vector<16xi32>
        %bitcast_convert_type3A_656 = tpu.bitcast %sub3A_655 : vector<16xi32> -> vector<16xi32>
        %lt3A_657 = arith.constant 40 : i32
        %lt3A_658 = vector.broadcast %lt3A_657 : i32 to vector<16xi32>
        %lt3A_659 = arith.cmpi ult, %bitcast_convert_type3A_656, %lt3A_658 : vector<16xi32>
        %get3A_660 = arith.index_cast %add3A_634 : i32 to index
        %get3A_661 = tpu.vector_load %arg7[%get3A_660] {strides = array<i32>} : memref<20480xf32, #tpu.memory_space<vmem>>, vector<16xf32>,
        tpu.vector_store_idx %arg8[%sub3A_655, %add3A_637], %get3A_661 masked %lt3A_659 : memref<40x1024xf32, #tpu.memory_space<vmem>>[vector<16xi32>, vector<16xi32>], vector<16xf32>, vector<16xi1>
        %add3A_662 = arith.constant 16 : i32
        %add3A_663 = arith.addi %add3A_632, %add3A_662 : i32
        %add3A_664 = arith.constant 16 : i32
        %add3A_665 = arith.addi %add3A_634, %add3A_664 : i32
        %add3A_666 = arith.constant 16 : i32
        %add3A_667 = vector.broadcast %add3A_666 : i32 to vector<16xi32>
        %add3A_668 = arith.addi %add3A_637, %add3A_667 : vector<16xi32>
        %scan3A_669 = arith.constant 2 : i32
        %scan3A_670 = arith.addi %scan3A_608, %scan3A_669 : i32
        %mul3A_671 = arith.constant 1 : i32
        %mul3A_672 = arith.muli %scan3A_670, %mul3A_671 : i32
        %add3A_673 = arith.constant 0 : i32
        %add3A_674 = arith.addi %add3A_673, %mul3A_672 : i32
        %get3A_675 = arith.index_cast %add3A_663 : i32 to index
        %get3A_676 = tpu.vector_load %arg6[%get3A_675] {strides = array<i32>} : memref<20480xi32, #tpu.memory_space<vmem>>, vector<16xi32>,
        %sub3A_677 = vector.broadcast %scan3A_295 : i32 to vector<16xi32>
        %sub3A_678 = arith.subi %get3A_676, %sub3A_677 : vector<16xi32>
        %bitcast_convert_type3A_679 = tpu.bitcast %sub3A_678 : vector<16xi32> -> vector<16xi32>
        %lt3A_680 = arith.constant 40 : i32
        %lt3A_681 = vector.broadcast %lt3A_680 : i32 to vector<16xi32>
        %lt3A_682 = arith.cmpi ult, %bitcast_convert_type3A_679, %lt3A_681 : vector<16xi32>
        tpu.vector_store_idx %arg8[%sub3A_678, %add3A_668], %broadcast_in_dim3A_5 masked %lt3A_682 : memref<40x1024xf32, #tpu.memory_space<vmem>>[vector<16xi32>, vector<16xi32>], vector<16xf32>, vector<16xi1>
        %get3A_683 = arith.index_cast %add3A_665 : i32 to index
        %get3A_684 = tpu.vector_load %arg6[%get3A_683] {strides = array<i32>} : memref<20480xi32, #tpu.memory_space<vmem>>, vector<16xi32>,
        %sub3A_685 = vector.broadcast %select_n3A_418 : i32 to vector<16xi32>
        %sub3A_686 = arith.subi %get3A_684, %sub3A_685 : vector<16xi32>
        %bitcast_convert_type3A_687 = tpu.bitcast %sub3A_686 : vector<16xi32> -> vector<16xi32>
        %lt3A_688 = arith.constant 40 : i32
        %lt3A_689 = vector.broadcast %lt3A_688 : i32 to vector<16xi32>
        %lt3A_690 = arith.cmpi ult, %bitcast_convert_type3A_687, %lt3A_689 : vector<16xi32>
        %get3A_691 = arith.index_cast %add3A_665 : i32 to index
        %get3A_692 = tpu.vector_load %arg7[%get3A_691] {strides = array<i32>} : memref<20480xf32, #tpu.memory_space<vmem>>, vector<16xf32>,
        tpu.vector_store_idx %arg8[%sub3A_686, %add3A_668], %get3A_692 masked %lt3A_690 : memref<40x1024xf32, #tpu.memory_space<vmem>>[vector<16xi32>, vector<16xi32>], vector<16xf32>, vector<16xi1>
        %add3A_693 = arith.constant 16 : i32
        %add3A_694 = arith.addi %add3A_663, %add3A_693 : i32
        %add3A_695 = arith.constant 16 : i32
        %add3A_696 = arith.addi %add3A_665, %add3A_695 : i32
        %add3A_697 = arith.constant 16 : i32
        %add3A_698 = vector.broadcast %add3A_697 : i32 to vector<16xi32>
        %add3A_699 = arith.addi %add3A_668, %add3A_698 : vector<16xi32>
        %scan3A_700 = arith.constant 3 : i32
        %scan3A_701 = arith.addi %scan3A_608, %scan3A_700 : i32
        %mul3A_702 = arith.constant 1 : i32
        %mul3A_703 = arith.muli %scan3A_701, %mul3A_702 : i32
        %add3A_704 = arith.constant 0 : i32
        %add3A_705 = arith.addi %add3A_704, %mul3A_703 : i32
        %get3A_706 = arith.index_cast %add3A_694 : i32 to index
        %get3A_707 = tpu.vector_load %arg6[%get3A_706] {strides = array<i32>} : memref<20480xi32, #tpu.memory_space<vmem>>, vector<16xi32>,
        %sub3A_708 = vector.broadcast %scan3A_295 : i32 to vector<16xi32>
        %sub3A_709 = arith.subi %get3A_707, %sub3A_708 : vector<16xi32>
        %bitcast_convert_type3A_710 = tpu.bitcast %sub3A_709 : vector<16xi32> -> vector<16xi32>
        %lt3A_711 = arith.constant 40 : i32
        %lt3A_712 = vector.broadcast %lt3A_711 : i32 to vector<16xi32>
        %lt3A_713 = arith.cmpi ult, %bitcast_convert_type3A_710, %lt3A_712 : vector<16xi32>
        tpu.vector_store_idx %arg8[%sub3A_709, %add3A_699], %broadcast_in_dim3A_5 masked %lt3A_713 : memref<40x1024xf32, #tpu.memory_space<vmem>>[vector<16xi32>, vector<16xi32>], vector<16xf32>, vector<16xi1>
        %get3A_714 = arith.index_cast %add3A_696 : i32 to index
        %get3A_715 = tpu.vector_load %arg6[%get3A_714] {strides = array<i32>} : memref<20480xi32, #tpu.memory_space<vmem>>, vector<16xi32>,
        %sub3A_716 = vector.broadcast %select_n3A_418 : i32 to vector<16xi32>
        %sub3A_717 = arith.subi %get3A_715, %sub3A_716 : vector<16xi32>
        %bitcast_convert_type3A_718 = tpu.bitcast %sub3A_717 : vector<16xi32> -> vector<16xi32>
        %lt3A_719 = arith.constant 40 : i32
        %lt3A_720 = vector.broadcast %lt3A_719 : i32 to vector<16xi32>
        %lt3A_721 = arith.cmpi ult, %bitcast_convert_type3A_718, %lt3A_720 : vector<16xi32>
        %get3A_722 = arith.index_cast %add3A_696 : i32 to index
        %get3A_723 = tpu.vector_load %arg7[%get3A_722] {strides = array<i32>} : memref<20480xf32, #tpu.memory_space<vmem>>, vector<16xf32>,
        tpu.vector_store_idx %arg8[%sub3A_717, %add3A_699], %get3A_723 masked %lt3A_721 : memref<40x1024xf32, #tpu.memory_space<vmem>>[vector<16xi32>, vector<16xi32>], vector<16xf32>, vector<16xi1>
        %add3A_724 = arith.constant 16 : i32
        %add3A_725 = arith.addi %add3A_694, %add3A_724 : i32
        %add3A_726 = arith.constant 16 : i32
        %add3A_727 = arith.addi %add3A_696, %add3A_726 : i32
        %add3A_728 = arith.constant 16 : i32
        %add3A_729 = vector.broadcast %add3A_728 : i32 to vector<16xi32>
        %add3A_730 = arith.addi %add3A_699, %add3A_729 : vector<16xi32>
        %scan3A_731 = arith.constant 4 : i32
        %scan3A_732 = arith.addi %scan3A_608, %scan3A_731 : i32
        %mul3A_733 = arith.constant 1 : i32
        %mul3A_734 = arith.muli %scan3A_732, %mul3A_733 : i32
        %add3A_735 = arith.constant 0 : i32
        %add3A_736 = arith.addi %add3A_735, %mul3A_734 : i32
        %get3A_737 = arith.index_cast %add3A_725 : i32 to index
        %get3A_738 = tpu.vector_load %arg6[%get3A_737] {strides = array<i32>} : memref<20480xi32, #tpu.memory_space<vmem>>, vector<16xi32>,
        %sub3A_739 = vector.broadcast %scan3A_295 : i32 to vector<16xi32>
        %sub3A_740 = arith.subi %get3A_738, %sub3A_739 : vector<16xi32>
        %bitcast_convert_type3A_741 = tpu.bitcast %sub3A_740 : vector<16xi32> -> vector<16xi32>
        %lt3A_742 = arith.constant 40 : i32
        %lt3A_743 = vector.broadcast %lt3A_742 : i32 to vector<16xi32>
        %lt3A_744 = arith.cmpi ult, %bitcast_convert_type3A_741, %lt3A_743 : vector<16xi32>
        tpu.vector_store_idx %arg8[%sub3A_740, %add3A_730], %broadcast_in_dim3A_5 masked %lt3A_744 : memref<40x1024xf32, #tpu.memory_space<vmem>>[vector<16xi32>, vector<16xi32>], vector<16xf32>, vector<16xi1>
        %get3A_745 = arith.index_cast %add3A_727 : i32 to index
        %get3A_746 = tpu.vector_load %arg6[%get3A_745] {strides = array<i32>} : memref<20480xi32, #tpu.memory_space<vmem>>, vector<16xi32>,
        %sub3A_747 = vector.broadcast %select_n3A_418 : i32 to vector<16xi32>
        %sub3A_748 = arith.subi %get3A_746, %sub3A_747 : vector<16xi32>
        %bitcast_convert_type3A_749 = tpu.bitcast %sub3A_748 : vector<16xi32> -> vector<16xi32>
        %lt3A_750 = arith.constant 40 : i32
        %lt3A_751 = vector.broadcast %lt3A_750 : i32 to vector<16xi32>
        %lt3A_752 = arith.cmpi ult, %bitcast_convert_type3A_749, %lt3A_751 : vector<16xi32>
        %get3A_753 = arith.index_cast %add3A_727 : i32 to index
        %get3A_754 = tpu.vector_load %arg7[%get3A_753] {strides = array<i32>} : memref<20480xf32, #tpu.memory_space<vmem>>, vector<16xf32>,
        tpu.vector_store_idx %arg8[%sub3A_748, %add3A_730], %get3A_754 masked %lt3A_752 : memref<40x1024xf32, #tpu.memory_space<vmem>>[vector<16xi32>, vector<16xi32>], vector<16xf32>, vector<16xi1>
        %add3A_755 = arith.constant 16 : i32
        %add3A_756 = arith.addi %add3A_725, %add3A_755 : i32
        %add3A_757 = arith.constant 16 : i32
        %add3A_758 = arith.addi %add3A_727, %add3A_757 : i32
        %add3A_759 = arith.constant 16 : i32
        %add3A_760 = vector.broadcast %add3A_759 : i32 to vector<16xi32>
        %add3A_761 = arith.addi %add3A_730, %add3A_760 : vector<16xi32>
        %scan3A_762 = arith.constant 5 : i32
        %scan3A_763 = arith.addi %scan3A_608, %scan3A_762 : i32
        %mul3A_764 = arith.constant 1 : i32
        %mul3A_765 = arith.muli %scan3A_763, %mul3A_764 : i32
        %add3A_766 = arith.constant 0 : i32
        %add3A_767 = arith.addi %add3A_766, %mul3A_765 : i32
        %get3A_768 = arith.index_cast %add3A_756 : i32 to index
        %get3A_769 = tpu.vector_load %arg6[%get3A_768] {strides = array<i32>} : memref<20480xi32, #tpu.memory_space<vmem>>, vector<16xi32>,
        %sub3A_770 = vector.broadcast %scan3A_295 : i32 to vector<16xi32>
        %sub3A_771 = arith.subi %get3A_769, %sub3A_770 : vector<16xi32>
        %bitcast_convert_type3A_772 = tpu.bitcast %sub3A_771 : vector<16xi32> -> vector<16xi32>
        %lt3A_773 = arith.constant 40 : i32
        %lt3A_774 = vector.broadcast %lt3A_773 : i32 to vector<16xi32>
        %lt3A_775 = arith.cmpi ult, %bitcast_convert_type3A_772, %lt3A_774 : vector<16xi32>
        tpu.vector_store_idx %arg8[%sub3A_771, %add3A_761], %broadcast_in_dim3A_5 masked %lt3A_775 : memref<40x1024xf32, #tpu.memory_space<vmem>>[vector<16xi32>, vector<16xi32>], vector<16xf32>, vector<16xi1>
        %get3A_776 = arith.index_cast %add3A_758 : i32 to index
        %get3A_777 = tpu.vector_load %arg6[%get3A_776] {strides = array<i32>} : memref<20480xi32, #tpu.memory_space<vmem>>, vector<16xi32>,
        %sub3A_778 = vector.broadcast %select_n3A_418 : i32 to vector<16xi32>
        %sub3A_779 = arith.subi %get3A_777, %sub3A_778 : vector<16xi32>
        %bitcast_convert_type3A_780 = tpu.bitcast %sub3A_779 : vector<16xi32> -> vector<16xi32>
        %lt3A_781 = arith.constant 40 : i32
        %lt3A_782 = vector.broadcast %lt3A_781 : i32 to vector<16xi32>
        %lt3A_783 = arith.cmpi ult, %bitcast_convert_type3A_780, %lt3A_782 : vector<16xi32>
        %get3A_784 = arith.index_cast %add3A_758 : i32 to index
        %get3A_785 = tpu.vector_load %arg7[%get3A_784] {strides = array<i32>} : memref<20480xf32, #tpu.memory_space<vmem>>, vector<16xf32>,
        tpu.vector_store_idx %arg8[%sub3A_779, %add3A_761], %get3A_785 masked %lt3A_783 : memref<40x1024xf32, #tpu.memory_space<vmem>>[vector<16xi32>, vector<16xi32>], vector<16xf32>, vector<16xi1>
        %add3A_786 = arith.constant 16 : i32
        %add3A_787 = arith.addi %add3A_756, %add3A_786 : i32
        %add3A_788 = arith.constant 16 : i32
        %add3A_789 = arith.addi %add3A_758, %add3A_788 : i32
        %add3A_790 = arith.constant 16 : i32
        %add3A_791 = vector.broadcast %add3A_790 : i32 to vector<16xi32>
        %add3A_792 = arith.addi %add3A_761, %add3A_791 : vector<16xi32>
        %scan3A_793 = arith.constant 6 : i32
        %scan3A_794 = arith.addi %scan3A_608, %scan3A_793 : i32
        %mul3A_795 = arith.constant 1 : i32
        %mul3A_796 = arith.muli %scan3A_794, %mul3A_795 : i32
        %add3A_797 = arith.constant 0 : i32
        %add3A_798 = arith.addi %add3A_797, %mul3A_796 : i32
        %get3A_799 = arith.index_cast %add3A_787 : i32 to index
        %get3A_800 = tpu.vector_load %arg6[%get3A_799] {strides = array<i32>} : memref<20480xi32, #tpu.memory_space<vmem>>, vector<16xi32>,
        %sub3A_801 = vector.broadcast %scan3A_295 : i32 to vector<16xi32>
        %sub3A_802 = arith.subi %get3A_800, %sub3A_801 : vector<16xi32>
        %bitcast_convert_type3A_803 = tpu.bitcast %sub3A_802 : vector<16xi32> -> vector<16xi32>
        %lt3A_804 = arith.constant 40 : i32
        %lt3A_805 = vector.broadcast %lt3A_804 : i32 to vector<16xi32>
        %lt3A_806 = arith.cmpi ult, %bitcast_convert_type3A_803, %lt3A_805 : vector<16xi32>
        tpu.vector_store_idx %arg8[%sub3A_802, %add3A_792], %broadcast_in_dim3A_5 masked %lt3A_806 : memref<40x1024xf32, #tpu.memory_space<vmem>>[vector<16xi32>, vector<16xi32>], vector<16xf32>, vector<16xi1>
        %get3A_807 = arith.index_cast %add3A_789 : i32 to index
        %get3A_808 = tpu.vector_load %arg6[%get3A_807] {strides = array<i32>} : memref<20480xi32, #tpu.memory_space<vmem>>, vector<16xi32>,
        %sub3A_809 = vector.broadcast %select_n3A_418 : i32 to vector<16xi32>
        %sub3A_810 = arith.subi %get3A_808, %sub3A_809 : vector<16xi32>
        %bitcast_convert_type3A_811 = tpu.bitcast %sub3A_810 : vector<16xi32> -> vector<16xi32>
        %lt3A_812 = arith.constant 40 : i32
        %lt3A_813 = vector.broadcast %lt3A_812 : i32 to vector<16xi32>
        %lt3A_814 = arith.cmpi ult, %bitcast_convert_type3A_811, %lt3A_813 : vector<16xi32>
        %get3A_815 = arith.index_cast %add3A_789 : i32 to index
        %get3A_816 = tpu.vector_load %arg7[%get3A_815] {strides = array<i32>} : memref<20480xf32, #tpu.memory_space<vmem>>, vector<16xf32>,
        tpu.vector_store_idx %arg8[%sub3A_810, %add3A_792], %get3A_816 masked %lt3A_814 : memref<40x1024xf32, #tpu.memory_space<vmem>>[vector<16xi32>, vector<16xi32>], vector<16xf32>, vector<16xi1>
        %add3A_817 = arith.constant 16 : i32
        %add3A_818 = arith.addi %add3A_787, %add3A_817 : i32
        %add3A_819 = arith.constant 16 : i32
        %add3A_820 = arith.addi %add3A_789, %add3A_819 : i32
        %add3A_821 = arith.constant 16 : i32
        %add3A_822 = vector.broadcast %add3A_821 : i32 to vector<16xi32>
        %add3A_823 = arith.addi %add3A_792, %add3A_822 : vector<16xi32>
        %scan3A_824 = arith.constant 7 : i32
        %scan3A_825 = arith.addi %scan3A_608, %scan3A_824 : i32
        %mul3A_826 = arith.constant 1 : i32
        %mul3A_827 = arith.muli %scan3A_825, %mul3A_826 : i32
        %add3A_828 = arith.constant 0 : i32
        %add3A_829 = arith.addi %add3A_828, %mul3A_827 : i32
        %get3A_830 = arith.index_cast %add3A_818 : i32 to index
        %get3A_831 = tpu.vector_load %arg6[%get3A_830] {strides = array<i32>} : memref<20480xi32, #tpu.memory_space<vmem>>, vector<16xi32>,
        %sub3A_832 = vector.broadcast %scan3A_295 : i32 to vector<16xi32>
        %sub3A_833 = arith.subi %get3A_831, %sub3A_832 : vector<16xi32>
        %bitcast_convert_type3A_834 = tpu.bitcast %sub3A_833 : vector<16xi32> -> vector<16xi32>
        %lt3A_835 = arith.constant 40 : i32
        %lt3A_836 = vector.broadcast %lt3A_835 : i32 to vector<16xi32>
        %lt3A_837 = arith.cmpi ult, %bitcast_convert_type3A_834, %lt3A_836 : vector<16xi32>
        tpu.vector_store_idx %arg8[%sub3A_833, %add3A_823], %broadcast_in_dim3A_5 masked %lt3A_837 : memref<40x1024xf32, #tpu.memory_space<vmem>>[vector<16xi32>, vector<16xi32>], vector<16xf32>, vector<16xi1>
        %get3A_838 = arith.index_cast %add3A_820 : i32 to index
        %get3A_839 = tpu.vector_load %arg6[%get3A_838] {strides = array<i32>} : memref<20480xi32, #tpu.memory_space<vmem>>, vector<16xi32>,
        %sub3A_840 = vector.broadcast %select_n3A_418 : i32 to vector<16xi32>
        %sub3A_841 = arith.subi %get3A_839, %sub3A_840 : vector<16xi32>
        %bitcast_convert_type3A_842 = tpu.bitcast %sub3A_841 : vector<16xi32> -> vector<16xi32>
        %lt3A_843 = arith.constant 40 : i32
        %lt3A_844 = vector.broadcast %lt3A_843 : i32 to vector<16xi32>
        %lt3A_845 = arith.cmpi ult, %bitcast_convert_type3A_842, %lt3A_844 : vector<16xi32>
        %get3A_846 = arith.index_cast %add3A_820 : i32 to index
        %get3A_847 = tpu.vector_load %arg7[%get3A_846] {strides = array<i32>} : memref<20480xf32, #tpu.memory_space<vmem>>, vector<16xf32>,
        tpu.vector_store_idx %arg8[%sub3A_841, %add3A_823], %get3A_847 masked %lt3A_845 : memref<40x1024xf32, #tpu.memory_space<vmem>>[vector<16xi32>, vector<16xi32>], vector<16xf32>, vector<16xi1>
        %add3A_848 = arith.constant 16 : i32
        %add3A_849 = arith.addi %add3A_818, %add3A_848 : i32
        %add3A_850 = arith.constant 16 : i32
        %add3A_851 = arith.addi %add3A_820, %add3A_850 : i32
        %add3A_852 = arith.constant 16 : i32
        %add3A_853 = vector.broadcast %add3A_852 : i32 to vector<16xi32>
        %add3A_854 = arith.addi %add3A_823, %add3A_853 : vector<16xi32>
        scf.yield %add3A_849, %add3A_851, %add3A_854 : i32, i32, vector<16xi32>
      }
      %scan3A_428 = arith.constant 64 : i32
      %dma_start3A_429 = arith.constant 0 : i32
      %dma_start3A_430 = arith.constant 0 : i32
      %dma_start3A_431 = tpu.memref_slice %arg8[%dma_start3A_429, %dma_start3A_430] : memref<40x1024xf32, #tpu.memory_space<vmem>> -> memref<16x1024xf32, #tpu.memory_space<vmem>>
      %dma_start3A_432 = arith.constant 0 : i32
      %dma_start3A_433 = tpu.memref_slice %arg5[%select_n3A_362, %add3A_397, %dma_start3A_432] : memref<20x3000x1024xf32, #tpu.memory_space<hbm>> -> memref<1x16x1024xf32, #tpu.memory_space<hbm>>
      %dma_start3A_434 = tpu.memref_squeeze %dma_start3A_433 : memref<1x16x1024xf32, #tpu.memory_space<hbm>> -> memref<16x1024xf32, #tpu.memory_space<hbm>>
      %dma_start3A_435 = arith.constant 0 : i32
      %dma_start3A_436 = tpu.memref_slice %arg5[%select_n3A_362, %add3A_397, %dma_start3A_435] : memref<20x3000x1024xf32, #tpu.memory_space<hbm>> -> memref<1x16x1024xf32, #tpu.memory_space<hbm>>
      %dma_start3A_437 = tpu.memref_squeeze %dma_start3A_436 : memref<1x16x1024xf32, #tpu.memory_space<hbm>> -> memref<16x1024xf32, #tpu.memory_space<hbm>>
      %dma_start3A_438 = arith.constant 0 : i32
      %dma_start3A_439 = arith.constant 0 : i32
      %dma_start3A_440 = tpu.memref_slice %arg8[%dma_start3A_438, %dma_start3A_439] : memref<40x1024xf32, #tpu.memory_space<vmem>> -> memref<16x1024xf32, #tpu.memory_space<vmem>>
      tpu.enqueue_dma source(%dma_start3A_440 : memref<16x1024xf32, #tpu.memory_space<vmem>>) target(%dma_start3A_437 : memref<16x1024xf32, #tpu.memory_space<hbm>>) target_semaphore(%arg10 : memref<!tpu.dma_semaphore, #tpu.memory_space<semaphore_mem>>)
      %add3A_441 = arith.constant 16 : i32
      %add3A_442 = arith.addi %add3A_397, %add3A_441 : i32
      %dma_start3A_443 = arith.constant 16 : i32
      %dma_start3A_444 = arith.constant 0 : i32
      %dma_start3A_445 = tpu.memref_slice %arg8[%dma_start3A_443, %dma_start3A_444] : memref<40x1024xf32, #tpu.memory_space<vmem>> -> memref<24x1024xf32, #tpu.memory_space<vmem>>
      %dma_start3A_446 = arith.constant 0 : i32
      %dma_start3A_447 = tpu.memref_slice %arg5[%select_n3A_362, %add3A_442, %dma_start3A_446] : memref<20x3000x1024xf32, #tpu.memory_space<hbm>> -> memref<1x24x1024xf32, #tpu.memory_space<hbm>>
      %dma_start3A_448 = tpu.memref_squeeze %dma_start3A_447 : memref<1x24x1024xf32, #tpu.memory_space<hbm>> -> memref<24x1024xf32, #tpu.memory_space<hbm>>
      %dma_start3A_449 = arith.constant 0 : i32
      %dma_start3A_450 = tpu.memref_slice %arg5[%select_n3A_362, %add3A_442, %dma_start3A_449] : memref<20x3000x1024xf32, #tpu.memory_space<hbm>> -> memref<1x24x1024xf32, #tpu.memory_space<hbm>>
      %dma_start3A_451 = tpu.memref_squeeze %dma_start3A_450 : memref<1x24x1024xf32, #tpu.memory_space<hbm>> -> memref<24x1024xf32, #tpu.memory_space<hbm>>
      %dma_start3A_452 = arith.constant 16 : i32
      %dma_start3A_453 = arith.constant 0 : i32
      %dma_start3A_454 = tpu.memref_slice %arg8[%dma_start3A_452, %dma_start3A_453] : memref<40x1024xf32, #tpu.memory_space<vmem>> -> memref<24x1024xf32, #tpu.memory_space<vmem>>
      tpu.enqueue_dma source(%dma_start3A_454 : memref<24x1024xf32, #tpu.memory_space<vmem>>) target(%dma_start3A_451 : memref<24x1024xf32, #tpu.memory_space<hbm>>) target_semaphore(%arg10 : memref<!tpu.dma_semaphore, #tpu.memory_space<semaphore_mem>>)
      %dma_wait3A_455 = arith.constant 0 : i32
      %dma_wait3A_456 = arith.constant 0 : i32
      %dma_wait3A_457 = arith.constant 0 : i32
      %dma_wait3A_458 = tpu.memref_slice %arg9[%dma_wait3A_456, %dma_wait3A_457] : memref<40x1024xf32, #tpu.memory_space<vmem>> -> memref<16x1024xf32, #tpu.memory_space<vmem>>
      %dma_wait3A_459 = arith.constant 0 : i32
      %dma_wait3A_460 = arith.constant 0 : i32
      %dma_wait3A_461 = tpu.memref_slice %arg5[%dma_wait3A_455, %dma_wait3A_459, %dma_wait3A_460] : memref<20x3000x1024xf32, #tpu.memory_space<hbm>> -> memref<1x16x1024xf32, #tpu.memory_space<hbm>>
      %dma_wait3A_462 = tpu.memref_squeeze %dma_wait3A_461 : memref<1x16x1024xf32, #tpu.memory_space<hbm>> -> memref<16x1024xf32, #tpu.memory_space<hbm>>
      %dma_wait3A_463 = arith.constant 0 : i32
      %dma_wait3A_464 = arith.constant 0 : i32
      %dma_wait3A_465 = tpu.memref_slice %arg5[%dma_wait3A_455, %dma_wait3A_463, %dma_wait3A_464] : memref<20x3000x1024xf32, #tpu.memory_space<hbm>> -> memref<1x16x1024xf32, #tpu.memory_space<hbm>>
      %dma_wait3A_466 = tpu.memref_squeeze %dma_wait3A_465 : memref<1x16x1024xf32, #tpu.memory_space<hbm>> -> memref<16x1024xf32, #tpu.memory_space<hbm>>
      %dma_wait3A_467 = arith.constant 0 : i32
      %dma_wait3A_468 = arith.constant 0 : i32
      %dma_wait3A_469 = tpu.memref_slice %arg9[%dma_wait3A_467, %dma_wait3A_468] : memref<40x1024xf32, #tpu.memory_space<vmem>> -> memref<16x1024xf32, #tpu.memory_space<vmem>>
      tpu.wait_dma2 semaphore(%arg11 : memref<!tpu.dma_semaphore, #tpu.memory_space<semaphore_mem>>) src(%dma_wait3A_469 : memref<16x1024xf32, #tpu.memory_space<vmem>>) dst(%dma_wait3A_466 : memref<16x1024xf32, #tpu.memory_space<hbm>>)
      %dma_wait3A_470 = arith.constant 0 : i32
      %dma_wait3A_471 = arith.constant 16 : i32
      %dma_wait3A_472 = arith.constant 0 : i32
      %dma_wait3A_473 = tpu.memref_slice %arg9[%dma_wait3A_471, %dma_wait3A_472] : memref<40x1024xf32, #tpu.memory_space<vmem>> -> memref<24x1024xf32, #tpu.memory_space<vmem>>
      %dma_wait3A_474 = arith.constant 0 : i32
      %dma_wait3A_475 = arith.constant 0 : i32
      %dma_wait3A_476 = tpu.memref_slice %arg5[%dma_wait3A_470, %dma_wait3A_474, %dma_wait3A_475] : memref<20x3000x1024xf32, #tpu.memory_space<hbm>> -> memref<1x24x1024xf32, #tpu.memory_space<hbm>>
      %dma_wait3A_477 = tpu.memref_squeeze %dma_wait3A_476 : memref<1x24x1024xf32, #tpu.memory_space<hbm>> -> memref<24x1024xf32, #tpu.memory_space<hbm>>
      %dma_wait3A_478 = arith.constant 0 : i32
      %dma_wait3A_479 = arith.constant 0 : i32
      %dma_wait3A_480 = tpu.memref_slice %arg5[%dma_wait3A_470, %dma_wait3A_478, %dma_wait3A_479] : memref<20x3000x1024xf32, #tpu.memory_space<hbm>> -> memref<1x24x1024xf32, #tpu.memory_space<hbm>>
      %dma_wait3A_481 = tpu.memref_squeeze %dma_wait3A_480 : memref<1x24x1024xf32, #tpu.memory_space<hbm>> -> memref<24x1024xf32, #tpu.memory_space<hbm>>
      %dma_wait3A_482 = arith.constant 16 : i32
      %dma_wait3A_483 = arith.constant 0 : i32
      %dma_wait3A_484 = tpu.memref_slice %arg9[%dma_wait3A_482, %dma_wait3A_483] : memref<40x1024xf32, #tpu.memory_space<vmem>> -> memref<24x1024xf32, #tpu.memory_space<vmem>>
      tpu.wait_dma2 semaphore(%arg11 : memref<!tpu.dma_semaphore, #tpu.memory_space<semaphore_mem>>) src(%dma_wait3A_484 : memref<24x1024xf32, #tpu.memory_space<vmem>>) dst(%dma_wait3A_481 : memref<24x1024xf32, #tpu.memory_space<hbm>>)
      %add3A_485 = arith.constant 1 : i32
      %add3A_486 = arith.addi %add3A_301, %add3A_485 : i32
      %mul3A_487 = arith.constant 32 : i32
      %mul3A_488 = arith.muli %mul3A_487, %add3A_486 : i32
      %add3A_489 = arith.addi %add3A, %mul3A_488 : i32
      %min3A_490 = arith.constant 1499 : i32
      %min3A_491 = arith.minsi %add3A_489, %min3A_490 : i32
      %jit3A_492 = arith.constant 75 : i32
      %div3A_493 = arith.divsi %min3A_491, %jit3A_492 : i32
      %sign3A_494 = arith.constant 0 : i32
      %sign3A_495 = arith.cmpi sgt, %min3A_491, %sign3A_494 : i32
      %sign3A_496 = arith.extui %sign3A_495 : i1 to i32
      %sign3A_497 = arith.constant 0 : i32
      %sign3A_498 = arith.cmpi slt, %min3A_491, %sign3A_497 : i32
      %sign3A_499 = arith.extui %sign3A_498 : i1 to i32
      %sign3A_500 = arith.subi %sign3A_496, %sign3A_499 : i32
      %sign3A_501 = arith.constant 0 : i32
      %sign3A_502 = arith.cmpi sgt, %jit3A_492, %sign3A_501 : i32
      %sign3A_503 = arith.extui %sign3A_502 : i1 to i32
      %sign3A_504 = arith.constant 0 : i32
      %sign3A_505 = arith.cmpi slt, %jit3A_492, %sign3A_504 : i32
      %sign3A_506 = arith.extui %sign3A_505 : i1 to i32
      %sign3A_507 = arith.subi %sign3A_503, %sign3A_506 : i32
      %ne3A_508 = arith.cmpi ne, %sign3A_500, %sign3A_507 : i32
      %rem3A_509 = arith.remsi %min3A_491, %jit3A_492 : i32
      %ne3A_510 = arith.constant 0 : i32
      %ne3A_511 = arith.cmpi ne, %rem3A_509, %ne3A_510 : i32
      %and3A_512 = arith.andi %ne3A_508, %ne3A_511 : i1
      %sub3A_513 = arith.constant 1 : i32
      %sub3A_514 = arith.subi %div3A_493, %sub3A_513 : i32
      %select_n3A_515 = arith.select %and3A_512, %sub3A_514, %div3A_493 : i32
      %mul3A_516 = arith.constant 75 : i32
      %mul3A_517 = arith.muli %select_n3A_515, %mul3A_516 : i32
      %sub3A_518 = arith.subi %min3A_491, %mul3A_517 : i32
      %jit3A_519 = arith.constant 25 : i32
      %div3A_520 = arith.divsi %sub3A_518, %jit3A_519 : i32
      %sign3A_521 = arith.constant 0 : i32
      %sign3A_522 = arith.cmpi sgt, %sub3A_518, %sign3A_521 : i32
      %sign3A_523 = arith.extui %sign3A_522 : i1 to i32
      %sign3A_524 = arith.constant 0 : i32
      %sign3A_525 = arith.cmpi slt, %sub3A_518, %sign3A_524 : i32
      %sign3A_526 = arith.extui %sign3A_525 : i1 to i32
      %sign3A_527 = arith.subi %sign3A_523, %sign3A_526 : i32
      %sign3A_528 = arith.constant 0 : i32
      %sign3A_529 = arith.cmpi sgt, %jit3A_519, %sign3A_528 : i32
      %sign3A_530 = arith.extui %sign3A_529 : i1 to i32
      %sign3A_531 = arith.constant 0 : i32
      %sign3A_532 = arith.cmpi slt, %jit3A_519, %sign3A_531 : i32
      %sign3A_533 = arith.extui %sign3A_532 : i1 to i32
      %sign3A_534 = arith.subi %sign3A_530, %sign3A_533 : i32
      %ne3A_535 = arith.cmpi ne, %sign3A_527, %sign3A_534 : i32
      %rem3A_536 = arith.remsi %sub3A_518, %jit3A_519 : i32
      %ne3A_537 = arith.constant 0 : i32
      %ne3A_538 = arith.cmpi ne, %rem3A_536, %ne3A_537 : i32
      %and3A_539 = arith.andi %ne3A_535, %ne3A_538 : i1
      %sub3A_540 = arith.constant 1 : i32
      %sub3A_541 = arith.subi %div3A_520, %sub3A_540 : i32
      %select_n3A_542 = arith.select %and3A_539, %sub3A_541, %div3A_520 : i32
      %mul3A_543 = arith.constant 25 : i32
      %mul3A_544 = arith.muli %select_n3A_542, %mul3A_543 : i32
      %sub3A_545 = arith.subi %sub3A_518, %mul3A_544 : i32
      %mul3A_546 = arith.constant 40 : i32
      %mul3A_547 = arith.muli %sub3A_545, %mul3A_546 : i32
      %mul3A_548 = arith.constant 1000 : i32
      %mul3A_549 = arith.muli %select_n3A_542, %mul3A_548 : i32
      %add3A_550 = arith.addi %mul3A_549, %mul3A_547 : i32
      %eq3A_551 = arith.constant 0 : i32
      %eq3A_552 = arith.cmpi eq, %select_n3A_542, %eq3A_551 : i32
      %add3A_553 = arith.constant 1 : i32
      %add3A_554 = arith.addi %select_n3A_515, %add3A_553 : i32
      %rem3A_555 = arith.constant 20 : i32
      %rem3A_556 = arith.remsi %add3A_554, %rem3A_555 : i32
      %eq3A_557 = arith.constant 1 : i32
      %eq3A_558 = arith.cmpi eq, %select_n3A_542, %eq3A_557 : i32
      %sub3A_559 = arith.constant 1 : i32
      %sub3A_560 = arith.subi %select_n3A_515, %sub3A_559 : i32
      %select_n3A_561 = arith.select %eq3A_558, %select_n3A_515, %sub3A_560 : i32
      %select_n3A_562 = arith.select %eq3A_552, %rem3A_556, %select_n3A_561 : i32
      %ne3A_563 = arith.constant 2 : i32
      %ne3A_564 = arith.cmpi ne, %select_n3A_542, %ne3A_563 : i32
      %gt3A_565 = arith.constant 0 : i32
      %gt3A_566 = arith.cmpi sgt, %select_n3A_515, %gt3A_565 : i32
      %or3A_567 = arith.ori %ne3A_564, %gt3A_566 : i1
      %max3A_568 = arith.constant 0 : i32
      %max3A_569 = arith.maxsi %select_n3A_562, %max3A_568 : i32
      %jit3A_570 = arith.constant -2000 : i32
      %select_n3A_571 = arith.select %or3A_567, %mul3A_547, %jit3A_570 : i32
      %mul3A_572 = arith.constant 1024 : i32
      %mul3A_573 = arith.muli %scan3A_296, %mul3A_572 : i32
      %mul3A_574 = arith.constant 1024 : i32
      %mul3A_575 = arith.muli %max3A_569, %mul3A_574 : i32
      %scan3A_576 = arith.constant 0 : i32
      %scan3A_577 = arith.constant 64 : i32
      %scan3A_578 = arith.addi %scan3A_576, %scan3A_577 : i32
      %scan3A_579 = arith.constant 8 : i32
      %scan3A_580:3 = scf.for %scan3A_608 = %scan3A_576 to %scan3A_578 step %scan3A_579 iter_args(%scan3A_609 = %mul3A_573, %scan3A_610 = %mul3A_575, %scan3A_611 = %iota3A) -> (i32, i32, vector<16xi32>)  : i32 {
        %mul3A_612 = arith.constant 1 : i32
        %mul3A_613 = arith.muli %scan3A_608, %mul3A_612 : i32
        %add3A_614 = arith.constant 0 : i32
        %add3A_615 = arith.addi %add3A_614, %mul3A_613 : i32
        %get3A = arith.index_cast %scan3A_609 : i32 to index
        %get3A_616 = tpu.vector_load %arg6[%get3A] {strides = array<i32>} : memref<20480xi32, #tpu.memory_space<vmem>>, vector<16xi32>,
        %sub3A_617 = vector.broadcast %scan3A_297 : i32 to vector<16xi32>
        %sub3A_618 = arith.subi %get3A_616, %sub3A_617 : vector<16xi32>
        %bitcast_convert_type3A = tpu.bitcast %sub3A_618 : vector<16xi32> -> vector<16xi32>
        %lt3A = arith.constant 40 : i32
        %lt3A_619 = vector.broadcast %lt3A : i32 to vector<16xi32>
        %lt3A_620 = arith.cmpi ult, %bitcast_convert_type3A, %lt3A_619 : vector<16xi32>
        tpu.vector_store_idx %arg9[%sub3A_618, %scan3A_611], %broadcast_in_dim3A_5 masked %lt3A_620 : memref<40x1024xf32, #tpu.memory_space<vmem>>[vector<16xi32>, vector<16xi32>], vector<16xf32>, vector<16xi1>
        %get3A_621 = arith.index_cast %scan3A_610 : i32 to index
        %get3A_622 = tpu.vector_load %arg6[%get3A_621] {strides = array<i32>} : memref<20480xi32, #tpu.memory_space<vmem>>, vector<16xi32>,
        %sub3A_623 = vector.broadcast %select_n3A_571 : i32 to vector<16xi32>
        %sub3A_624 = arith.subi %get3A_622, %sub3A_623 : vector<16xi32>
        %bitcast_convert_type3A_625 = tpu.bitcast %sub3A_624 : vector<16xi32> -> vector<16xi32>
        %lt3A_626 = arith.constant 40 : i32
        %lt3A_627 = vector.broadcast %lt3A_626 : i32 to vector<16xi32>
        %lt3A_628 = arith.cmpi ult, %bitcast_convert_type3A_625, %lt3A_627 : vector<16xi32>
        %get3A_629 = arith.index_cast %scan3A_610 : i32 to index
        %get3A_630 = tpu.vector_load %arg7[%get3A_629] {strides = array<i32>} : memref<20480xf32, #tpu.memory_space<vmem>>, vector<16xf32>,
        tpu.vector_store_idx %arg9[%sub3A_624, %scan3A_611], %get3A_630 masked %lt3A_628 : memref<40x1024xf32, #tpu.memory_space<vmem>>[vector<16xi32>, vector<16xi32>], vector<16xf32>, vector<16xi1>
        %add3A_631 = arith.constant 16 : i32
        %add3A_632 = arith.addi %scan3A_609, %add3A_631 : i32
        %add3A_633 = arith.constant 16 : i32
        %add3A_634 = arith.addi %scan3A_610, %add3A_633 : i32
        %add3A_635 = arith.constant 16 : i32
        %add3A_636 = vector.broadcast %add3A_635 : i32 to vector<16xi32>
        %add3A_637 = arith.addi %scan3A_611, %add3A_636 : vector<16xi32>
        %scan3A_638 = arith.constant 1 : i32
        %scan3A_639 = arith.addi %scan3A_608, %scan3A_638 : i32
        %mul3A_640 = arith.constant 1 : i32
        %mul3A_641 = arith.muli %scan3A_639, %mul3A_640 : i32
        %add3A_642 = arith.constant 0 : i32
        %add3A_643 = arith.addi %add3A_642, %mul3A_641 : i32
        %get3A_644 = arith.index_cast %add3A_632 : i32 to index
        %get3A_645 = tpu.vector_load %arg6[%get3A_644] {strides = array<i32>} : memref<20480xi32, #tpu.memory_space<vmem>>, vector<16xi32>,
        %sub3A_646 = vector.broadcast %scan3A_297 : i32 to vector<16xi32>
        %sub3A_647 = arith.subi %get3A_645, %sub3A_646 : vector<16xi32>
        %bitcast_convert_type3A_648 = tpu.bitcast %sub3A_647 : vector<16xi32> -> vector<16xi32>
        %lt3A_649 = arith.constant 40 : i32
        %lt3A_650 = vector.broadcast %lt3A_649 : i32 to vector<16xi32>
        %lt3A_651 = arith.cmpi ult, %bitcast_convert_type3A_648, %lt3A_650 : vector<16xi32>
        tpu.vector_store_idx %arg9[%sub3A_647, %add3A_637], %broadcast_in_dim3A_5 masked %lt3A_651 : memref<40x1024xf32, #tpu.memory_space<vmem>>[vector<16xi32>, vector<16xi32>], vector<16xf32>, vector<16xi1>
        %get3A_652 = arith.index_cast %add3A_634 : i32 to index
        %get3A_653 = tpu.vector_load %arg6[%get3A_652] {strides = array<i32>} : memref<20480xi32, #tpu.memory_space<vmem>>, vector<16xi32>,
        %sub3A_654 = vector.broadcast %select_n3A_571 : i32 to vector<16xi32>
        %sub3A_655 = arith.subi %get3A_653, %sub3A_654 : vector<16xi32>
        %bitcast_convert_type3A_656 = tpu.bitcast %sub3A_655 : vector<16xi32> -> vector<16xi32>
        %lt3A_657 = arith.constant 40 : i32
        %lt3A_658 = vector.broadcast %lt3A_657 : i32 to vector<16xi32>
        %lt3A_659 = arith.cmpi ult, %bitcast_convert_type3A_656, %lt3A_658 : vector<16xi32>
        %get3A_660 = arith.index_cast %add3A_634 : i32 to index
        %get3A_661 = tpu.vector_load %arg7[%get3A_660] {strides = array<i32>} : memref<20480xf32, #tpu.memory_space<vmem>>, vector<16xf32>,
        tpu.vector_store_idx %arg9[%sub3A_655, %add3A_637], %get3A_661 masked %lt3A_659 : memref<40x1024xf32, #tpu.memory_space<vmem>>[vector<16xi32>, vector<16xi32>], vector<16xf32>, vector<16xi1>
        %add3A_662 = arith.constant 16 : i32
        %add3A_663 = arith.addi %add3A_632, %add3A_662 : i32
        %add3A_664 = arith.constant 16 : i32
        %add3A_665 = arith.addi %add3A_634, %add3A_664 : i32
        %add3A_666 = arith.constant 16 : i32
        %add3A_667 = vector.broadcast %add3A_666 : i32 to vector<16xi32>
        %add3A_668 = arith.addi %add3A_637, %add3A_667 : vector<16xi32>
        %scan3A_669 = arith.constant 2 : i32
        %scan3A_670 = arith.addi %scan3A_608, %scan3A_669 : i32
        %mul3A_671 = arith.constant 1 : i32
        %mul3A_672 = arith.muli %scan3A_670, %mul3A_671 : i32
        %add3A_673 = arith.constant 0 : i32
        %add3A_674 = arith.addi %add3A_673, %mul3A_672 : i32
        %get3A_675 = arith.index_cast %add3A_663 : i32 to index
        %get3A_676 = tpu.vector_load %arg6[%get3A_675] {strides = array<i32>} : memref<20480xi32, #tpu.memory_space<vmem>>, vector<16xi32>,
        %sub3A_677 = vector.broadcast %scan3A_297 : i32 to vector<16xi32>
        %sub3A_678 = arith.subi %get3A_676, %sub3A_677 : vector<16xi32>
        %bitcast_convert_type3A_679 = tpu.bitcast %sub3A_678 : vector<16xi32> -> vector<16xi32>
        %lt3A_680 = arith.constant 40 : i32
        %lt3A_681 = vector.broadcast %lt3A_680 : i32 to vector<16xi32>
        %lt3A_682 = arith.cmpi ult, %bitcast_convert_type3A_679, %lt3A_681 : vector<16xi32>
        tpu.vector_store_idx %arg9[%sub3A_678, %add3A_668], %broadcast_in_dim3A_5 masked %lt3A_682 : memref<40x1024xf32, #tpu.memory_space<vmem>>[vector<16xi32>, vector<16xi32>], vector<16xf32>, vector<16xi1>
        %get3A_683 = arith.index_cast %add3A_665 : i32 to index
        %get3A_684 = tpu.vector_load %arg6[%get3A_683] {strides = array<i32>} : memref<20480xi32, #tpu.memory_space<vmem>>, vector<16xi32>,
        %sub3A_685 = vector.broadcast %select_n3A_571 : i32 to vector<16xi32>
        %sub3A_686 = arith.subi %get3A_684, %sub3A_685 : vector<16xi32>
        %bitcast_convert_type3A_687 = tpu.bitcast %sub3A_686 : vector<16xi32> -> vector<16xi32>
        %lt3A_688 = arith.constant 40 : i32
        %lt3A_689 = vector.broadcast %lt3A_688 : i32 to vector<16xi32>
        %lt3A_690 = arith.cmpi ult, %bitcast_convert_type3A_687, %lt3A_689 : vector<16xi32>
        %get3A_691 = arith.index_cast %add3A_665 : i32 to index
        %get3A_692 = tpu.vector_load %arg7[%get3A_691] {strides = array<i32>} : memref<20480xf32, #tpu.memory_space<vmem>>, vector<16xf32>,
        tpu.vector_store_idx %arg9[%sub3A_686, %add3A_668], %get3A_692 masked %lt3A_690 : memref<40x1024xf32, #tpu.memory_space<vmem>>[vector<16xi32>, vector<16xi32>], vector<16xf32>, vector<16xi1>
        %add3A_693 = arith.constant 16 : i32
        %add3A_694 = arith.addi %add3A_663, %add3A_693 : i32
        %add3A_695 = arith.constant 16 : i32
        %add3A_696 = arith.addi %add3A_665, %add3A_695 : i32
        %add3A_697 = arith.constant 16 : i32
        %add3A_698 = vector.broadcast %add3A_697 : i32 to vector<16xi32>
        %add3A_699 = arith.addi %add3A_668, %add3A_698 : vector<16xi32>
        %scan3A_700 = arith.constant 3 : i32
        %scan3A_701 = arith.addi %scan3A_608, %scan3A_700 : i32
        %mul3A_702 = arith.constant 1 : i32
        %mul3A_703 = arith.muli %scan3A_701, %mul3A_702 : i32
        %add3A_704 = arith.constant 0 : i32
        %add3A_705 = arith.addi %add3A_704, %mul3A_703 : i32
        %get3A_706 = arith.index_cast %add3A_694 : i32 to index
        %get3A_707 = tpu.vector_load %arg6[%get3A_706] {strides = array<i32>} : memref<20480xi32, #tpu.memory_space<vmem>>, vector<16xi32>,
        %sub3A_708 = vector.broadcast %scan3A_297 : i32 to vector<16xi32>
        %sub3A_709 = arith.subi %get3A_707, %sub3A_708 : vector<16xi32>
        %bitcast_convert_type3A_710 = tpu.bitcast %sub3A_709 : vector<16xi32> -> vector<16xi32>
        %lt3A_711 = arith.constant 40 : i32
        %lt3A_712 = vector.broadcast %lt3A_711 : i32 to vector<16xi32>
        %lt3A_713 = arith.cmpi ult, %bitcast_convert_type3A_710, %lt3A_712 : vector<16xi32>
        tpu.vector_store_idx %arg9[%sub3A_709, %add3A_699], %broadcast_in_dim3A_5 masked %lt3A_713 : memref<40x1024xf32, #tpu.memory_space<vmem>>[vector<16xi32>, vector<16xi32>], vector<16xf32>, vector<16xi1>
        %get3A_714 = arith.index_cast %add3A_696 : i32 to index
        %get3A_715 = tpu.vector_load %arg6[%get3A_714] {strides = array<i32>} : memref<20480xi32, #tpu.memory_space<vmem>>, vector<16xi32>,
        %sub3A_716 = vector.broadcast %select_n3A_571 : i32 to vector<16xi32>
        %sub3A_717 = arith.subi %get3A_715, %sub3A_716 : vector<16xi32>
        %bitcast_convert_type3A_718 = tpu.bitcast %sub3A_717 : vector<16xi32> -> vector<16xi32>
        %lt3A_719 = arith.constant 40 : i32
        %lt3A_720 = vector.broadcast %lt3A_719 : i32 to vector<16xi32>
        %lt3A_721 = arith.cmpi ult, %bitcast_convert_type3A_718, %lt3A_720 : vector<16xi32>
        %get3A_722 = arith.index_cast %add3A_696 : i32 to index
        %get3A_723 = tpu.vector_load %arg7[%get3A_722] {strides = array<i32>} : memref<20480xf32, #tpu.memory_space<vmem>>, vector<16xf32>,
        tpu.vector_store_idx %arg9[%sub3A_717, %add3A_699], %get3A_723 masked %lt3A_721 : memref<40x1024xf32, #tpu.memory_space<vmem>>[vector<16xi32>, vector<16xi32>], vector<16xf32>, vector<16xi1>
        %add3A_724 = arith.constant 16 : i32
        %add3A_725 = arith.addi %add3A_694, %add3A_724 : i32
        %add3A_726 = arith.constant 16 : i32
        %add3A_727 = arith.addi %add3A_696, %add3A_726 : i32
        %add3A_728 = arith.constant 16 : i32
        %add3A_729 = vector.broadcast %add3A_728 : i32 to vector<16xi32>
        %add3A_730 = arith.addi %add3A_699, %add3A_729 : vector<16xi32>
        %scan3A_731 = arith.constant 4 : i32
        %scan3A_732 = arith.addi %scan3A_608, %scan3A_731 : i32
        %mul3A_733 = arith.constant 1 : i32
        %mul3A_734 = arith.muli %scan3A_732, %mul3A_733 : i32
        %add3A_735 = arith.constant 0 : i32
        %add3A_736 = arith.addi %add3A_735, %mul3A_734 : i32
        %get3A_737 = arith.index_cast %add3A_725 : i32 to index
        %get3A_738 = tpu.vector_load %arg6[%get3A_737] {strides = array<i32>} : memref<20480xi32, #tpu.memory_space<vmem>>, vector<16xi32>,
        %sub3A_739 = vector.broadcast %scan3A_297 : i32 to vector<16xi32>
        %sub3A_740 = arith.subi %get3A_738, %sub3A_739 : vector<16xi32>
        %bitcast_convert_type3A_741 = tpu.bitcast %sub3A_740 : vector<16xi32> -> vector<16xi32>
        %lt3A_742 = arith.constant 40 : i32
        %lt3A_743 = vector.broadcast %lt3A_742 : i32 to vector<16xi32>
        %lt3A_744 = arith.cmpi ult, %bitcast_convert_type3A_741, %lt3A_743 : vector<16xi32>
        tpu.vector_store_idx %arg9[%sub3A_740, %add3A_730], %broadcast_in_dim3A_5 masked %lt3A_744 : memref<40x1024xf32, #tpu.memory_space<vmem>>[vector<16xi32>, vector<16xi32>], vector<16xf32>, vector<16xi1>
        %get3A_745 = arith.index_cast %add3A_727 : i32 to index
        %get3A_746 = tpu.vector_load %arg6[%get3A_745] {strides = array<i32>} : memref<20480xi32, #tpu.memory_space<vmem>>, vector<16xi32>,
        %sub3A_747 = vector.broadcast %select_n3A_571 : i32 to vector<16xi32>
        %sub3A_748 = arith.subi %get3A_746, %sub3A_747 : vector<16xi32>
        %bitcast_convert_type3A_749 = tpu.bitcast %sub3A_748 : vector<16xi32> -> vector<16xi32>
        %lt3A_750 = arith.constant 40 : i32
        %lt3A_751 = vector.broadcast %lt3A_750 : i32 to vector<16xi32>
        %lt3A_752 = arith.cmpi ult, %bitcast_convert_type3A_749, %lt3A_751 : vector<16xi32>
        %get3A_753 = arith.index_cast %add3A_727 : i32 to index
        %get3A_754 = tpu.vector_load %arg7[%get3A_753] {strides = array<i32>} : memref<20480xf32, #tpu.memory_space<vmem>>, vector<16xf32>,
        tpu.vector_store_idx %arg9[%sub3A_748, %add3A_730], %get3A_754 masked %lt3A_752 : memref<40x1024xf32, #tpu.memory_space<vmem>>[vector<16xi32>, vector<16xi32>], vector<16xf32>, vector<16xi1>
        %add3A_755 = arith.constant 16 : i32
        %add3A_756 = arith.addi %add3A_725, %add3A_755 : i32
        %add3A_757 = arith.constant 16 : i32
        %add3A_758 = arith.addi %add3A_727, %add3A_757 : i32
        %add3A_759 = arith.constant 16 : i32
        %add3A_760 = vector.broadcast %add3A_759 : i32 to vector<16xi32>
        %add3A_761 = arith.addi %add3A_730, %add3A_760 : vector<16xi32>
        %scan3A_762 = arith.constant 5 : i32
        %scan3A_763 = arith.addi %scan3A_608, %scan3A_762 : i32
        %mul3A_764 = arith.constant 1 : i32
        %mul3A_765 = arith.muli %scan3A_763, %mul3A_764 : i32
        %add3A_766 = arith.constant 0 : i32
        %add3A_767 = arith.addi %add3A_766, %mul3A_765 : i32
        %get3A_768 = arith.index_cast %add3A_756 : i32 to index
        %get3A_769 = tpu.vector_load %arg6[%get3A_768] {strides = array<i32>} : memref<20480xi32, #tpu.memory_space<vmem>>, vector<16xi32>,
        %sub3A_770 = vector.broadcast %scan3A_297 : i32 to vector<16xi32>
        %sub3A_771 = arith.subi %get3A_769, %sub3A_770 : vector<16xi32>
        %bitcast_convert_type3A_772 = tpu.bitcast %sub3A_771 : vector<16xi32> -> vector<16xi32>
        %lt3A_773 = arith.constant 40 : i32
        %lt3A_774 = vector.broadcast %lt3A_773 : i32 to vector<16xi32>
        %lt3A_775 = arith.cmpi ult, %bitcast_convert_type3A_772, %lt3A_774 : vector<16xi32>
        tpu.vector_store_idx %arg9[%sub3A_771, %add3A_761], %broadcast_in_dim3A_5 masked %lt3A_775 : memref<40x1024xf32, #tpu.memory_space<vmem>>[vector<16xi32>, vector<16xi32>], vector<16xf32>, vector<16xi1>
        %get3A_776 = arith.index_cast %add3A_758 : i32 to index
        %get3A_777 = tpu.vector_load %arg6[%get3A_776] {strides = array<i32>} : memref<20480xi32, #tpu.memory_space<vmem>>, vector<16xi32>,
        %sub3A_778 = vector.broadcast %select_n3A_571 : i32 to vector<16xi32>
        %sub3A_779 = arith.subi %get3A_777, %sub3A_778 : vector<16xi32>
        %bitcast_convert_type3A_780 = tpu.bitcast %sub3A_779 : vector<16xi32> -> vector<16xi32>
        %lt3A_781 = arith.constant 40 : i32
        %lt3A_782 = vector.broadcast %lt3A_781 : i32 to vector<16xi32>
        %lt3A_783 = arith.cmpi ult, %bitcast_convert_type3A_780, %lt3A_782 : vector<16xi32>
        %get3A_784 = arith.index_cast %add3A_758 : i32 to index
        %get3A_785 = tpu.vector_load %arg7[%get3A_784] {strides = array<i32>} : memref<20480xf32, #tpu.memory_space<vmem>>, vector<16xf32>,
        tpu.vector_store_idx %arg9[%sub3A_779, %add3A_761], %get3A_785 masked %lt3A_783 : memref<40x1024xf32, #tpu.memory_space<vmem>>[vector<16xi32>, vector<16xi32>], vector<16xf32>, vector<16xi1>
        %add3A_786 = arith.constant 16 : i32
        %add3A_787 = arith.addi %add3A_756, %add3A_786 : i32
        %add3A_788 = arith.constant 16 : i32
        %add3A_789 = arith.addi %add3A_758, %add3A_788 : i32
        %add3A_790 = arith.constant 16 : i32
        %add3A_791 = vector.broadcast %add3A_790 : i32 to vector<16xi32>
        %add3A_792 = arith.addi %add3A_761, %add3A_791 : vector<16xi32>
        %scan3A_793 = arith.constant 6 : i32
        %scan3A_794 = arith.addi %scan3A_608, %scan3A_793 : i32
        %mul3A_795 = arith.constant 1 : i32
        %mul3A_796 = arith.muli %scan3A_794, %mul3A_795 : i32
        %add3A_797 = arith.constant 0 : i32
        %add3A_798 = arith.addi %add3A_797, %mul3A_796 : i32
        %get3A_799 = arith.index_cast %add3A_787 : i32 to index
        %get3A_800 = tpu.vector_load %arg6[%get3A_799] {strides = array<i32>} : memref<20480xi32, #tpu.memory_space<vmem>>, vector<16xi32>,
        %sub3A_801 = vector.broadcast %scan3A_297 : i32 to vector<16xi32>
        %sub3A_802 = arith.subi %get3A_800, %sub3A_801 : vector<16xi32>
        %bitcast_convert_type3A_803 = tpu.bitcast %sub3A_802 : vector<16xi32> -> vector<16xi32>
        %lt3A_804 = arith.constant 40 : i32
        %lt3A_805 = vector.broadcast %lt3A_804 : i32 to vector<16xi32>
        %lt3A_806 = arith.cmpi ult, %bitcast_convert_type3A_803, %lt3A_805 : vector<16xi32>
        tpu.vector_store_idx %arg9[%sub3A_802, %add3A_792], %broadcast_in_dim3A_5 masked %lt3A_806 : memref<40x1024xf32, #tpu.memory_space<vmem>>[vector<16xi32>, vector<16xi32>], vector<16xf32>, vector<16xi1>
        %get3A_807 = arith.index_cast %add3A_789 : i32 to index
        %get3A_808 = tpu.vector_load %arg6[%get3A_807] {strides = array<i32>} : memref<20480xi32, #tpu.memory_space<vmem>>, vector<16xi32>,
        %sub3A_809 = vector.broadcast %select_n3A_571 : i32 to vector<16xi32>
        %sub3A_810 = arith.subi %get3A_808, %sub3A_809 : vector<16xi32>
        %bitcast_convert_type3A_811 = tpu.bitcast %sub3A_810 : vector<16xi32> -> vector<16xi32>
        %lt3A_812 = arith.constant 40 : i32
        %lt3A_813 = vector.broadcast %lt3A_812 : i32 to vector<16xi32>
        %lt3A_814 = arith.cmpi ult, %bitcast_convert_type3A_811, %lt3A_813 : vector<16xi32>
        %get3A_815 = arith.index_cast %add3A_789 : i32 to index
        %get3A_816 = tpu.vector_load %arg7[%get3A_815] {strides = array<i32>} : memref<20480xf32, #tpu.memory_space<vmem>>, vector<16xf32>,
        tpu.vector_store_idx %arg9[%sub3A_810, %add3A_792], %get3A_816 masked %lt3A_814 : memref<40x1024xf32, #tpu.memory_space<vmem>>[vector<16xi32>, vector<16xi32>], vector<16xf32>, vector<16xi1>
        %add3A_817 = arith.constant 16 : i32
        %add3A_818 = arith.addi %add3A_787, %add3A_817 : i32
        %add3A_819 = arith.constant 16 : i32
        %add3A_820 = arith.addi %add3A_789, %add3A_819 : i32
        %add3A_821 = arith.constant 16 : i32
        %add3A_822 = vector.broadcast %add3A_821 : i32 to vector<16xi32>
        %add3A_823 = arith.addi %add3A_792, %add3A_822 : vector<16xi32>
        %scan3A_824 = arith.constant 7 : i32
        %scan3A_825 = arith.addi %scan3A_608, %scan3A_824 : i32
        %mul3A_826 = arith.constant 1 : i32
        %mul3A_827 = arith.muli %scan3A_825, %mul3A_826 : i32
        %add3A_828 = arith.constant 0 : i32
        %add3A_829 = arith.addi %add3A_828, %mul3A_827 : i32
        %get3A_830 = arith.index_cast %add3A_818 : i32 to index
        %get3A_831 = tpu.vector_load %arg6[%get3A_830] {strides = array<i32>} : memref<20480xi32, #tpu.memory_space<vmem>>, vector<16xi32>,
        %sub3A_832 = vector.broadcast %scan3A_297 : i32 to vector<16xi32>
        %sub3A_833 = arith.subi %get3A_831, %sub3A_832 : vector<16xi32>
        %bitcast_convert_type3A_834 = tpu.bitcast %sub3A_833 : vector<16xi32> -> vector<16xi32>
        %lt3A_835 = arith.constant 40 : i32
        %lt3A_836 = vector.broadcast %lt3A_835 : i32 to vector<16xi32>
        %lt3A_837 = arith.cmpi ult, %bitcast_convert_type3A_834, %lt3A_836 : vector<16xi32>
        tpu.vector_store_idx %arg9[%sub3A_833, %add3A_823], %broadcast_in_dim3A_5 masked %lt3A_837 : memref<40x1024xf32, #tpu.memory_space<vmem>>[vector<16xi32>, vector<16xi32>], vector<16xf32>, vector<16xi1>
        %get3A_838 = arith.index_cast %add3A_820 : i32 to index
        %get3A_839 = tpu.vector_load %arg6[%get3A_838] {strides = array<i32>} : memref<20480xi32, #tpu.memory_space<vmem>>, vector<16xi32>,
        %sub3A_840 = vector.broadcast %select_n3A_571 : i32 to vector<16xi32>
        %sub3A_841 = arith.subi %get3A_839, %sub3A_840 : vector<16xi32>
        %bitcast_convert_type3A_842 = tpu.bitcast %sub3A_841 : vector<16xi32> -> vector<16xi32>
        %lt3A_843 = arith.constant 40 : i32
        %lt3A_844 = vector.broadcast %lt3A_843 : i32 to vector<16xi32>
        %lt3A_845 = arith.cmpi ult, %bitcast_convert_type3A_842, %lt3A_844 : vector<16xi32>
        %get3A_846 = arith.index_cast %add3A_820 : i32 to index
        %get3A_847 = tpu.vector_load %arg7[%get3A_846] {strides = array<i32>} : memref<20480xf32, #tpu.memory_space<vmem>>, vector<16xf32>,
        tpu.vector_store_idx %arg9[%sub3A_841, %add3A_823], %get3A_847 masked %lt3A_845 : memref<40x1024xf32, #tpu.memory_space<vmem>>[vector<16xi32>, vector<16xi32>], vector<16xf32>, vector<16xi1>
        %add3A_848 = arith.constant 16 : i32
        %add3A_849 = arith.addi %add3A_818, %add3A_848 : i32
        %add3A_850 = arith.constant 16 : i32
        %add3A_851 = arith.addi %add3A_820, %add3A_850 : i32
        %add3A_852 = arith.constant 16 : i32
        %add3A_853 = vector.broadcast %add3A_852 : i32 to vector<16xi32>
        %add3A_854 = arith.addi %add3A_823, %add3A_853 : vector<16xi32>
        scf.yield %add3A_849, %add3A_851, %add3A_854 : i32, i32, vector<16xi32>
      }
      %scan3A_581 = arith.constant 64 : i32
      %dma_start3A_582 = arith.constant 0 : i32
      %dma_start3A_583 = arith.constant 0 : i32
      %dma_start3A_584 = tpu.memref_slice %arg9[%dma_start3A_582, %dma_start3A_583] : memref<40x1024xf32, #tpu.memory_space<vmem>> -> memref<16x1024xf32, #tpu.memory_space<vmem>>
      %dma_start3A_585 = arith.constant 0 : i32
      %dma_start3A_586 = tpu.memref_slice %arg5[%select_n3A_515, %add3A_550, %dma_start3A_585] : memref<20x3000x1024xf32, #tpu.memory_space<hbm>> -> memref<1x16x1024xf32, #tpu.memory_space<hbm>>
      %dma_start3A_587 = tpu.memref_squeeze %dma_start3A_586 : memref<1x16x1024xf32, #tpu.memory_space<hbm>> -> memref<16x1024xf32, #tpu.memory_space<hbm>>
      %dma_start3A_588 = arith.constant 0 : i32
      %dma_start3A_589 = tpu.memref_slice %arg5[%select_n3A_515, %add3A_550, %dma_start3A_588] : memref<20x3000x1024xf32, #tpu.memory_space<hbm>> -> memref<1x16x1024xf32, #tpu.memory_space<hbm>>
      %dma_start3A_590 = tpu.memref_squeeze %dma_start3A_589 : memref<1x16x1024xf32, #tpu.memory_space<hbm>> -> memref<16x1024xf32, #tpu.memory_space<hbm>>
      %dma_start3A_591 = arith.constant 0 : i32
      %dma_start3A_592 = arith.constant 0 : i32
      %dma_start3A_593 = tpu.memref_slice %arg9[%dma_start3A_591, %dma_start3A_592] : memref<40x1024xf32, #tpu.memory_space<vmem>> -> memref<16x1024xf32, #tpu.memory_space<vmem>>
      tpu.enqueue_dma source(%dma_start3A_593 : memref<16x1024xf32, #tpu.memory_space<vmem>>) target(%dma_start3A_590 : memref<16x1024xf32, #tpu.memory_space<hbm>>) target_semaphore(%arg11 : memref<!tpu.dma_semaphore, #tpu.memory_space<semaphore_mem>>)
      %add3A_594 = arith.constant 16 : i32
      %add3A_595 = arith.addi %add3A_550, %add3A_594 : i32
      %dma_start3A_596 = arith.constant 16 : i32
      %dma_start3A_597 = arith.constant 0 : i32
      %dma_start3A_598 = tpu.memref_slice %arg9[%dma_start3A_596, %dma_start3A_597] : memref<40x1024xf32, #tpu.memory_space<vmem>> -> memref<24x1024xf32, #tpu.memory_space<vmem>>
      %dma_start3A_599 = arith.constant 0 : i32
      %dma_start3A_600 = tpu.memref_slice %arg5[%select_n3A_515, %add3A_595, %dma_start3A_599] : memref<20x3000x1024xf32, #tpu.memory_space<hbm>> -> memref<1x24x1024xf32, #tpu.memory_space<hbm>>
      %dma_start3A_601 = tpu.memref_squeeze %dma_start3A_600 : memref<1x24x1024xf32, #tpu.memory_space<hbm>> -> memref<24x1024xf32, #tpu.memory_space<hbm>>
      %dma_start3A_602 = arith.constant 0 : i32
      %dma_start3A_603 = tpu.memref_slice %arg5[%select_n3A_515, %add3A_595, %dma_start3A_602] : memref<20x3000x1024xf32, #tpu.memory_space<hbm>> -> memref<1x24x1024xf32, #tpu.memory_space<hbm>>
      %dma_start3A_604 = tpu.memref_squeeze %dma_start3A_603 : memref<1x24x1024xf32, #tpu.memory_space<hbm>> -> memref<24x1024xf32, #tpu.memory_space<hbm>>
      %dma_start3A_605 = arith.constant 16 : i32
      %dma_start3A_606 = arith.constant 0 : i32
      %dma_start3A_607 = tpu.memref_slice %arg9[%dma_start3A_605, %dma_start3A_606] : memref<40x1024xf32, #tpu.memory_space<vmem>> -> memref<24x1024xf32, #tpu.memory_space<vmem>>
      tpu.enqueue_dma source(%dma_start3A_607 : memref<24x1024xf32, #tpu.memory_space<vmem>>) target(%dma_start3A_604 : memref<24x1024xf32, #tpu.memory_space<hbm>>) target_semaphore(%arg11 : memref<!tpu.dma_semaphore, #tpu.memory_space<semaphore_mem>>)
      scf.yield %max3A_416, %select_n3A_418, %max3A_569, %select_n3A_571 : i32, i32, i32, i32
    }
    %scan3A_233 = arith.constant 23 : i32
    %dma_wait3A = arith.constant 0 : i32
    %dma_wait3A_234 = arith.constant 0 : i32
    %dma_wait3A_235 = arith.constant 0 : i32
    %dma_wait3A_236 = tpu.memref_slice %arg8[%dma_wait3A_234, %dma_wait3A_235] : memref<40x1024xf32, #tpu.memory_space<vmem>> -> memref<16x1024xf32, #tpu.memory_space<vmem>>
    %dma_wait3A_237 = arith.constant 0 : i32
    %dma_wait3A_238 = arith.constant 0 : i32
    %dma_wait3A_239 = tpu.memref_slice %arg5[%dma_wait3A, %dma_wait3A_237, %dma_wait3A_238] : memref<20x3000x1024xf32, #tpu.memory_space<hbm>> -> memref<1x16x1024xf32, #tpu.memory_space<hbm>>
    %dma_wait3A_240 = tpu.memref_squeeze %dma_wait3A_239 : memref<1x16x1024xf32, #tpu.memory_space<hbm>> -> memref<16x1024xf32, #tpu.memory_space<hbm>>
    %dma_wait3A_241 = arith.constant 0 : i32
    %dma_wait3A_242 = arith.constant 0 : i32
    %dma_wait3A_243 = tpu.memref_slice %arg5[%dma_wait3A, %dma_wait3A_241, %dma_wait3A_242] : memref<20x3000x1024xf32, #tpu.memory_space<hbm>> -> memref<1x16x1024xf32, #tpu.memory_space<hbm>>
    %dma_wait3A_244 = tpu.memref_squeeze %dma_wait3A_243 : memref<1x16x1024xf32, #tpu.memory_space<hbm>> -> memref<16x1024xf32, #tpu.memory_space<hbm>>
    %dma_wait3A_245 = arith.constant 0 : i32
    %dma_wait3A_246 = arith.constant 0 : i32
    %dma_wait3A_247 = tpu.memref_slice %arg8[%dma_wait3A_245, %dma_wait3A_246] : memref<40x1024xf32, #tpu.memory_space<vmem>> -> memref<16x1024xf32, #tpu.memory_space<vmem>>
    tpu.wait_dma2 semaphore(%arg10 : memref<!tpu.dma_semaphore, #tpu.memory_space<semaphore_mem>>) src(%dma_wait3A_247 : memref<16x1024xf32, #tpu.memory_space<vmem>>) dst(%dma_wait3A_244 : memref<16x1024xf32, #tpu.memory_space<hbm>>)
    %dma_wait3A_248 = arith.constant 0 : i32
    %dma_wait3A_249 = arith.constant 16 : i32
    %dma_wait3A_250 = arith.constant 0 : i32
    %dma_wait3A_251 = tpu.memref_slice %arg8[%dma_wait3A_249, %dma_wait3A_250] : memref<40x1024xf32, #tpu.memory_space<vmem>> -> memref<24x1024xf32, #tpu.memory_space<vmem>>
    %dma_wait3A_252 = arith.constant 0 : i32
    %dma_wait3A_253 = arith.constant 0 : i32
    %dma_wait3A_254 = tpu.memref_slice %arg5[%dma_wait3A_248, %dma_wait3A_252, %dma_wait3A_253] : memref<20x3000x1024xf32, #tpu.memory_space<hbm>> -> memref<1x24x1024xf32, #tpu.memory_space<hbm>>
    %dma_wait3A_255 = tpu.memref_squeeze %dma_wait3A_254 : memref<1x24x1024xf32, #tpu.memory_space<hbm>> -> memref<24x1024xf32, #tpu.memory_space<hbm>>
    %dma_wait3A_256 = arith.constant 0 : i32
    %dma_wait3A_257 = arith.constant 0 : i32
    %dma_wait3A_258 = tpu.memref_slice %arg5[%dma_wait3A_248, %dma_wait3A_256, %dma_wait3A_257] : memref<20x3000x1024xf32, #tpu.memory_space<hbm>> -> memref<1x24x1024xf32, #tpu.memory_space<hbm>>
    %dma_wait3A_259 = tpu.memref_squeeze %dma_wait3A_258 : memref<1x24x1024xf32, #tpu.memory_space<hbm>> -> memref<24x1024xf32, #tpu.memory_space<hbm>>
    %dma_wait3A_260 = arith.constant 16 : i32
    %dma_wait3A_261 = arith.constant 0 : i32
    %dma_wait3A_262 = tpu.memref_slice %arg8[%dma_wait3A_260, %dma_wait3A_261] : memref<40x1024xf32, #tpu.memory_space<vmem>> -> memref<24x1024xf32, #tpu.memory_space<vmem>>
    tpu.wait_dma2 semaphore(%arg10 : memref<!tpu.dma_semaphore, #tpu.memory_space<semaphore_mem>>) src(%dma_wait3A_262 : memref<24x1024xf32, #tpu.memory_space<vmem>>) dst(%dma_wait3A_259 : memref<24x1024xf32, #tpu.memory_space<hbm>>)
    %dma_wait3A_263 = arith.constant 0 : i32
    %dma_wait3A_264 = arith.constant 0 : i32
    %dma_wait3A_265 = arith.constant 0 : i32
    %dma_wait3A_266 = tpu.memref_slice %arg9[%dma_wait3A_264, %dma_wait3A_265] : memref<40x1024xf32, #tpu.memory_space<vmem>> -> memref<16x1024xf32, #tpu.memory_space<vmem>>
    %dma_wait3A_267 = arith.constant 0 : i32
    %dma_wait3A_268 = arith.constant 0 : i32
    %dma_wait3A_269 = tpu.memref_slice %arg5[%dma_wait3A_263, %dma_wait3A_267, %dma_wait3A_268] : memref<20x3000x1024xf32, #tpu.memory_space<hbm>> -> memref<1x16x1024xf32, #tpu.memory_space<hbm>>
    %dma_wait3A_270 = tpu.memref_squeeze %dma_wait3A_269 : memref<1x16x1024xf32, #tpu.memory_space<hbm>> -> memref<16x1024xf32, #tpu.memory_space<hbm>>
    %dma_wait3A_271 = arith.constant 0 : i32
    %dma_wait3A_272 = arith.constant 0 : i32
    %dma_wait3A_273 = tpu.memref_slice %arg5[%dma_wait3A_263, %dma_wait3A_271, %dma_wait3A_272] : memref<20x3000x1024xf32, #tpu.memory_space<hbm>> -> memref<1x16x1024xf32, #tpu.memory_space<hbm>>
    %dma_wait3A_274 = tpu.memref_squeeze %dma_wait3A_273 : memref<1x16x1024xf32, #tpu.memory_space<hbm>> -> memref<16x1024xf32, #tpu.memory_space<hbm>>
    %dma_wait3A_275 = arith.constant 0 : i32
    %dma_wait3A_276 = arith.constant 0 : i32
    %dma_wait3A_277 = tpu.memref_slice %arg9[%dma_wait3A_275, %dma_wait3A_276] : memref<40x1024xf32, #tpu.memory_space<vmem>> -> memref<16x1024xf32, #tpu.memory_space<vmem>>
    tpu.wait_dma2 semaphore(%arg11 : memref<!tpu.dma_semaphore, #tpu.memory_space<semaphore_mem>>) src(%dma_wait3A_277 : memref<16x1024xf32, #tpu.memory_space<vmem>>) dst(%dma_wait3A_274 : memref<16x1024xf32, #tpu.memory_space<hbm>>)
    %dma_wait3A_278 = arith.constant 0 : i32
    %dma_wait3A_279 = arith.constant 16 : i32
    %dma_wait3A_280 = arith.constant 0 : i32
    %dma_wait3A_281 = tpu.memref_slice %arg9[%dma_wait3A_279, %dma_wait3A_280] : memref<40x1024xf32, #tpu.memory_space<vmem>> -> memref<24x1024xf32, #tpu.memory_space<vmem>>
    %dma_wait3A_282 = arith.constant 0 : i32
    %dma_wait3A_283 = arith.constant 0 : i32
    %dma_wait3A_284 = tpu.memref_slice %arg5[%dma_wait3A_278, %dma_wait3A_282, %dma_wait3A_283] : memref<20x3000x1024xf32, #tpu.memory_space<hbm>> -> memref<1x24x1024xf32, #tpu.memory_space<hbm>>
    %dma_wait3A_285 = tpu.memref_squeeze %dma_wait3A_284 : memref<1x24x1024xf32, #tpu.memory_space<hbm>> -> memref<24x1024xf32, #tpu.memory_space<hbm>>
    %dma_wait3A_286 = arith.constant 0 : i32
    %dma_wait3A_287 = arith.constant 0 : i32
    %dma_wait3A_288 = tpu.memref_slice %arg5[%dma_wait3A_278, %dma_wait3A_286, %dma_wait3A_287] : memref<20x3000x1024xf32, #tpu.memory_space<hbm>> -> memref<1x24x1024xf32, #tpu.memory_space<hbm>>
    %dma_wait3A_289 = tpu.memref_squeeze %dma_wait3A_288 : memref<1x24x1024xf32, #tpu.memory_space<hbm>> -> memref<24x1024xf32, #tpu.memory_space<hbm>>
    %dma_wait3A_290 = arith.constant 16 : i32
    %dma_wait3A_291 = arith.constant 0 : i32
    %dma_wait3A_292 = tpu.memref_slice %arg9[%dma_wait3A_290, %dma_wait3A_291] : memref<40x1024xf32, #tpu.memory_space<vmem>> -> memref<24x1024xf32, #tpu.memory_space<vmem>>
    tpu.wait_dma2 semaphore(%arg11 : memref<!tpu.dma_semaphore, #tpu.memory_space<semaphore_mem>>) src(%dma_wait3A_292 : memref<24x1024xf32, #tpu.memory_space<vmem>>) dst(%dma_wait3A_289 : memref<24x1024xf32, #tpu.memory_space<hbm>>)
    return
  }
}

</mosaic_0001>

<sc_bundles>
// kernel: _bow.3.cloned.1.call-start
scs
__scs_entry_jumppad:
0x0: {  	(pc) =	sbr.rel $0x88, $3  }
0x1: {  	(tag) =	ssettag $0x0;
	lr =	simm.s32 $0x1  }
0x2: {  	[smem:$0x3F9F] =	sst lr;
	_ =	strace $0xD0000000  }
0x3: {  	_ = 	snop  }
0x4: {  	_ = 	snop  }
0x5: {  	_ = 	snop  }
0x6: {  	_ = 	snop  }
0x7: {  	_ = 	snop  }
__scs_overlays_trampoline_lowered:
0x8: {  	[smem:$0x3FAE] =	sst s0  }
0x9: {  	[smem:$0x3FAF] =	sst s1  }
0xa: {  	[smem:$0x3FB0] =	sst s2  }
0xb: {  	[smem:$0x3FB1] =	sst s3  }
0xc: {  	[smem:$0x3FB2] =	sst s4  }
0xd: {  	[smem:$0x3FB3] =	sst s5  }
0xe: {  	[smem:$0x3FB4] =	sst s6  }
0xf: {  	[smem:$0x3FB5] =	sst s7  }
0x10: {  	[smem:$0x3FB6] =	sst s8  }
0x11: {  	[smem:$0x3FB7] =	sst s9;
	s0 =	simm.s32 @!p0 $0x0  }
0x12: {  	s1 =	sld [smem:$0x3F9D];
	s0 =	simm.s32 @p0 $0x1  }
0x13: {  	[smem:$0x3FB8] =	sst s0;
	s0 =	simm.s32 @!p1 $0x0  }
0x14: {  	s2 =	sld [smem:$0x3F9C];
	s0 =	simm.s32 @p1 $0x1  }
0x15: {  	[smem:$0x3FB9] =	sst s0;
	s0 =	simm.s32 @!p2 $0x0  }
0x16: {  	s3 =	sld [smem:$0x3FDB];
	s0 =	simm.s32 @p2 $0x1  }
0x17: {  	s4 =	simm.s32 $0x1BF5;
	[smem:$0x3FBB] =	sst s0  }
0x18: {  	s0 =	sld [smem:$0x3F9E];
	_ =	swait.ge [sflag:s4], $0x0  }
0x19: {  	s7 =	sld [smem:$0x3F9F]  }
0x1a: {  	s8 =	sadd.s32 $0xFFFFE003, lr  }
0x1b: {  	s9 =	sadd.s32 $0xFFFFFEF7, lr;
	s5 =	simm.s32 $0xFFFFFFFF;
	p2 =	slt.u32 s8, $0xFFFFF086  }
0x1c: {  	p1 =	slt.u32 s9, $0xF7A;
	s5 =	simm.s32 @!p2 $0x0  }
0x1d: {  	s5 =	simm.s32 @p1 $0x1;
	p0 =	seq.s32 s7, s2  }
0x1e: {  	s7 =	smul.u32 @!p0 $0xF7A, s2;
	p2 =	seq.s32 @!p0 s5, $0x0  }
0x1f: {  	s9 =	smul.u32 $0xF7A, s1;
	s8 =	simm.s32 @!p0 $0x1BF5;
	p2 =	por !p2, p0  }
0x20: {  	[sflag:s8] =	ssyncset.s32 @!p0 $0xFFFFF086;
	s6 =	sadd.s32 @!p0 s3, s7;
	s7 =	simm.s32 @!p0 $0x108  }
0x21: {  	s3 =	sadd.s32 s3, s9;
	s6 =	sadd.s32 @!p0 $0x88, s6;
	s7 =	simm.s32 @p2 $0x1082  }
0x22: {  	[simem:s7], [sflag:s8] =	dma.local @!p0 [hbm:s6], $0xF7A  }
0x23: {  	s9 =	sor.u32 $0xD0000000, s2;
	s6 =	simm.s32 $0x108;
	_ =	swait.ge @!p0 [sflag:s8], $0x0  }
0x24: {  	s3 =	sadd.s32 $0x88, s3;
	s6 =	simm.s32 @!p1 $0x1082;
	[sflag:s4] =	ssyncset.s32 $0xFFFFF086  }
0x25: {  	[simem:s6], [sflag:s4] =	dma.local [hbm:s3], $0xF7A  }
0x26: {  	[smem:$0x3F9F] =	sst s1;
	(tag) =	ssettag s2;
	_ =	strace s9  }
0x27: {  	s1 =	sld [smem:$0x3FAF]  }
0x28: {  	s2 =	sld [smem:$0x3FB0]  }
0x29: {  	s4 =	sld [smem:$0x3FB2]  }
0x2a: {  	p0 =	seq.s32 s5, $0x0;
	s5 =	sld [smem:$0x3FB3]  }
0x2b: {  	s6 =	sld [smem:$0x3FB4]  }
0x2c: {  	s7 =	sld [smem:$0x3FB5]  }
0x2d: {  	s3 =	simm.s32 $0x108;
	s8 =	sld [smem:$0x3FB6]  }
0x2e: {  	s3 =	simm.s32 @!p0 $0x1082;
	s9 =	sld [smem:$0x3FB7]  }
0x2f: {  	lr =	sadd.s32 s0, s3;
	s0 =	sld [smem:$0x3FAE]  }
0x30: {  	s3 =	sld [smem:$0x3FB1]  }
0x31: {  	[smem:$0x3FBA] =	sst s10  }
0x32: {  	s10 =	sld [smem:$0x3FB8];
	_ =	sdelay $0x3  }
0x33: {  	p0 =	seq.s32 s10, $0x1;
	s10 =	sld [smem:$0x3FBA];
	_ =	sdelay $0x3  }
0x34: {  	[smem:$0x3FBA] =	sst s10  }
0x35: {  	s10 =	sld [smem:$0x3FB9];
	_ =	sdelay $0x3  }
0x36: {  	p1 =	seq.s32 s10, $0x1;
	s10 =	sld [smem:$0x3FBA];
	_ =	sdelay $0x3  }
0x37: {  	[smem:$0x3FBA] =	sst s10  }
0x38: {  	s10 =	sld [smem:$0x3FBB]  }
0x39: {  	_ = 	snop;
	(pc) =	sbr.ind lr, $3  }
0x3a: {  	_ = 	snop  }
0x3b: {  	_ = 	snop  }
0x3c: {  	p2 =	seq.s32 s10, $0x1;
	s10 =	sld [smem:$0x3FBA]  }
0x3d: {  	_ =	shalt  }
0x3e: {  	_ =	shalt  }
0x3f: {  	_ =	shalt  }
0x40: {  	_ =	shalt  }
0x41: {  	_ =	shalt  }
0x42: {  	_ =	shalt  }
0x43: {  	_ =	shalt  }
0x44: {  	_ =	shalt  }
0x45: {  	_ =	shalt  }
0x46: {  	_ =	shalt  }
0x47: {  	_ =	shalt  }
0x48: {  	_ =	shalt  }
0x49: {  	_ =	shalt  }
0x4a: {  	_ =	shalt  }
0x4b: {  	_ =	shalt  }
0x4c: {  	_ =	shalt  }
0x4d: {  	_ =	shalt  }
0x4e: {  	_ =	shalt  }
0x4f: {  	_ =	shalt  }
0x50: {  	_ =	shalt  }
0x51: {  	_ =	shalt  }
0x52: {  	_ =	shalt  }
0x53: {  	_ =	shalt  }
0x54: {  	_ =	shalt  }
0x55: {  	_ =	shalt  }
0x56: {  	_ =	shalt  }
0x57: {  	_ =	shalt  }
0x58: {  	_ =	shalt  }
0x59: {  	_ =	shalt  }
0x5a: {  	_ =	shalt  }
0x5b: {  	_ =	shalt  }
0x5c: {  	_ =	shalt  }
0x5d: {  	_ =	shalt  }
0x5e: {  	_ =	shalt  }
0x5f: {  	_ =	shalt  }
0x60: {  	_ =	shalt  }
0x61: {  	_ =	shalt  }
0x62: {  	_ =	shalt  }
0x63: {  	_ =	shalt  }
0x64: {  	_ =	shalt  }
0x65: {  	_ =	shalt  }
0x66: {  	_ =	shalt  }
0x67: {  	_ =	shalt  }
0x68: {  	_ =	shalt  }
0x69: {  	_ =	shalt  }
0x6a: {  	_ =	shalt  }
0x6b: {  	_ =	shalt  }
0x6c: {  	_ =	shalt  }
0x6d: {  	_ =	shalt  }
0x6e: {  	_ =	shalt  }
0x6f: {  	_ =	shalt  }
0x70: {  	_ =	shalt  }
0x71: {  	_ =	shalt  }
0x72: {  	_ =	shalt  }
0x73: {  	_ =	shalt  }
0x74: {  	_ =	shalt  }
0x75: {  	_ =	shalt  }
0x76: {  	_ =	shalt  }
0x77: {  	_ =	shalt  }
0x78: {  	_ =	shalt  }
0x79: {  	_ =	shalt  }
0x7a: {  	_ =	shalt  }
0x7b: {  	_ =	shalt  }
0x7c: {  	_ =	shalt  }
0x7d: {  	_ =	shalt  }
0x7e: {  	_ =	shalt  }
0x7f: {  	_ =	shalt  }
0x80: {  	_ =	shalt  }
0x81: {  	_ =	shalt  }
0x82: {  	_ =	shalt  }
0x83: {  	_ =	shalt  }
0x84: {  	_ =	shalt  }
0x85: {  	_ =	shalt  }
0x86: {  	_ =	shalt  }
0x87: {  	_ =	shalt  }
.Lfunc_end0:
.L_simem_size_0:
called_computation_lowered:
.L_overlay_start_0:
0x88: {  	s2 =	sld [smem:$0x3FD9]  }
0x89: {  	s3 =	sld [smem:$0x3FFE];
	_ =	sdelay $0x1  }
0x8a: {  	s1 =	srdreg.scid  }
0x8b: {  	s0 =	sand.u32 $0x1, s1  }
0x8c: {  	s17 =	sshll.u32 s0, $0xA;
	s2 =	sadd.s32 s3, s2  }
0x8d: {  	s2 =	sadd.s32 s2, s17  }
0x8e: {  	[smem:$0x3FC6] =	sst s2  }
0x8f: {  	_ = 	snop  }
0x90: {  	s2 =	sld [smem:$0x3FD0];
	(tm) =	ssettm $0x1  }
0x91: {  	s18 =	sld [smem:$0x3FFB];
	_ =	sdelay $0x3  }
0x92: {  	_ =	strace s18  }
0x93: {  	s3 =	sld [smem:$0x3FFC];
	_ =	sdelay $0x3  }
0x94: {  	_ =	strace s3  }
0x95: {  	s3 =	sld [smem:$0x3FFD];
	_ =	sdelay $0x3  }
0x96: {  	_ =	strace s3  }
0x97: {  	_ =	strace $0x8FFFFFFF  }
0x98: {  	s19 =	sld [smem:$0x3FDB];
	_ =	sdelay $0x1  }
0x99: {  	s4 =	simm.s32 $_scs_section_size  }
0x9a: {  	s5 =	simm.s32 $_size__tile_overlayer_lowered;
	s6 =	simm.s32 $_tile_overlayer_lowered  }
0x9b: {  	s22 =	simm.s32 $0x1BFF;
	s21 =	sshll.u32 s6, $0x1;
	s3 =	sadd.s32 s4, s19  }
0x9c: {  	s7 =	simm.s32 $0x0;
	s20 =	sshll.u32 s5, $0x1;
	s5 =	sadd.s32 s21, s3  }
0x9d: {  	[timem:s7], [sflag:s22] =	dma.local [hbm:s5], s20  }
0x9e: {  	_ =	swait.ge [sflag:s22], s20  }
0x9f: {  	s4 =	ssub.s32 $0x0, s20;
	[sflag:s22] =	ssyncset.done $0x0  }
0xa0: {  	[sflag:s22] =	ssyncadd.s32 s4;
	_ =	sdelay $0x1  }
0xa1: {  	s23 =	simm.s32 $0x1B8B  }
0xa2: {  	_ =	swait.ge [sflag:s23], $0x1  }
0xa3: {  	[sflag:s23] =	ssyncset.done $0x0  }
0xa4: {  	s25 =	simm.s32 $0x1B8E;
	s24 =	sld [smem:$0x3FFE];
	[sflag:s23] =	ssyncadd.s32 $0xFFFFFFFF  }
0xa5: {  	s26 =	simm.s32 $execute0_lowered;
	[smem:$0x3FD2] =	sst s25  }
0xa6: {  	s5 =	sshll.u32 s26, $0x1;
	_ =	strace $0x80000046;
	[dreg:$0x1] =	wrdreg $0xFFFFFFFF  }
0xa7: {  	s28 =	simm.s32 $_size_execute0_lowered;
	s3 =	sadd.s32 s3, s5;
	[dreg:$0x0] =	wrdreg $0x0  }
0xa8: {  	s5 =	sshll.u32 s28, $0x1;
	[dreg:$0x2] =	wrdreg s3  }
0xa9: {  	[dreg:$0x3] =	wrdreg s5  }
0xaa: {  	[dreg:$0x4] =	wrdreg $0xC0  }
0xab: {  	_ =	task [dreg:s7], $0x5FFFF  }
0xac: {  	[dreg:$0x1] =	wrdreg $0xFFFFFFFF  }
0xad: {  	[dreg:$0x0] =	wrdreg $0x60  }
0xae: {  	[dreg:$0x2] =	wrdreg s24  }
0xaf: {  	[dreg:$0x3] =	wrdreg s2  }
0xb0: {  	[dreg:$0x4] =	wrdreg $0x9  }
0xb1: {  	_ =	task.clear_ibuf [dreg:s7], $0x5FFFF;
	_ =	strace $0x90000046  }
0xb2: {  	s29 =	simm.s32 $0x9;
	_ =	strace $0x80000048  }
0xb3: {  	_ =	swait.ge [sflag:s29], $0x1  }
0xb4: {  	[sflag:s29] =	ssyncadd.s32 $0xFFFFFFFF  }
0xb5: {  	_ =	strace $0x90000048  }
0xb6: {  	_ =	sfence  }
0xb7: {  	s30 =	sld [smem:$0x0];
	_ =	sdelay $0x2  }
0xb8: {  	s31 =	sshll.u32 s1, $0xD;
	s1 =	sshrl.u32 s1, $0x2  }
0xb9: {  	s3 =	sand.u32 $0x4000, s31;
	s1 =	sadd.s32 s1, s30  }
0xba: {  	s0 =	sor.u32 s3, s0;
	s1 =	sshll.u32 s1, $0x11  }
0xbb: {  	s0 =	sor.u32 s1, s0  }
0xbc: {  	s0 =	sadd.s32 $0x8F2B, s0  }
0xbd: {  	[sflag:s0] =	ssyncadd.remote.s32 $0x1  }
0xbe: {  	_ =	sfence.sel $0xFFFF  }
0xbf: {  	[dreg:$0x0] =	wrdreg $0xFFFFFFFF;
	(pc) =	sbr.abs _section_cstart, $3  }
0xc0: {  	[dreg:$0x1] =	wrdreg $0xFFFFFFFF  }
0xc1: {  	_ =	task.clear_ibuf [dreg:s7], $0x2FFFF;
	_ =	strace $0x9FFFFFFF  }
0xc2: {  	(tm) =	ssettm $0x7FFFFFFF  }
0xc3: {  	_ =	shalt  }
tec
execute0_lowered:
.L_overlay_start_1:
0x0: {  	(tag) =	ssettag $0x1  }
0x1: {  	s0 =	rddreg [dreg:$0x0]  }
0x2: {  	s1 =	srdreg.scid;
	s2 =	stileid.u32  }
0x3: {  	s3 =	rddreg [dreg:$0x1];
	s13 =	simm.s32 $0x0;
	s8 =	simm.s32 $0xFFFFFFE7  }
0x4: {  	s1 =	sand.u32 $0x1, s1;
	[smem:$0x7FF] =	sst s13;
	s6 =	sadd.s32 $0x400, s0  }
0x5: {  	s15 =	sadd.s32 $0xE00, s0;
	_ =	strace $0x80000047;
	[dreg:$0x3] =	wrdreg s6  }
0x6: {  	s4 =	sshll.u32 s2, $0x1;
	s0 =	sadd.s32 $0x1800, s0;
	[dreg:$0x4] =	wrdreg s15  }
0x7: {  	s10 =	simm.s32 $0x440;
	s4 =	sor.u32 s1, s4;
	[dreg:$0x5] =	wrdreg s0  }
0x8: {  	s16 =	ssub.s32 $0x2, s1;
	s1 =	simm.s32 $0x3E8;
	s5 =	sor.u32 $0x20, s4  }
0x9: {  	p0 =	sgt.u32 s4, $0x18;
	s9 =	sshrl.u32 s16, $0x1;
	s7 =	smul.u32 $0x29, s5  }
0xa: {  	s8 =	simm.s32 @!p0 $0x0;
	s9 =	ssub.s32 s16, s9;
	s1 =	simm.s32 @!p0 $0x0  }
0xb: {  	p0 =	slt.u32 s4, $0x19;
	s17 =	sadd.s32 s4, s8;
	s30 =	smax.u32 s9, $0x1  }
0xc: {  	s8 =	simm.s32 $0x1;
	s10 =	simm.s32 @!p0 $0x40;
	[dreg:$0x10] =	wrdreg s30  }
0xd: {  	s7 =	sshrl.u32 s7, $0xA;
	s8 =	simm.s32 @!p0 $0x0;
	[dreg:$0x9] =	wrdreg s10  }
0xe: {  	s19 =	smul.u32 $0x28, s17;
	s31 =	sor.u32 $0x5000, s10;
	[dreg:$0x8] =	wrdreg s8  }
0xf: {  	s17 =	sor.u32 $0x40, s4;
	s18 =	smul.u32 $0xFFFFFFE7, s7;
	[dreg:$0x11] =	wrdreg s31  }
0x10: {  	p0 =	slt.u32 s2, $0x9;
	s21 =	smul.u32 $0x3E8, s7;
	[dreg:$0xe] =	wrdreg s17  }
0x11: {  	s1 =	sadd.s32 s1, s19;
	[dreg:$0x6] =	wrdreg s19;
	s20 =	sadd.s32 s5, s18  }
0x12: {  	v1 =	vimm.s32 $0xECA86420;
	vm0 =	vcmask $0xB08;
	vm1 =	vcmask $0x1310;
	s22 =	sshll.u32 s1, $0xA;
	s1 =	sshll.u32 s1, $0x7;
	s0 =	smul.u32 $0x28, s20  }
0x13: {  	vm2 =	vcmask $0x1B18;
	vm3 =	vcmask $0x300;
	vm4 =	vcmask $0x2320;
	s7 =	sadd.s32 $0x4000, s22;
	s24 =	sadd.s32 s3, s1;
	s20 =	sor.u32 $0x60, s4  }
0x14: {  	vm5 =	vcmask $0x2B28;
	v3 =	vlaneseq.u32;
	vm6 =	vcmask $0x3330;
	s7 =	sshrl.u32 s7, $0x3;
	[dreg:$0xa] =	wrdreg s24;
	s5 =	sadd.s32 s21, s0  }
0x15: {  	vm7 =	vcmask $0x3B38;
	vm8 =	vmmov $0xff;
	vm9 =	vcmask $0x704;
	[dreg:$0xf] =	wrdreg s20;
	s0 =	simm.s32 @!p0 $0xFFFFF830;
	s5 =	sshll.u32 s5, $0x7  }
0x16: {  	vm10 =	vcmask $0xF0C;
	vm11 =	vcmask $0x1714;
	vm12 =	vcmask $0x1F1C;
	s25 =	sadd.s32 s3, s7;
	[dreg:$0x7] =	wrdreg s0;
	s23 =	sand.u32 $0x1FFFFC00, s5  }
0x17: {  	vm13 =	vcmask $0x2724;
	vm14 =	vcmask $0x2F2C;
	v2 =	vunpack.c.l.s4.s8 v1;
	[dreg:$0xb] =	wrdreg s25;
	s28 =	sadd.s32 s3, s5;
	s26 =	sadd.s32 s3, s23  }
0x18: {  	vm15 =	vcmask $0x3734;
	v4 =	vimm.f32 $0.0e+00;
	v3 =	vmul.u32 $0x2, v3;
	s22 =	simm.s32 $0xA000;
	[dreg:$0xc] =	wrdreg s28;
	s29 =	sadd.s32 $0x800, s26  }
0x19: {  	v2 =	vunpack.c.0.s8.s32 v2;
	v0 =	vmov s19;
	s1 =	simm.s32 $0x0;
	v1 =	vmov s0;
	s23 =	simm.s32 $0x14000;
	[dreg:$0xd] =	wrdreg s29  }
.LBB2_1:
0x1a: {  	[dreg:$0x12] =	wrdreg s1  }
0x1b: {  	s0 =	rddreg [dreg:$0x3];
	s28 =	simm.s32 $0x4  }
0x1c: {  	[tilespmem:s13], [sflag:$0x4] =	stream.linear.gather [hbm4b:s0+s13], $0x5000, $0x38;
	[tilespmem:$0x1E000] =	vst v63  }
0x1d: {  	_ =	swait.ge [sflag:s28], $0x5000  }
0x1e: {  	[sflag:s28] =	ssyncset.done $0x0  }
0x1f: {  	s2 =	simm.s32 $0x5000;
	s29 =	rddreg [dreg:$0x4];
	[sflag:s28] =	ssyncadd.s32 $0xFFFFB000  }
0x20: {  	[tilespmem:s2], [sflag:$0x4] =	stream.linear.gather [hbm4b:s29+s13], $0x5000, $0x38;
	[tilespmem:$0x1E000] =	vst v63  }
0x21: {  	_ =	swait.ge [sflag:s28], $0x5000  }
0x22: {  	[sflag:s28] =	ssyncset.done $0x0  }
0x23: {  	s30 =	rddreg [dreg:$0x5];
	[sflag:s28] =	ssyncadd.s32 $0xFFFFB000  }
0x24: {  	[tilespmem:s22], [sflag:$0x3] =	stream.linear.gather [hbm4b:s30+s13], $0xA000, $0x38;
	[tilespmem:$0x1E000] =	vst v63  }
0x25: {  	s31 =	simm.s32 $0x40;
	s0 =	simm.s32 $0xFFFFFFF8  }
0x26: {  	[tilespmem:s23], [sflag:$0x2] =	stream.linear.gather [hbm4b:s30+s13], $0xA000, $0x38;
	[tilespmem:$0x1E000] =	vst v63  }
.LBB2_2:
0x27: {  	v5 =	vld [tilespmem:s31+$0xFFFFFFC0];
	_ =	sdelay $0x4  }
0x28: {  	(v2sf) =	vpush v5, $0xD;
	_ =	sdelay $0x1  }
0x29: {  	(v2sf) =	vpush v5, $0xC;
	_ =	sdelay $0x1  }
0x2a: {  	(v2sf) =	vpush v5, $0xE;
	_ =	sdelay $0x1  }
0x2b: {  	(v2sf) =	vpush v5, $0xF;
	_ =	sdelay $0x1  }
0x2c: {  	(v2sf) =	vpush v5, $0x9;
	_ =	sdelay $0x1  }
0x2d: {  	(v2sf) =	vpush v5, $0x8;
	_ =	sdelay $0x1  }
0x2e: {  	(v2sf) =	vpush v5, $0xA;
	_ =	sdelay $0x1  }
0x2f: {  	(v2sf) =	vpush v5, $0xB  }
0x30: {  	s1 =	spop (v2sf)  }
0x31: {  	(v2sf) =	vpush v5, $0x0;
	s4 =	smulhi.u32 $0x10624DD3, s1;
	s1 =	sshra.s32 s1, $0x1F  }
0x32: {  	s5 =	spop (v2sf);
	(v2sf) =	vpush v5, $0x1;
	s1 =	smul.u32 $0x10624DD3, s1  }
0x33: {  	s7 =	smulhi.u32 $0x10624DD3, s5;
	s5 =	sshra.s32 s5, $0x1F;
	(v2sf) =	vpush v5, $0x2  }
0x34: {  	s8 =	spop (v2sf);
	s5 =	smul.u32 $0x10624DD3, s5;
	(v2sf) =	vpush v5, $0x3  }
0x35: {  	s9 =	smulhi.u32 $0x10624DD3, s8;
	s8 =	sshra.s32 s8, $0x1F;
	(v2sf) =	vpush v5, $0x4  }
0x36: {  	s3 =	spop (v2sf);
	s12 =	smul.u32 $0x10624DD3, s8;
	(v2sf) =	vpush v5, $0x5  }
0x37: {  	[dreg:$0x13] =	wrdreg s0;
	s6 =	smulhi.u32 $0x10624DD3, s3;
	s8 =	sshra.s32 s3, $0x1F;
	(v2sf) =	vpush v5, $0x6  }
0x38: {  	s4 =	sadd.s32 s1, s4;
	s13 =	spop (v2sf);
	s14 =	smul.u32 $0x10624DD3, s8;
	(v2sf) =	vpush v5, $0x7  }
0x39: {  	s19 =	sshrl.u32 s4, $0x1F;
	s15 =	smulhi.u32 $0x10624DD3, s13;
	s11 =	sshra.s32 s13, $0x1F  }
0x3a: {  	s8 =	sadd.s32 s5, s7;
	s13 =	spop (v2sf);
	s18 =	smul.u32 $0x10624DD3, s11  }
0x3b: {  	s10 =	sshrl.u32 s8, $0x1F;
	s16 =	smulhi.u32 $0x10624DD3, s13;
	s7 =	sshra.s32 s13, $0x1F  }
0x3c: {  	s5 =	sadd.s32 s12, s9;
	s24 =	spop (v2sf);
	s17 =	smul.u32 $0x10624DD3, s7  }
0x3d: {  	s7 =	sadd.s32 s14, s6;
	s14 =	smulhi.u32 $0x10624DD3, s24;
	s9 =	sshra.s32 s24, $0x1F  }
0x3e: {  	s13 =	sshrl.u32 s5, $0x1F;
	s21 =	spop (v2sf);
	s24 =	smul.u32 $0x10624DD3, s9  }
0x3f: {  	s1 =	sshrl.u32 s7, $0x1F;
	s6 =	smulhi.u32 $0x10624DD3, s21;
	s25 =	sshra.s32 s21, $0x1F  }
0x40: {  	s9 =	sadd.s32 s18, s15;
	s20 =	smul.u32 $0x10624DD3, s25;
	s26 =	spop (v2sf)  }
0x41: {  	s29 =	smulhi.u32 $0x10624DD3, s26;
	s28 =	sshra.s32 s26, $0x1F;
	s26 =	spop (v2sf)  }
0x42: {  	s15 =	sadd.s32 s17, s16;
	s30 =	smul.u32 $0x10624DD3, s28;
	s11 =	spop (v2sf)  }
0x43: {  	s28 =	smulhi.u32 $0x10624DD3, s26;
	s17 =	sshra.s32 s26, $0x1F;
	s26 =	spop (v2sf)  }
0x44: {  	s21 =	sshrl.u32 s9, $0x1F;
	s17 =	smul.u32 $0x10624DD3, s17;
	s2 =	spop (v2sf)  }
0x45: {  	s3 =	smulhi.u32 $0x10624DD3, s11;
	s12 =	sshra.s32 s11, $0x1F;
	s11 =	spop (v2sf)  }
0x46: {  	s18 =	sadd.s32 s24, s14;
	s14 =	smul.u32 $0x10624DD3, s12;
	s24 =	spop (v2sf)  }
0x47: {  	s12 =	sadd.s32 s20, s6;
	s6 =	smulhi.u32 $0x10624DD3, s26;
	s25 =	spop (v2sf)  }
0x48: {  	s0 =	sadd.s32 s30, s29;
	s30 =	smulhi.u32 $0x10624DD3, s25;
	s20 =	sshra.s32 s25, $0x1F  }
0x49: {  	s16 =	sshrl.u32 s15, $0x1F;
	s15 =	sshra.s32 s15, $0x6;
	s20 =	smul.u32 $0x10624DD3, s20  }
0x4a: {  	s26 =	sshra.s32 s26, $0x1F;
	s17 =	sadd.s32 s17, s28;
	s28 =	sshrl.u32 s18, $0x1F  }
0x4b: {  	v7 =	vmov s10;
	s26 =	smul.u32 $0x10624DD3, s26;
	s3 =	sadd.s32 s14, s3;
	s14 =	sadd.s32 s20, s30  }
0x4c: {  	v7 =	vsel vm0, s19, v7;
	s19 =	smulhi.u32 $0x10624DD3, s11;
	s11 =	sshra.s32 s11, $0x1F;
	s29 =	sshra.s32 s14, $0x1F  }
0x4d: {  	s6 =	sadd.s32 s26, s6;
	s26 =	smulhi.u32 $0x10624DD3, s2;
	s30 =	sshra.s32 s0, $0x6;
	v6 =	vmov s29  }
0x4e: {  	s2 =	sshra.s32 s2, $0x1F;
	s20 =	sshrl.u32 s0, $0x1F;
	s0 =	sshra.s32 s0, $0x1F;
	v6 =	vsel vm3, s30, v6  }
0x4f: {  	v7 =	vsel vm1, s13, v7;
	s10 =	sshrl.u32 s3, $0x1F;
	s11 =	smul.u32 $0x10624DD3, s11;
	s30 =	sshra.s32 s17, $0x6;
	v6 =	vsel vm9, s0, v6  }
0x50: {  	v7 =	vsel vm2, s1, v7;
	s1 =	smulhi.u32 $0x10624DD3, s24;
	s25 =	sshrl.u32 s12, $0x1F;
	v8 =	vmov s20;
	s20 =	sshra.s32 s17, $0x1F;
	v6 =	vsel vm0, s30, v6  }
0x51: {  	v9 =	vmov s16;
	v10 =	vmov s15;
	s2 =	smul.u32 $0x10624DD3, s2;
	s13 =	sshrl.u32 s6, $0x1F;
	s30 =	sshra.s32 s3, $0x6;
	v6 =	vsel vm10, s20, v6  }
0x52: {  	v9 =	vsel vm0, s21, v9;
	s11 =	sadd.s32 s11, s19;
	s29 =	sshrl.u32 s17, $0x1F;
	v8 =	vnsel vm3, $0x0, v8;
	s20 =	sshra.s32 s3, $0x1F;
	v6 =	vsel vm1, s30, v6  }
0x53: {  	v9 =	vsel vm1, s28, v9;
	s2 =	sadd.s32 s2, s26;
	s26 =	sshra.s32 s6, $0x6;
	v8 =	vsel vm0, s29, v8;
	s29 =	sshra.s32 s24, $0x1F;
	v6 =	vsel vm11, s20, v6  }
0x54: {  	v9 =	vsel vm2, s25, v9;
	s19 =	sshra.s32 s9, $0x6;
	v8 =	vsel vm1, s10, v8;
	s17 =	smul.u32 $0x10624DD3, s29;
	s30 =	sshra.s32 s6, $0x1F;
	v6 =	vsel vm2, s26, v6  }
0x55: {  	v7 =	vcombine.low v9, v7;
	s16 =	sshra.s32 s2, $0x1F;
	s24 =	sshrl.u32 s2, $0x1F;
	s10 =	sshra.s32 s2, $0x6;
	v8 =	vsel vm2, s13, v8;
	v6 =	vsel vm12, s30, v6  }
0x56: {  	v10 =	vsel vm0, s19, v10;
	s29 =	sshrl.u32 s11, $0x1F;
	s13 =	sshra.s32 s8, $0x6;
	v8 =	vsel vm4, s24, v8;
	s1 =	sadd.s32 s17, s1;
	v6 =	vsel vm4, s10, v6  }
0x57: {  	s17 =	sshra.s32 s4, $0x6;
	v35 =	vmov s13;
	s24 =	sshra.s32 s18, $0x6;
	v8 =	vsel vm5, s29, v8;
	s20 =	sshra.s32 s11, $0x6;
	v6 =	vsel vm13, s16, v6  }
0x58: {  	s21 =	sshra.s32 s5, $0x6;
	s25 =	sshra.s32 s11, $0x1F;
	s6 =	sshrl.u32 s1, $0x1F;
	v9 =	vsel vm0, s17, v35;
	v10 =	vsel vm1, s24, v10;
	v6 =	vsel vm5, s20, v6  }
0x59: {  	s28 =	sshra.s32 s12, $0x6;
	s29 =	sshra.s32 s1, $0x6;
	v8 =	vsel vm6, s6, v8;
	v9 =	vsel vm1, s21, v9;
	s26 =	sshra.s32 s7, $0x6;
	v6 =	vsel vm14, s25, v6  }
0x5a: {  	s5 =	sshra.s32 s1, $0x1F;
	v10 =	vsel vm2, s28, v10;
	s30 =	sshrl.u32 s14, $0x1F;
	v9 =	vsel vm2, s26, v9;
	v6 =	vsel vm6, s29, v6  }
0x5b: {  	s6 =	sshra.s32 s14, $0x6;
	v8 =	vsel vm7, s30, v8;
	v9 =	vcombine.low v10, v9;
	v6 =	vsel vm15, s5, v6  }
0x5c: {  	v7 =	vperm.xlane v7, v2;
	v8 =	vperm.xlane v8, v3;
	v6 =	vsel vm7, s6, v6  }
0x5d: {  	v9 =	vperm.xlane v9, v2;
	v6 =	vperm.xlane v6, v3;
	_ =	sdelay $0x1  }
0x5e: {  	v7 =	vsel vm8, v8, v7;
	v6 =	vsel vm8, v6, v9  }
0x5f: {  	v6 =	vadd.s32 v7, v6  }
0x60: {  	v6 =	vmul.u32 $0x3E8, v6;
	_ =	sdelay $0x1  }
0x61: {  	v5 =	vsub.s32 v5, v6  }
0x62: {  	[tilespmem:s31+$0xFFFFFFC0] =	vst v5;
	v5 =	vld [tilespmem:s31+$0xFFFFFFD0];
	_ =	sdelay $0x4  }
0x63: {  	(v2sf) =	vpush v5, $0xD;
	_ =	sdelay $0x1  }
0x64: {  	(v2sf) =	vpush v5, $0xC;
	_ =	sdelay $0x1  }
0x65: {  	(v2sf) =	vpush v5, $0xE;
	_ =	sdelay $0x1  }
0x66: {  	(v2sf) =	vpush v5, $0xF;
	_ =	sdelay $0x1  }
0x67: {  	(v2sf) =	vpush v5, $0x9;
	_ =	sdelay $0x1  }
0x68: {  	(v2sf) =	vpush v5, $0x8;
	_ =	sdelay $0x1  }
0x69: {  	(v2sf) =	vpush v5, $0xA;
	_ =	sdelay $0x1  }
0x6a: {  	(v2sf) =	vpush v5, $0xB  }
0x6b: {  	s7 =	spop (v2sf)  }
0x6c: {  	(v2sf) =	vpush v5, $0x0;
	s8 =	smulhi.u32 $0x10624DD3, s7;
	s0 =	sshra.s32 s7, $0x1F  }
0x6d: {  	(v2sf) =	vpush v5, $0x1;
	s9 =	spop (v2sf);
	s0 =	smul.u32 $0x10624DD3, s0  }
0x6e: {  	(v2sf) =	vpush v5, $0x2;
	s10 =	smulhi.u32 $0x10624DD3, s9;
	s2 =	sshra.s32 s9, $0x1F  }
0x6f: {  	(v2sf) =	vpush v5, $0x3;
	s11 =	spop (v2sf);
	s2 =	smul.u32 $0x10624DD3, s2  }
0x70: {  	(v2sf) =	vpush v5, $0x4;
	s12 =	smulhi.u32 $0x10624DD3, s11;
	s4 =	sshra.s32 s11, $0x1F  }
0x71: {  	(v2sf) =	vpush v5, $0x5;
	s14 =	spop (v2sf);
	s13 =	smul.u32 $0x10624DD3, s4  }
0x72: {  	(v2sf) =	vpush v5, $0x6;
	s15 =	smulhi.u32 $0x10624DD3, s14;
	s16 =	sshra.s32 s14, $0x1F  }
0x73: {  	s4 =	sadd.s32 s0, s8;
	s17 =	spop (v2sf);
	(v2sf) =	vpush v5, $0x7;
	s7 =	smul.u32 $0x10624DD3, s16  }
0x74: {  	s19 =	sshrl.u32 s4, $0x1F;
	s18 =	smulhi.u32 $0x10624DD3, s17;
	s1 =	sshra.s32 s17, $0x1F  }
0x75: {  	s8 =	sadd.s32 s2, s10;
	s21 =	spop (v2sf);
	s20 =	smul.u32 $0x10624DD3, s1  }
0x76: {  	s3 =	sshrl.u32 s8, $0x1F;
	s24 =	smulhi.u32 $0x10624DD3, s21;
	s25 =	sshra.s32 s21, $0x1F  }
0x77: {  	s5 =	sadd.s32 s13, s12;
	s26 =	spop (v2sf);
	s10 =	smul.u32 $0x10624DD3, s25  }
0x78: {  	s1 =	sshrl.u32 s5, $0x1F;
	s0 =	smulhi.u32 $0x10624DD3, s26;
	s11 =	sshra.s32 s26, $0x1F  }
0x79: {  	s7 =	sadd.s32 s7, s15;
	s28 =	spop (v2sf);
	s11 =	smul.u32 $0x10624DD3, s11  }
0x7a: {  	s13 =	sshrl.u32 s7, $0x1F;
	s2 =	smulhi.u32 $0x10624DD3, s28;
	s12 =	sshra.s32 s28, $0x1F  }
0x7b: {  	s9 =	sadd.s32 s20, s18;
	s29 =	spop (v2sf);
	s12 =	smul.u32 $0x10624DD3, s12  }
0x7c: {  	s16 =	smulhi.u32 $0x10624DD3, s29;
	s14 =	sshra.s32 s29, $0x1F;
	s30 =	spop (v2sf)  }
0x7d: {  	s21 =	sshrl.u32 s9, $0x1F;
	s14 =	smul.u32 $0x10624DD3, s14;
	s18 =	spop (v2sf)  }
0x7e: {  	s20 =	smulhi.u32 $0x10624DD3, s30;
	s17 =	sshra.s32 s30, $0x1F;
	s29 =	spop (v2sf)  }
0x7f: {  	s15 =	sadd.s32 s10, s24;
	s17 =	smul.u32 $0x10624DD3, s17;
	s25 =	spop (v2sf)  }
0x80: {  	s26 =	smulhi.u32 $0x10624DD3, s18;
	s10 =	sshra.s32 s18, $0x1F;
	s28 =	spop (v2sf)  }
0x81: {  	s18 =	sadd.s32 s11, s0;
	s0 =	smul.u32 $0x10624DD3, s10;
	s10 =	spop (v2sf)  }
0x82: {  	s12 =	sadd.s32 s12, s2;
	s2 =	smulhi.u32 $0x10624DD3, s29;
	s30 =	spop (v2sf)  }
0x83: {  	s6 =	sadd.s32 s14, s16;
	s16 =	smulhi.u32 $0x10624DD3, s30;
	s11 =	sshra.s32 s30, $0x1F  }
0x84: {  	s24 =	sshrl.u32 s15, $0x1F;
	s29 =	sshra.s32 s29, $0x1F;
	s11 =	smul.u32 $0x10624DD3, s11  }
0x85: {  	v7 =	vmov s3;
	s17 =	sadd.s32 s17, s20;
	s20 =	sshrl.u32 s18, $0x1F;
	s30 =	smul.u32 $0x10624DD3, s29  }
0x86: {  	v7 =	vsel vm0, s19, v7;
	s0 =	sadd.s32 s0, s26;
	s19 =	sshra.s32 s28, $0x1F;
	s14 =	sadd.s32 s11, s16  }
0x87: {  	v7 =	vsel vm1, s1, v7;
	s19 =	smul.u32 $0x10624DD3, s19;
	s2 =	sadd.s32 s30, s2;
	s30 =	sshra.s32 s14, $0x1F  }
0x88: {  	v7 =	vsel vm2, s13, v7;
	v37 =	vmov s24;
	s26 =	sshrl.u32 s17, $0x1F;
	s13 =	smulhi.u32 $0x10624DD3, s10;
	v6 =	vmov s30;
	s30 =	sshra.s32 s6, $0x6  }
0x89: {  	v9 =	vsel vm0, s21, v37;
	s10 =	sshra.s32 s10, $0x1F;
	s11 =	sshrl.u32 s6, $0x1F;
	s6 =	sshra.s32 s6, $0x1F;
	v6 =	vsel vm3, s30, v6  }
0x8a: {  	v9 =	vsel vm1, s20, v9;
	s20 =	sshra.s32 s4, $0x6;
	s10 =	smul.u32 $0x10624DD3, s10;
	v36 =	vmov s11;
	s30 =	sshra.s32 s17, $0x6;
	v6 =	vsel vm9, s6, v6  }
0x8b: {  	s16 =	smulhi.u32 $0x10624DD3, s25;
	s25 =	sshra.s32 s25, $0x1F;
	v8 =	vnsel vm3, $0x0, v36;
	v6 =	vsel vm0, s30, v6;
	s30 =	sshra.s32 s17, $0x1F  }
0x8c: {  	s3 =	smul.u32 $0x10624DD3, s25;
	s25 =	sshrl.u32 s0, $0x1F;
	v8 =	vsel vm0, s26, v8;
	s17 =	sshra.s32 s0, $0x6;
	v6 =	vsel vm10, s30, v6  }
0x8d: {  	s11 =	smulhi.u32 $0x10624DD3, s28;
	s28 =	sshrl.u32 s2, $0x1F;
	v8 =	vsel vm1, s25, v8;
	s0 =	sshra.s32 s0, $0x1F;
	v6 =	vsel vm1, s17, v6  }
0x8e: {  	s29 =	sshrl.u32 s12, $0x1F;
	s10 =	sadd.s32 s10, s13;
	v8 =	vsel vm2, s28, v8;
	s28 =	sshra.s32 s2, $0x6;
	v6 =	vsel vm11, s0, v6  }
0x8f: {  	v9 =	vsel vm2, s29, v9;
	s3 =	sadd.s32 s3, s16;
	s16 =	sshra.s32 s8, $0x6;
	s2 =	sshra.s32 s2, $0x1F;
	v6 =	vsel vm2, s28, v6  }
0x90: {  	v7 =	vcombine.low v9, v7;
	s26 =	sshrl.u32 s3, $0x1F;
	s6 =	sadd.s32 s19, s11;
	s13 =	sshra.s32 s3, $0x6;
	v38 =	vmov s16;
	v6 =	vsel vm12, s2, v6  }
0x91: {  	s19 =	sshra.s32 s3, $0x1F;
	s25 =	sshra.s32 s5, $0x6;
	v9 =	vsel vm0, s20, v38;
	v8 =	vsel vm4, s26, v8;
	s17 =	sshra.s32 s15, $0x6;
	v6 =	vsel vm4, s13, v6  }
0x92: {  	s21 =	sshra.s32 s9, $0x6;
	s24 =	sshra.s32 s6, $0x6;
	s30 =	sshrl.u32 s6, $0x1F;
	v9 =	vsel vm1, s25, v9;
	v39 =	vmov s17;
	v6 =	vsel vm13, s19, v6  }
0x93: {  	s29 =	sshra.s32 s7, $0x6;
	s26 =	sshra.s32 s18, $0x6;
	v8 =	vsel vm5, s30, v8;
	v10 =	vsel vm0, s21, v39;
	s28 =	sshra.s32 s6, $0x1F;
	v6 =	vsel vm5, s24, v6  }
0x94: {  	s11 =	sshrl.u32 s10, $0x1F;
	s3 =	sshra.s32 s10, $0x6;
	s30 =	sshra.s32 s12, $0x6;
	v9 =	vsel vm2, s29, v9;
	v10 =	vsel vm1, s26, v10;
	v6 =	vsel vm14, s28, v6  }
0x95: {  	s4 =	sshrl.u32 s14, $0x1F;
	s5 =	sshra.s32 s10, $0x1F;
	v8 =	vsel vm6, s11, v8;
	v10 =	vsel vm2, s30, v10;
	v6 =	vsel vm6, s3, v6  }
0x96: {  	v8 =	vsel vm7, s4, v8;
	s6 =	sshra.s32 s14, $0x6;
	v9 =	vcombine.low v10, v9;
	v6 =	vsel vm15, s5, v6  }
0x97: {  	v7 =	vperm.xlane v7, v2;
	v8 =	vperm.xlane v8, v3;
	v6 =	vsel vm7, s6, v6  }
0x98: {  	v9 =	vperm.xlane v9, v2;
	v6 =	vperm.xlane v6, v3;
	_ =	sdelay $0x1  }
0x99: {  	v7 =	vsel vm8, v8, v7;
	v6 =	vsel vm8, v6, v9  }
0x9a: {  	v6 =	vadd.s32 v7, v6  }
0x9b: {  	v6 =	vmul.u32 $0x3E8, v6;
	_ =	sdelay $0x1  }
0x9c: {  	v5 =	vsub.s32 v5, v6  }
0x9d: {  	[tilespmem:s31+$0xFFFFFFD0] =	vst v5;
	v5 =	vld [tilespmem:s31+$0xFFFFFFE0];
	_ =	sdelay $0x4  }
0x9e: {  	(v2sf) =	vpush v5, $0xD;
	_ =	sdelay $0x1  }
0x9f: {  	(v2sf) =	vpush v5, $0xC;
	_ =	sdelay $0x1  }
0xa0: {  	(v2sf) =	vpush v5, $0xE;
	_ =	sdelay $0x1  }
0xa1: {  	(v2sf) =	vpush v5, $0xF;
	_ =	sdelay $0x1  }
0xa2: {  	(v2sf) =	vpush v5, $0x9;
	_ =	sdelay $0x1  }
0xa3: {  	(v2sf) =	vpush v5, $0x8;
	_ =	sdelay $0x1  }
0xa4: {  	(v2sf) =	vpush v5, $0xA;
	_ =	sdelay $0x1  }
0xa5: {  	(v2sf) =	vpush v5, $0xB  }
0xa6: {  	s7 =	spop (v2sf)  }
0xa7: {  	(v2sf) =	vpush v5, $0x0;
	s8 =	smulhi.u32 $0x10624DD3, s7;
	s0 =	sshra.s32 s7, $0x1F  }
0xa8: {  	(v2sf) =	vpush v5, $0x1;
	s9 =	spop (v2sf);
	s0 =	smul.u32 $0x10624DD3, s0  }
0xa9: {  	(v2sf) =	vpush v5, $0x2;
	s10 =	smulhi.u32 $0x10624DD3, s9;
	s2 =	sshra.s32 s9, $0x1F  }
0xaa: {  	(v2sf) =	vpush v5, $0x3;
	s11 =	spop (v2sf);
	s2 =	smul.u32 $0x10624DD3, s2  }
0xab: {  	(v2sf) =	vpush v5, $0x4;
	s12 =	smulhi.u32 $0x10624DD3, s11;
	s4 =	sshra.s32 s11, $0x1F  }
0xac: {  	(v2sf) =	vpush v5, $0x5;
	s14 =	spop (v2sf);
	s13 =	smul.u32 $0x10624DD3, s4  }
0xad: {  	(v2sf) =	vpush v5, $0x6;
	s15 =	smulhi.u32 $0x10624DD3, s14;
	s16 =	sshra.s32 s14, $0x1F  }
0xae: {  	s4 =	sadd.s32 s0, s8;
	s17 =	spop (v2sf);
	(v2sf) =	vpush v5, $0x7;
	s7 =	smul.u32 $0x10624DD3, s16  }
0xaf: {  	s19 =	sshrl.u32 s4, $0x1F;
	s18 =	smulhi.u32 $0x10624DD3, s17;
	s1 =	sshra.s32 s17, $0x1F  }
0xb0: {  	s8 =	sadd.s32 s2, s10;
	s21 =	spop (v2sf);
	s20 =	smul.u32 $0x10624DD3, s1  }
0xb1: {  	s3 =	sshrl.u32 s8, $0x1F;
	s24 =	smulhi.u32 $0x10624DD3, s21;
	s25 =	sshra.s32 s21, $0x1F  }
0xb2: {  	s5 =	sadd.s32 s13, s12;
	s26 =	spop (v2sf);
	s10 =	smul.u32 $0x10624DD3, s25  }
0xb3: {  	s1 =	sshrl.u32 s5, $0x1F;
	s0 =	smulhi.u32 $0x10624DD3, s26;
	s11 =	sshra.s32 s26, $0x1F  }
0xb4: {  	s7 =	sadd.s32 s7, s15;
	s28 =	spop (v2sf);
	s11 =	smul.u32 $0x10624DD3, s11  }
0xb5: {  	s13 =	sshrl.u32 s7, $0x1F;
	s2 =	smulhi.u32 $0x10624DD3, s28;
	s12 =	sshra.s32 s28, $0x1F  }
0xb6: {  	s9 =	sadd.s32 s20, s18;
	s29 =	spop (v2sf);
	s12 =	smul.u32 $0x10624DD3, s12  }
0xb7: {  	s16 =	smulhi.u32 $0x10624DD3, s29;
	s14 =	sshra.s32 s29, $0x1F;
	s30 =	spop (v2sf)  }
0xb8: {  	s21 =	sshrl.u32 s9, $0x1F;
	s14 =	smul.u32 $0x10624DD3, s14;
	s18 =	spop (v2sf)  }
0xb9: {  	s20 =	smulhi.u32 $0x10624DD3, s30;
	s17 =	sshra.s32 s30, $0x1F;
	s29 =	spop (v2sf)  }
0xba: {  	s15 =	sadd.s32 s10, s24;
	s17 =	smul.u32 $0x10624DD3, s17;
	s25 =	spop (v2sf)  }
0xbb: {  	s26 =	smulhi.u32 $0x10624DD3, s18;
	s10 =	sshra.s32 s18, $0x1F;
	s28 =	spop (v2sf)  }
0xbc: {  	s18 =	sadd.s32 s11, s0;
	s0 =	smul.u32 $0x10624DD3, s10;
	s10 =	spop (v2sf)  }
0xbd: {  	s12 =	sadd.s32 s12, s2;
	s2 =	smulhi.u32 $0x10624DD3, s29;
	s30 =	spop (v2sf)  }
0xbe: {  	s6 =	sadd.s32 s14, s16;
	s16 =	smulhi.u32 $0x10624DD3, s30;
	s11 =	sshra.s32 s30, $0x1F  }
0xbf: {  	s24 =	sshrl.u32 s15, $0x1F;
	s29 =	sshra.s32 s29, $0x1F;
	s11 =	smul.u32 $0x10624DD3, s11  }
0xc0: {  	v7 =	vmov s3;
	s17 =	sadd.s32 s17, s20;
	s20 =	sshrl.u32 s18, $0x1F;
	s30 =	smul.u32 $0x10624DD3, s29  }
0xc1: {  	v7 =	vsel vm0, s19, v7;
	s0 =	sadd.s32 s0, s26;
	s19 =	sshra.s32 s28, $0x1F;
	s14 =	sadd.s32 s11, s16  }
0xc2: {  	v7 =	vsel vm1, s1, v7;
	s19 =	smul.u32 $0x10624DD3, s19;
	s2 =	sadd.s32 s30, s2;
	s30 =	sshra.s32 s14, $0x1F  }
0xc3: {  	v7 =	vsel vm2, s13, v7;
	v41 =	vmov s24;
	s26 =	sshrl.u32 s17, $0x1F;
	s13 =	smulhi.u32 $0x10624DD3, s10;
	v6 =	vmov s30;
	s30 =	sshra.s32 s6, $0x6  }
0xc4: {  	v9 =	vsel vm0, s21, v41;
	s10 =	sshra.s32 s10, $0x1F;
	s11 =	sshrl.u32 s6, $0x1F;
	s6 =	sshra.s32 s6, $0x1F;
	v6 =	vsel vm3, s30, v6  }
0xc5: {  	v9 =	vsel vm1, s20, v9;
	s20 =	sshra.s32 s4, $0x6;
	s10 =	smul.u32 $0x10624DD3, s10;
	v40 =	vmov s11;
	s30 =	sshra.s32 s17, $0x6;
	v6 =	vsel vm9, s6, v6  }
0xc6: {  	s16 =	smulhi.u32 $0x10624DD3, s25;
	s25 =	sshra.s32 s25, $0x1F;
	v8 =	vnsel vm3, $0x0, v40;
	v6 =	vsel vm0, s30, v6;
	s30 =	sshra.s32 s17, $0x1F  }
0xc7: {  	s3 =	smul.u32 $0x10624DD3, s25;
	s25 =	sshrl.u32 s0, $0x1F;
	v8 =	vsel vm0, s26, v8;
	s17 =	sshra.s32 s0, $0x6;
	v6 =	vsel vm10, s30, v6  }
0xc8: {  	s11 =	smulhi.u32 $0x10624DD3, s28;
	s28 =	sshrl.u32 s2, $0x1F;
	v8 =	vsel vm1, s25, v8;
	s0 =	sshra.s32 s0, $0x1F;
	v6 =	vsel vm1, s17, v6  }
0xc9: {  	s29 =	sshrl.u32 s12, $0x1F;
	s10 =	sadd.s32 s10, s13;
	v8 =	vsel vm2, s28, v8;
	s28 =	sshra.s32 s2, $0x6;
	v6 =	vsel vm11, s0, v6  }
0xca: {  	v9 =	vsel vm2, s29, v9;
	s3 =	sadd.s32 s3, s16;
	s16 =	sshra.s32 s8, $0x6;
	s2 =	sshra.s32 s2, $0x1F;
	v6 =	vsel vm2, s28, v6  }
0xcb: {  	v7 =	vcombine.low v9, v7;
	s26 =	sshrl.u32 s3, $0x1F;
	s6 =	sadd.s32 s19, s11;
	s13 =	sshra.s32 s3, $0x6;
	v42 =	vmov s16;
	v6 =	vsel vm12, s2, v6  }
0xcc: {  	s19 =	sshra.s32 s3, $0x1F;
	s25 =	sshra.s32 s5, $0x6;
	v9 =	vsel vm0, s20, v42;
	v8 =	vsel vm4, s26, v8;
	s17 =	sshra.s32 s15, $0x6;
	v6 =	vsel vm4, s13, v6  }
0xcd: {  	s21 =	sshra.s32 s9, $0x6;
	s24 =	sshra.s32 s6, $0x6;
	s30 =	sshrl.u32 s6, $0x1F;
	v9 =	vsel vm1, s25, v9;
	v43 =	vmov s17;
	v6 =	vsel vm13, s19, v6  }
0xce: {  	s29 =	sshra.s32 s7, $0x6;
	s26 =	sshra.s32 s18, $0x6;
	v8 =	vsel vm5, s30, v8;
	v10 =	vsel vm0, s21, v43;
	s28 =	sshra.s32 s6, $0x1F;
	v6 =	vsel vm5, s24, v6  }
0xcf: {  	s11 =	sshrl.u32 s10, $0x1F;
	s3 =	sshra.s32 s10, $0x6;
	s30 =	sshra.s32 s12, $0x6;
	v9 =	vsel vm2, s29, v9;
	v10 =	vsel vm1, s26, v10;
	v6 =	vsel vm14, s28, v6  }
0xd0: {  	s4 =	sshrl.u32 s14, $0x1F;
	s5 =	sshra.s32 s10, $0x1F;
	v8 =	vsel vm6, s11, v8;
	v10 =	vsel vm2, s30, v10;
	v6 =	vsel vm6, s3, v6  }
0xd1: {  	v8 =	vsel vm7, s4, v8;
	s6 =	sshra.s32 s14, $0x6;
	v9 =	vcombine.low v10, v9;
	v6 =	vsel vm15, s5, v6  }
0xd2: {  	v7 =	vperm.xlane v7, v2;
	v8 =	vperm.xlane v8, v3;
	v6 =	vsel vm7, s6, v6  }
0xd3: {  	v9 =	vperm.xlane v9, v2;
	v6 =	vperm.xlane v6, v3;
	_ =	sdelay $0x1  }
0xd4: {  	v7 =	vsel vm8, v8, v7;
	v6 =	vsel vm8, v6, v9  }
0xd5: {  	v6 =	vadd.s32 v7, v6  }
0xd6: {  	v6 =	vmul.u32 $0x3E8, v6;
	_ =	sdelay $0x1  }
0xd7: {  	v5 =	vsub.s32 v5, v6  }
0xd8: {  	[tilespmem:s31+$0xFFFFFFE0] =	vst v5;
	v5 =	vld [tilespmem:s31+$0xFFFFFFF0];
	_ =	sdelay $0x4  }
0xd9: {  	(v2sf) =	vpush v5, $0xD;
	_ =	sdelay $0x1  }
0xda: {  	(v2sf) =	vpush v5, $0xC;
	_ =	sdelay $0x1  }
0xdb: {  	(v2sf) =	vpush v5, $0xE;
	_ =	sdelay $0x1  }
0xdc: {  	(v2sf) =	vpush v5, $0xF;
	_ =	sdelay $0x1  }
0xdd: {  	(v2sf) =	vpush v5, $0x9;
	_ =	sdelay $0x1  }
0xde: {  	(v2sf) =	vpush v5, $0x8;
	_ =	sdelay $0x1  }
0xdf: {  	(v2sf) =	vpush v5, $0xA;
	_ =	sdelay $0x1  }
0xe0: {  	(v2sf) =	vpush v5, $0xB  }
0xe1: {  	s7 =	spop (v2sf)  }
0xe2: {  	(v2sf) =	vpush v5, $0x0;
	s8 =	smulhi.u32 $0x10624DD3, s7;
	s0 =	sshra.s32 s7, $0x1F  }
0xe3: {  	(v2sf) =	vpush v5, $0x1;
	s9 =	spop (v2sf);
	s0 =	smul.u32 $0x10624DD3, s0  }
0xe4: {  	(v2sf) =	vpush v5, $0x2;
	s10 =	smulhi.u32 $0x10624DD3, s9;
	s2 =	sshra.s32 s9, $0x1F  }
0xe5: {  	(v2sf) =	vpush v5, $0x3;
	s11 =	spop (v2sf);
	s2 =	smul.u32 $0x10624DD3, s2  }
0xe6: {  	(v2sf) =	vpush v5, $0x4;
	s12 =	smulhi.u32 $0x10624DD3, s11;
	s4 =	sshra.s32 s11, $0x1F  }
0xe7: {  	(v2sf) =	vpush v5, $0x5;
	s14 =	spop (v2sf);
	s13 =	smul.u32 $0x10624DD3, s4  }
0xe8: {  	(v2sf) =	vpush v5, $0x6;
	s15 =	smulhi.u32 $0x10624DD3, s14;
	s16 =	sshra.s32 s14, $0x1F  }
0xe9: {  	s4 =	sadd.s32 s0, s8;
	s17 =	spop (v2sf);
	(v2sf) =	vpush v5, $0x7;
	s7 =	smul.u32 $0x10624DD3, s16  }
0xea: {  	s19 =	sshrl.u32 s4, $0x1F;
	s18 =	smulhi.u32 $0x10624DD3, s17;
	s1 =	sshra.s32 s17, $0x1F  }
0xeb: {  	s8 =	sadd.s32 s2, s10;
	s21 =	spop (v2sf);
	s20 =	smul.u32 $0x10624DD3, s1  }
0xec: {  	s3 =	sshrl.u32 s8, $0x1F;
	s24 =	smulhi.u32 $0x10624DD3, s21;
	s25 =	sshra.s32 s21, $0x1F  }
0xed: {  	s5 =	sadd.s32 s13, s12;
	s26 =	spop (v2sf);
	s10 =	smul.u32 $0x10624DD3, s25  }
0xee: {  	s1 =	sshrl.u32 s5, $0x1F;
	s0 =	smulhi.u32 $0x10624DD3, s26;
	s11 =	sshra.s32 s26, $0x1F  }
0xef: {  	s7 =	sadd.s32 s7, s15;
	s28 =	spop (v2sf);
	s11 =	smul.u32 $0x10624DD3, s11  }
0xf0: {  	s13 =	sshrl.u32 s7, $0x1F;
	s2 =	smulhi.u32 $0x10624DD3, s28;
	s12 =	sshra.s32 s28, $0x1F  }
0xf1: {  	s9 =	sadd.s32 s20, s18;
	s29 =	spop (v2sf);
	s12 =	smul.u32 $0x10624DD3, s12  }
0xf2: {  	s16 =	smulhi.u32 $0x10624DD3, s29;
	s14 =	sshra.s32 s29, $0x1F;
	s30 =	spop (v2sf)  }
0xf3: {  	s21 =	sshrl.u32 s9, $0x1F;
	s14 =	smul.u32 $0x10624DD3, s14;
	s18 =	spop (v2sf)  }
0xf4: {  	s20 =	smulhi.u32 $0x10624DD3, s30;
	s17 =	sshra.s32 s30, $0x1F;
	s29 =	spop (v2sf)  }
0xf5: {  	s15 =	sadd.s32 s10, s24;
	s17 =	smul.u32 $0x10624DD3, s17;
	s25 =	spop (v2sf)  }
0xf6: {  	s26 =	smulhi.u32 $0x10624DD3, s18;
	s10 =	sshra.s32 s18, $0x1F;
	s28 =	spop (v2sf)  }
0xf7: {  	s18 =	sadd.s32 s11, s0;
	s0 =	smul.u32 $0x10624DD3, s10;
	s10 =	spop (v2sf)  }
0xf8: {  	s12 =	sadd.s32 s12, s2;
	s2 =	smulhi.u32 $0x10624DD3, s29;
	s30 =	spop (v2sf)  }
0xf9: {  	s6 =	sadd.s32 s14, s16;
	s16 =	smulhi.u32 $0x10624DD3, s30;
	s11 =	sshra.s32 s30, $0x1F  }
0xfa: {  	s24 =	sshrl.u32 s15, $0x1F;
	s29 =	sshra.s32 s29, $0x1F;
	s11 =	smul.u32 $0x10624DD3, s11  }
0xfb: {  	v7 =	vmov s3;
	s17 =	sadd.s32 s17, s20;
	s20 =	sshrl.u32 s18, $0x1F;
	s30 =	smul.u32 $0x10624DD3, s29  }
0xfc: {  	v7 =	vsel vm0, s19, v7;
	s0 =	sadd.s32 s0, s26;
	s19 =	sshra.s32 s28, $0x1F;
	s14 =	sadd.s32 s11, s16  }
0xfd: {  	v7 =	vsel vm1, s1, v7;
	s19 =	smul.u32 $0x10624DD3, s19;
	s2 =	sadd.s32 s30, s2;
	s30 =	sshra.s32 s14, $0x1F  }
0xfe: {  	v7 =	vsel vm2, s13, v7;
	v45 =	vmov s24;
	s26 =	sshrl.u32 s17, $0x1F;
	s13 =	smulhi.u32 $0x10624DD3, s10;
	v6 =	vmov s30;
	s30 =	sshra.s32 s6, $0x6  }
0xff: {  	v9 =	vsel vm0, s21, v45;
	s10 =	sshra.s32 s10, $0x1F;
	s11 =	sshrl.u32 s6, $0x1F;
	s6 =	sshra.s32 s6, $0x1F;
	v6 =	vsel vm3, s30, v6  }
0x100: {  	v9 =	vsel vm1, s20, v9;
	s20 =	sshra.s32 s4, $0x6;
	s10 =	smul.u32 $0x10624DD3, s10;
	v44 =	vmov s11;
	s30 =	sshra.s32 s17, $0x6;
	v6 =	vsel vm9, s6, v6  }
0x101: {  	s16 =	smulhi.u32 $0x10624DD3, s25;
	s25 =	sshra.s32 s25, $0x1F;
	v8 =	vnsel vm3, $0x0, v44;
	v6 =	vsel vm0, s30, v6;
	s30 =	sshra.s32 s17, $0x1F  }
0x102: {  	s3 =	smul.u32 $0x10624DD3, s25;
	s25 =	sshrl.u32 s0, $0x1F;
	v8 =	vsel vm0, s26, v8;
	s17 =	sshra.s32 s0, $0x6;
	v6 =	vsel vm10, s30, v6  }
0x103: {  	s11 =	smulhi.u32 $0x10624DD3, s28;
	s28 =	sshrl.u32 s2, $0x1F;
	v8 =	vsel vm1, s25, v8;
	s0 =	sshra.s32 s0, $0x1F;
	v6 =	vsel vm1, s17, v6  }
0x104: {  	s29 =	sshrl.u32 s12, $0x1F;
	s10 =	sadd.s32 s10, s13;
	v8 =	vsel vm2, s28, v8;
	s28 =	sshra.s32 s2, $0x6;
	v6 =	vsel vm11, s0, v6  }
0x105: {  	v9 =	vsel vm2, s29, v9;
	s3 =	sadd.s32 s3, s16;
	s16 =	sshra.s32 s8, $0x6;
	s2 =	sshra.s32 s2, $0x1F;
	v6 =	vsel vm2, s28, v6  }
0x106: {  	v7 =	vcombine.low v9, v7;
	s26 =	sshrl.u32 s3, $0x1F;
	s6 =	sadd.s32 s19, s11;
	s13 =	sshra.s32 s3, $0x6;
	v46 =	vmov s16;
	v6 =	vsel vm12, s2, v6  }
0x107: {  	s19 =	sshra.s32 s3, $0x1F;
	s25 =	sshra.s32 s5, $0x6;
	v9 =	vsel vm0, s20, v46;
	v8 =	vsel vm4, s26, v8;
	s17 =	sshra.s32 s15, $0x6;
	v6 =	vsel vm4, s13, v6  }
0x108: {  	s21 =	sshra.s32 s9, $0x6;
	s24 =	sshra.s32 s6, $0x6;
	s30 =	sshrl.u32 s6, $0x1F;
	v9 =	vsel vm1, s25, v9;
	v47 =	vmov s17;
	v6 =	vsel vm13, s19, v6  }
0x109: {  	s29 =	sshra.s32 s7, $0x6;
	s26 =	sshra.s32 s18, $0x6;
	v8 =	vsel vm5, s30, v8;
	v10 =	vsel vm0, s21, v47;
	s28 =	sshra.s32 s6, $0x1F;
	v6 =	vsel vm5, s24, v6  }
0x10a: {  	s11 =	sshrl.u32 s10, $0x1F;
	s3 =	sshra.s32 s10, $0x6;
	s30 =	sshra.s32 s12, $0x6;
	v9 =	vsel vm2, s29, v9;
	v10 =	vsel vm1, s26, v10;
	v6 =	vsel vm14, s28, v6  }
0x10b: {  	s4 =	sshrl.u32 s14, $0x1F;
	s5 =	sshra.s32 s10, $0x1F;
	v8 =	vsel vm6, s11, v8;
	v10 =	vsel vm2, s30, v10;
	v6 =	vsel vm6, s3, v6  }
0x10c: {  	v8 =	vsel vm7, s4, v8;
	s6 =	sshra.s32 s14, $0x6;
	v9 =	vcombine.low v10, v9;
	v6 =	vsel vm15, s5, v6  }
0x10d: {  	v7 =	vperm.xlane v7, v2;
	v8 =	vperm.xlane v8, v3;
	v6 =	vsel vm7, s6, v6  }
0x10e: {  	v9 =	vperm.xlane v9, v2;
	v6 =	vperm.xlane v6, v3;
	_ =	sdelay $0x1  }
0x10f: {  	v7 =	vsel vm8, v8, v7;
	v6 =	vsel vm8, v6, v9  }
0x110: {  	v6 =	vadd.s32 v7, v6  }
0x111: {  	v6 =	vmul.u32 $0x3E8, v6;
	_ =	sdelay $0x1  }
0x112: {  	v5 =	vsub.s32 v5, v6  }
0x113: {  	[tilespmem:s31+$0xFFFFFFF0] =	vst v5;
	v5 =	vld [tilespmem:s31+$0x0];
	_ =	sdelay $0x4  }
0x114: {  	(v2sf) =	vpush v5, $0xD;
	_ =	sdelay $0x1  }
0x115: {  	(v2sf) =	vpush v5, $0xC;
	_ =	sdelay $0x1  }
0x116: {  	(v2sf) =	vpush v5, $0xE;
	_ =	sdelay $0x1  }
0x117: {  	(v2sf) =	vpush v5, $0xF;
	_ =	sdelay $0x1  }
0x118: {  	(v2sf) =	vpush v5, $0x9;
	_ =	sdelay $0x1  }
0x119: {  	(v2sf) =	vpush v5, $0x8;
	_ =	sdelay $0x1  }
0x11a: {  	(v2sf) =	vpush v5, $0xA;
	_ =	sdelay $0x1  }
0x11b: {  	(v2sf) =	vpush v5, $0xB  }
0x11c: {  	s7 =	spop (v2sf)  }
0x11d: {  	(v2sf) =	vpush v5, $0x0;
	s8 =	smulhi.u32 $0x10624DD3, s7;
	s0 =	sshra.s32 s7, $0x1F  }
0x11e: {  	(v2sf) =	vpush v5, $0x1;
	s9 =	spop (v2sf);
	s0 =	smul.u32 $0x10624DD3, s0  }
0x11f: {  	(v2sf) =	vpush v5, $0x2;
	s10 =	smulhi.u32 $0x10624DD3, s9;
	s2 =	sshra.s32 s9, $0x1F  }
0x120: {  	(v2sf) =	vpush v5, $0x3;
	s11 =	spop (v2sf);
	s2 =	smul.u32 $0x10624DD3, s2  }
0x121: {  	(v2sf) =	vpush v5, $0x4;
	s12 =	smulhi.u32 $0x10624DD3, s11;
	s4 =	sshra.s32 s11, $0x1F  }
0x122: {  	(v2sf) =	vpush v5, $0x5;
	s14 =	spop (v2sf);
	s13 =	smul.u32 $0x10624DD3, s4  }
0x123: {  	(v2sf) =	vpush v5, $0x6;
	s15 =	smulhi.u32 $0x10624DD3, s14;
	s16 =	sshra.s32 s14, $0x1F  }
0x124: {  	s4 =	sadd.s32 s0, s8;
	s17 =	spop (v2sf);
	(v2sf) =	vpush v5, $0x7;
	s7 =	smul.u32 $0x10624DD3, s16  }
0x125: {  	s19 =	sshrl.u32 s4, $0x1F;
	s18 =	smulhi.u32 $0x10624DD3, s17;
	s1 =	sshra.s32 s17, $0x1F  }
0x126: {  	s8 =	sadd.s32 s2, s10;
	s21 =	spop (v2sf);
	s20 =	smul.u32 $0x10624DD3, s1  }
0x127: {  	s3 =	sshrl.u32 s8, $0x1F;
	s24 =	smulhi.u32 $0x10624DD3, s21;
	s25 =	sshra.s32 s21, $0x1F  }
0x128: {  	s5 =	sadd.s32 s13, s12;
	s26 =	spop (v2sf);
	s10 =	smul.u32 $0x10624DD3, s25  }
0x129: {  	s1 =	sshrl.u32 s5, $0x1F;
	s0 =	smulhi.u32 $0x10624DD3, s26;
	s11 =	sshra.s32 s26, $0x1F  }
0x12a: {  	s7 =	sadd.s32 s7, s15;
	s28 =	spop (v2sf);
	s11 =	smul.u32 $0x10624DD3, s11  }
0x12b: {  	s13 =	sshrl.u32 s7, $0x1F;
	s2 =	smulhi.u32 $0x10624DD3, s28;
	s12 =	sshra.s32 s28, $0x1F  }
0x12c: {  	s9 =	sadd.s32 s20, s18;
	s29 =	spop (v2sf);
	s12 =	smul.u32 $0x10624DD3, s12  }
0x12d: {  	s16 =	smulhi.u32 $0x10624DD3, s29;
	s14 =	sshra.s32 s29, $0x1F;
	s30 =	spop (v2sf)  }
0x12e: {  	s21 =	sshrl.u32 s9, $0x1F;
	s14 =	smul.u32 $0x10624DD3, s14;
	s18 =	spop (v2sf)  }
0x12f: {  	s20 =	smulhi.u32 $0x10624DD3, s30;
	s17 =	sshra.s32 s30, $0x1F;
	s29 =	spop (v2sf)  }
0x130: {  	s15 =	sadd.s32 s10, s24;
	s17 =	smul.u32 $0x10624DD3, s17;
	s25 =	spop (v2sf)  }
0x131: {  	s26 =	smulhi.u32 $0x10624DD3, s18;
	s10 =	sshra.s32 s18, $0x1F;
	s28 =	spop (v2sf)  }
0x132: {  	s18 =	sadd.s32 s11, s0;
	s0 =	smul.u32 $0x10624DD3, s10;
	s10 =	spop (v2sf)  }
0x133: {  	s12 =	sadd.s32 s12, s2;
	s2 =	smulhi.u32 $0x10624DD3, s29;
	s30 =	spop (v2sf)  }
0x134: {  	s6 =	sadd.s32 s14, s16;
	s16 =	smulhi.u32 $0x10624DD3, s30;
	s11 =	sshra.s32 s30, $0x1F  }
0x135: {  	s24 =	sshrl.u32 s15, $0x1F;
	s29 =	sshra.s32 s29, $0x1F;
	s11 =	smul.u32 $0x10624DD3, s11  }
0x136: {  	v7 =	vmov s3;
	s17 =	sadd.s32 s17, s20;
	s20 =	sshrl.u32 s18, $0x1F;
	s30 =	smul.u32 $0x10624DD3, s29  }
0x137: {  	v7 =	vsel vm0, s19, v7;
	s0 =	sadd.s32 s0, s26;
	s19 =	sshra.s32 s28, $0x1F;
	s14 =	sadd.s32 s11, s16  }
0x138: {  	v7 =	vsel vm1, s1, v7;
	s19 =	smul.u32 $0x10624DD3, s19;
	s2 =	sadd.s32 s30, s2;
	s30 =	sshra.s32 s14, $0x1F  }
0x139: {  	v7 =	vsel vm2, s13, v7;
	v49 =	vmov s24;
	s26 =	sshrl.u32 s17, $0x1F;
	s13 =	smulhi.u32 $0x10624DD3, s10;
	v6 =	vmov s30;
	s30 =	sshra.s32 s6, $0x6  }
0x13a: {  	v9 =	vsel vm0, s21, v49;
	s10 =	sshra.s32 s10, $0x1F;
	s11 =	sshrl.u32 s6, $0x1F;
	s6 =	sshra.s32 s6, $0x1F;
	v6 =	vsel vm3, s30, v6  }
0x13b: {  	v9 =	vsel vm1, s20, v9;
	s20 =	sshra.s32 s4, $0x6;
	s10 =	smul.u32 $0x10624DD3, s10;
	v48 =	vmov s11;
	s30 =	sshra.s32 s17, $0x6;
	v6 =	vsel vm9, s6, v6  }
0x13c: {  	s16 =	smulhi.u32 $0x10624DD3, s25;
	s25 =	sshra.s32 s25, $0x1F;
	v8 =	vnsel vm3, $0x0, v48;
	v6 =	vsel vm0, s30, v6;
	s30 =	sshra.s32 s17, $0x1F  }
0x13d: {  	s3 =	smul.u32 $0x10624DD3, s25;
	s25 =	sshrl.u32 s0, $0x1F;
	v8 =	vsel vm0, s26, v8;
	s17 =	sshra.s32 s0, $0x6;
	v6 =	vsel vm10, s30, v6  }
0x13e: {  	s11 =	smulhi.u32 $0x10624DD3, s28;
	s28 =	sshrl.u32 s2, $0x1F;
	v8 =	vsel vm1, s25, v8;
	s0 =	sshra.s32 s0, $0x1F;
	v6 =	vsel vm1, s17, v6  }
0x13f: {  	s29 =	sshrl.u32 s12, $0x1F;
	s10 =	sadd.s32 s10, s13;
	v8 =	vsel vm2, s28, v8;
	s28 =	sshra.s32 s2, $0x6;
	v6 =	vsel vm11, s0, v6  }
0x140: {  	v9 =	vsel vm2, s29, v9;
	s3 =	sadd.s32 s3, s16;
	s16 =	sshra.s32 s8, $0x6;
	s2 =	sshra.s32 s2, $0x1F;
	v6 =	vsel vm2, s28, v6  }
0x141: {  	v7 =	vcombine.low v9, v7;
	s26 =	sshrl.u32 s3, $0x1F;
	s6 =	sadd.s32 s19, s11;
	s13 =	sshra.s32 s3, $0x6;
	v50 =	vmov s16;
	v6 =	vsel vm12, s2, v6  }
0x142: {  	s19 =	sshra.s32 s3, $0x1F;
	s25 =	sshra.s32 s5, $0x6;
	v9 =	vsel vm0, s20, v50;
	v8 =	vsel vm4, s26, v8;
	s17 =	sshra.s32 s15, $0x6;
	v6 =	vsel vm4, s13, v6  }
0x143: {  	s21 =	sshra.s32 s9, $0x6;
	s24 =	sshra.s32 s6, $0x6;
	s30 =	sshrl.u32 s6, $0x1F;
	v9 =	vsel vm1, s25, v9;
	v51 =	vmov s17;
	v6 =	vsel vm13, s19, v6  }
0x144: {  	s29 =	sshra.s32 s7, $0x6;
	s26 =	sshra.s32 s18, $0x6;
	v8 =	vsel vm5, s30, v8;
	v10 =	vsel vm0, s21, v51;
	s28 =	sshra.s32 s6, $0x1F;
	v6 =	vsel vm5, s24, v6  }
0x145: {  	s11 =	sshrl.u32 s10, $0x1F;
	s3 =	sshra.s32 s10, $0x6;
	s30 =	sshra.s32 s12, $0x6;
	v9 =	vsel vm2, s29, v9;
	v10 =	vsel vm1, s26, v10;
	v6 =	vsel vm14, s28, v6  }
0x146: {  	s4 =	sshrl.u32 s14, $0x1F;
	s5 =	sshra.s32 s10, $0x1F;
	v8 =	vsel vm6, s11, v8;
	v10 =	vsel vm2, s30, v10;
	v6 =	vsel vm6, s3, v6  }
0x147: {  	v8 =	vsel vm7, s4, v8;
	s6 =	sshra.s32 s14, $0x6;
	v9 =	vcombine.low v10, v9;
	v6 =	vsel vm15, s5, v6  }
0x148: {  	v7 =	vperm.xlane v7, v2;
	v8 =	vperm.xlane v8, v3;
	v6 =	vsel vm7, s6, v6  }
0x149: {  	v9 =	vperm.xlane v9, v2;
	v6 =	vperm.xlane v6, v3;
	_ =	sdelay $0x1  }
0x14a: {  	v7 =	vsel vm8, v8, v7;
	v6 =	vsel vm8, v6, v9  }
0x14b: {  	v6 =	vadd.s32 v7, v6  }
0x14c: {  	v6 =	vmul.u32 $0x3E8, v6;
	_ =	sdelay $0x1  }
0x14d: {  	v5 =	vsub.s32 v5, v6  }
0x14e: {  	[tilespmem:s31+$0x0] =	vst v5;
	v5 =	vld [tilespmem:s31+$0x10];
	_ =	sdelay $0x4  }
0x14f: {  	(v2sf) =	vpush v5, $0xD;
	_ =	sdelay $0x1  }
0x150: {  	(v2sf) =	vpush v5, $0xC;
	_ =	sdelay $0x1  }
0x151: {  	(v2sf) =	vpush v5, $0xE;
	_ =	sdelay $0x1  }
0x152: {  	(v2sf) =	vpush v5, $0xF;
	_ =	sdelay $0x1  }
0x153: {  	(v2sf) =	vpush v5, $0x9;
	_ =	sdelay $0x1  }
0x154: {  	(v2sf) =	vpush v5, $0x8;
	_ =	sdelay $0x1  }
0x155: {  	(v2sf) =	vpush v5, $0xA;
	_ =	sdelay $0x1  }
0x156: {  	(v2sf) =	vpush v5, $0xB  }
0x157: {  	s7 =	spop (v2sf)  }
0x158: {  	(v2sf) =	vpush v5, $0x0;
	s8 =	smulhi.u32 $0x10624DD3, s7;
	s0 =	sshra.s32 s7, $0x1F  }
0x159: {  	(v2sf) =	vpush v5, $0x1;
	s9 =	spop (v2sf);
	s0 =	smul.u32 $0x10624DD3, s0  }
0x15a: {  	(v2sf) =	vpush v5, $0x2;
	s10 =	smulhi.u32 $0x10624DD3, s9;
	s2 =	sshra.s32 s9, $0x1F  }
0x15b: {  	(v2sf) =	vpush v5, $0x3;
	s11 =	spop (v2sf);
	s2 =	smul.u32 $0x10624DD3, s2  }
0x15c: {  	(v2sf) =	vpush v5, $0x4;
	s12 =	smulhi.u32 $0x10624DD3, s11;
	s4 =	sshra.s32 s11, $0x1F  }
0x15d: {  	(v2sf) =	vpush v5, $0x5;
	s14 =	spop (v2sf);
	s13 =	smul.u32 $0x10624DD3, s4  }
0x15e: {  	(v2sf) =	vpush v5, $0x6;
	s15 =	smulhi.u32 $0x10624DD3, s14;
	s16 =	sshra.s32 s14, $0x1F  }
0x15f: {  	s4 =	sadd.s32 s0, s8;
	s17 =	spop (v2sf);
	(v2sf) =	vpush v5, $0x7;
	s7 =	smul.u32 $0x10624DD3, s16  }
0x160: {  	s19 =	sshrl.u32 s4, $0x1F;
	s18 =	smulhi.u32 $0x10624DD3, s17;
	s1 =	sshra.s32 s17, $0x1F  }
0x161: {  	s8 =	sadd.s32 s2, s10;
	s21 =	spop (v2sf);
	s20 =	smul.u32 $0x10624DD3, s1  }
0x162: {  	s3 =	sshrl.u32 s8, $0x1F;
	s24 =	smulhi.u32 $0x10624DD3, s21;
	s25 =	sshra.s32 s21, $0x1F  }
0x163: {  	s5 =	sadd.s32 s13, s12;
	s26 =	spop (v2sf);
	s10 =	smul.u32 $0x10624DD3, s25  }
0x164: {  	s1 =	sshrl.u32 s5, $0x1F;
	s0 =	smulhi.u32 $0x10624DD3, s26;
	s11 =	sshra.s32 s26, $0x1F  }
0x165: {  	s7 =	sadd.s32 s7, s15;
	s28 =	spop (v2sf);
	s11 =	smul.u32 $0x10624DD3, s11  }
0x166: {  	s13 =	sshrl.u32 s7, $0x1F;
	s2 =	smulhi.u32 $0x10624DD3, s28;
	s12 =	sshra.s32 s28, $0x1F  }
0x167: {  	s9 =	sadd.s32 s20, s18;
	s29 =	spop (v2sf);
	s12 =	smul.u32 $0x10624DD3, s12  }
0x168: {  	s16 =	smulhi.u32 $0x10624DD3, s29;
	s14 =	sshra.s32 s29, $0x1F;
	s30 =	spop (v2sf)  }
0x169: {  	s21 =	sshrl.u32 s9, $0x1F;
	s14 =	smul.u32 $0x10624DD3, s14;
	s18 =	spop (v2sf)  }
0x16a: {  	s20 =	smulhi.u32 $0x10624DD3, s30;
	s17 =	sshra.s32 s30, $0x1F;
	s29 =	spop (v2sf)  }
0x16b: {  	s15 =	sadd.s32 s10, s24;
	s17 =	smul.u32 $0x10624DD3, s17;
	s25 =	spop (v2sf)  }
0x16c: {  	s26 =	smulhi.u32 $0x10624DD3, s18;
	s10 =	sshra.s32 s18, $0x1F;
	s28 =	spop (v2sf)  }
0x16d: {  	s18 =	sadd.s32 s11, s0;
	s0 =	smul.u32 $0x10624DD3, s10;
	s10 =	spop (v2sf)  }
0x16e: {  	s12 =	sadd.s32 s12, s2;
	s2 =	smulhi.u32 $0x10624DD3, s29;
	s30 =	spop (v2sf)  }
0x16f: {  	s6 =	sadd.s32 s14, s16;
	s16 =	smulhi.u32 $0x10624DD3, s30;
	s11 =	sshra.s32 s30, $0x1F  }
0x170: {  	s24 =	sshrl.u32 s15, $0x1F;
	s29 =	sshra.s32 s29, $0x1F;
	s11 =	smul.u32 $0x10624DD3, s11  }
0x171: {  	v7 =	vmov s3;
	s17 =	sadd.s32 s17, s20;
	s20 =	sshrl.u32 s18, $0x1F;
	s30 =	smul.u32 $0x10624DD3, s29  }
0x172: {  	v7 =	vsel vm0, s19, v7;
	s0 =	sadd.s32 s0, s26;
	s19 =	sshra.s32 s28, $0x1F;
	s14 =	sadd.s32 s11, s16  }
0x173: {  	v7 =	vsel vm1, s1, v7;
	s19 =	smul.u32 $0x10624DD3, s19;
	s2 =	sadd.s32 s30, s2;
	s30 =	sshra.s32 s14, $0x1F  }
0x174: {  	v7 =	vsel vm2, s13, v7;
	v53 =	vmov s24;
	s26 =	sshrl.u32 s17, $0x1F;
	s13 =	smulhi.u32 $0x10624DD3, s10;
	v6 =	vmov s30;
	s30 =	sshra.s32 s6, $0x6  }
0x175: {  	v9 =	vsel vm0, s21, v53;
	s10 =	sshra.s32 s10, $0x1F;
	s11 =	sshrl.u32 s6, $0x1F;
	s6 =	sshra.s32 s6, $0x1F;
	v6 =	vsel vm3, s30, v6  }
0x176: {  	v9 =	vsel vm1, s20, v9;
	s20 =	sshra.s32 s4, $0x6;
	s10 =	smul.u32 $0x10624DD3, s10;
	v52 =	vmov s11;
	s30 =	sshra.s32 s17, $0x6;
	v6 =	vsel vm9, s6, v6  }
0x177: {  	s16 =	smulhi.u32 $0x10624DD3, s25;
	s25 =	sshra.s32 s25, $0x1F;
	v8 =	vnsel vm3, $0x0, v52;
	v6 =	vsel vm0, s30, v6;
	s30 =	sshra.s32 s17, $0x1F  }
0x178: {  	s3 =	smul.u32 $0x10624DD3, s25;
	s25 =	sshrl.u32 s0, $0x1F;
	v8 =	vsel vm0, s26, v8;
	s17 =	sshra.s32 s0, $0x6;
	v6 =	vsel vm10, s30, v6  }
0x179: {  	s11 =	smulhi.u32 $0x10624DD3, s28;
	s28 =	sshrl.u32 s2, $0x1F;
	v8 =	vsel vm1, s25, v8;
	s0 =	sshra.s32 s0, $0x1F;
	v6 =	vsel vm1, s17, v6  }
0x17a: {  	s29 =	sshrl.u32 s12, $0x1F;
	s10 =	sadd.s32 s10, s13;
	v8 =	vsel vm2, s28, v8;
	s28 =	sshra.s32 s2, $0x6;
	v6 =	vsel vm11, s0, v6  }
0x17b: {  	v9 =	vsel vm2, s29, v9;
	s3 =	sadd.s32 s3, s16;
	s16 =	sshra.s32 s8, $0x6;
	s2 =	sshra.s32 s2, $0x1F;
	v6 =	vsel vm2, s28, v6  }
0x17c: {  	v7 =	vcombine.low v9, v7;
	s26 =	sshrl.u32 s3, $0x1F;
	s6 =	sadd.s32 s19, s11;
	s13 =	sshra.s32 s3, $0x6;
	v54 =	vmov s16;
	v6 =	vsel vm12, s2, v6  }
0x17d: {  	s19 =	sshra.s32 s3, $0x1F;
	s25 =	sshra.s32 s5, $0x6;
	v9 =	vsel vm0, s20, v54;
	v8 =	vsel vm4, s26, v8;
	s17 =	sshra.s32 s15, $0x6;
	v6 =	vsel vm4, s13, v6  }
0x17e: {  	s21 =	sshra.s32 s9, $0x6;
	s24 =	sshra.s32 s6, $0x6;
	s30 =	sshrl.u32 s6, $0x1F;
	v9 =	vsel vm1, s25, v9;
	v55 =	vmov s17;
	v6 =	vsel vm13, s19, v6  }
0x17f: {  	s29 =	sshra.s32 s7, $0x6;
	s26 =	sshra.s32 s18, $0x6;
	v8 =	vsel vm5, s30, v8;
	v10 =	vsel vm0, s21, v55;
	s28 =	sshra.s32 s6, $0x1F;
	v6 =	vsel vm5, s24, v6  }
0x180: {  	s11 =	sshrl.u32 s10, $0x1F;
	s3 =	sshra.s32 s10, $0x6;
	s30 =	sshra.s32 s12, $0x6;
	v9 =	vsel vm2, s29, v9;
	v10 =	vsel vm1, s26, v10;
	v6 =	vsel vm14, s28, v6  }
0x181: {  	s4 =	sshrl.u32 s14, $0x1F;
	s5 =	sshra.s32 s10, $0x1F;
	v8 =	vsel vm6, s11, v8;
	v10 =	vsel vm2, s30, v10;
	v6 =	vsel vm6, s3, v6  }
0x182: {  	v8 =	vsel vm7, s4, v8;
	s6 =	sshra.s32 s14, $0x6;
	v9 =	vcombine.low v10, v9;
	v6 =	vsel vm15, s5, v6  }
0x183: {  	v7 =	vperm.xlane v7, v2;
	v8 =	vperm.xlane v8, v3;
	v6 =	vsel vm7, s6, v6  }
0x184: {  	v9 =	vperm.xlane v9, v2;
	v6 =	vperm.xlane v6, v3;
	_ =	sdelay $0x1  }
0x185: {  	v7 =	vsel vm8, v8, v7;
	v6 =	vsel vm8, v6, v9  }
0x186: {  	v6 =	vadd.s32 v7, v6  }
0x187: {  	v6 =	vmul.u32 $0x3E8, v6;
	_ =	sdelay $0x1  }
0x188: {  	v5 =	vsub.s32 v5, v6  }
0x189: {  	[tilespmem:s31+$0x10] =	vst v5;
	v5 =	vld [tilespmem:s31+$0x20];
	_ =	sdelay $0x4  }
0x18a: {  	(v2sf) =	vpush v5, $0xD;
	_ =	sdelay $0x1  }
0x18b: {  	(v2sf) =	vpush v5, $0xC;
	_ =	sdelay $0x1  }
0x18c: {  	(v2sf) =	vpush v5, $0xE;
	_ =	sdelay $0x1  }
0x18d: {  	(v2sf) =	vpush v5, $0xF;
	_ =	sdelay $0x1  }
0x18e: {  	(v2sf) =	vpush v5, $0x9;
	_ =	sdelay $0x1  }
0x18f: {  	(v2sf) =	vpush v5, $0x8;
	_ =	sdelay $0x1  }
0x190: {  	(v2sf) =	vpush v5, $0xA;
	_ =	sdelay $0x1  }
0x191: {  	(v2sf) =	vpush v5, $0xB  }
0x192: {  	s7 =	spop (v2sf)  }
0x193: {  	(v2sf) =	vpush v5, $0x0;
	s8 =	smulhi.u32 $0x10624DD3, s7;
	s0 =	sshra.s32 s7, $0x1F  }
0x194: {  	(v2sf) =	vpush v5, $0x1;
	s9 =	spop (v2sf);
	s0 =	smul.u32 $0x10624DD3, s0  }
0x195: {  	(v2sf) =	vpush v5, $0x2;
	s10 =	smulhi.u32 $0x10624DD3, s9;
	s2 =	sshra.s32 s9, $0x1F  }
0x196: {  	(v2sf) =	vpush v5, $0x3;
	s11 =	spop (v2sf);
	s2 =	smul.u32 $0x10624DD3, s2  }
0x197: {  	(v2sf) =	vpush v5, $0x4;
	s12 =	smulhi.u32 $0x10624DD3, s11;
	s4 =	sshra.s32 s11, $0x1F  }
0x198: {  	s14 =	spop (v2sf);
	(v2sf) =	vpush v5, $0x5;
	s13 =	smul.u32 $0x10624DD3, s4  }
0x199: {  	s15 =	smulhi.u32 $0x10624DD3, s14;
	s16 =	sshra.s32 s14, $0x1F;
	(v2sf) =	vpush v5, $0x6  }
0x19a: {  	s4 =	sadd.s32 s0, s8;
	s17 =	spop (v2sf);
	s7 =	smul.u32 $0x10624DD3, s16;
	(v2sf) =	vpush v5, $0x7  }
0x19b: {  	s19 =	sshrl.u32 s4, $0x1F;
	s18 =	smulhi.u32 $0x10624DD3, s17;
	s1 =	sshra.s32 s17, $0x1F  }
0x19c: {  	s8 =	sadd.s32 s2, s10;
	s21 =	spop (v2sf);
	s20 =	smul.u32 $0x10624DD3, s1  }
0x19d: {  	s3 =	sshrl.u32 s8, $0x1F;
	s24 =	smulhi.u32 $0x10624DD3, s21;
	s25 =	sshra.s32 s21, $0x1F  }
0x19e: {  	s5 =	sadd.s32 s13, s12;
	s26 =	spop (v2sf);
	s10 =	smul.u32 $0x10624DD3, s25  }
0x19f: {  	s1 =	sshrl.u32 s5, $0x1F;
	s0 =	smulhi.u32 $0x10624DD3, s26;
	s11 =	sshra.s32 s26, $0x1F  }
0x1a0: {  	s7 =	sadd.s32 s7, s15;
	s28 =	spop (v2sf);
	s11 =	smul.u32 $0x10624DD3, s11  }
0x1a1: {  	s13 =	sshrl.u32 s7, $0x1F;
	s2 =	smulhi.u32 $0x10624DD3, s28;
	s12 =	sshra.s32 s28, $0x1F  }
0x1a2: {  	s9 =	sadd.s32 s20, s18;
	s29 =	spop (v2sf);
	s12 =	smul.u32 $0x10624DD3, s12  }
0x1a3: {  	s16 =	smulhi.u32 $0x10624DD3, s29;
	s14 =	sshra.s32 s29, $0x1F;
	s30 =	spop (v2sf)  }
0x1a4: {  	s21 =	sshrl.u32 s9, $0x1F;
	s14 =	smul.u32 $0x10624DD3, s14;
	s18 =	spop (v2sf)  }
0x1a5: {  	s20 =	smulhi.u32 $0x10624DD3, s30;
	s17 =	sshra.s32 s30, $0x1F;
	s29 =	spop (v2sf)  }
0x1a6: {  	s15 =	sadd.s32 s10, s24;
	s17 =	smul.u32 $0x10624DD3, s17;
	s25 =	spop (v2sf)  }
0x1a7: {  	s26 =	smulhi.u32 $0x10624DD3, s18;
	s10 =	sshra.s32 s18, $0x1F;
	s28 =	spop (v2sf)  }
0x1a8: {  	s18 =	sadd.s32 s11, s0;
	s0 =	smul.u32 $0x10624DD3, s10;
	s10 =	spop (v2sf)  }
0x1a9: {  	s12 =	sadd.s32 s12, s2;
	s2 =	smulhi.u32 $0x10624DD3, s29;
	s30 =	spop (v2sf)  }
0x1aa: {  	s6 =	sadd.s32 s14, s16;
	s16 =	smulhi.u32 $0x10624DD3, s30;
	s11 =	sshra.s32 s30, $0x1F  }
0x1ab: {  	s24 =	sshrl.u32 s15, $0x1F;
	s29 =	sshra.s32 s29, $0x1F;
	s11 =	smul.u32 $0x10624DD3, s11  }
0x1ac: {  	v57 =	vmov s24;
	s17 =	sadd.s32 s17, s20;
	s20 =	sshrl.u32 s18, $0x1F;
	s30 =	smul.u32 $0x10624DD3, s29  }
0x1ad: {  	v9 =	vsel vm0, s21, v57;
	s0 =	sadd.s32 s0, s26;
	s26 =	sshrl.u32 s17, $0x1F;
	s14 =	sadd.s32 s11, s16  }
0x1ae: {  	v9 =	vsel vm1, s20, v9;
	s29 =	sshrl.u32 s12, $0x1F;
	s2 =	sadd.s32 s30, s2;
	s30 =	sshra.s32 s14, $0x1F  }
0x1af: {  	v9 =	vsel vm2, s29, v9;
	s29 =	sshra.s32 s4, $0x6;
	s11 =	sshrl.u32 s6, $0x1F;
	v6 =	vmov s30;
	s30 =	sshra.s32 s6, $0x6  }
0x1b0: {  	s16 =	smulhi.u32 $0x10624DD3, s25;
	s25 =	sshra.s32 s25, $0x1F;
	s6 =	sshra.s32 s6, $0x1F;
	v6 =	vsel vm3, s30, v6  }
0x1b1: {  	v7 =	vmov s3;
	s20 =	sshra.s32 s2, $0x1F;
	s3 =	smul.u32 $0x10624DD3, s25;
	s30 =	sshra.s32 s17, $0x6;
	v6 =	vsel vm9, s6, v6  }
0x1b2: {  	v56 =	vmov s11;
	s11 =	smulhi.u32 $0x10624DD3, s28;
	s28 =	sshra.s32 s28, $0x1F;
	s17 =	sshra.s32 s17, $0x1F;
	v6 =	vsel vm0, s30, v6  }
0x1b3: {  	v7 =	vsel vm0, s19, v7;
	s25 =	sshrl.u32 s0, $0x1F;
	s19 =	smul.u32 $0x10624DD3, s28;
	s30 =	sshra.s32 s0, $0x6;
	v6 =	vsel vm10, s17, v6  }
0x1b4: {  	v7 =	vsel vm1, s1, v7;
	v8 =	vnsel vm3, $0x0, v56;
	s28 =	smulhi.u32 $0x10624DD3, s10;
	s10 =	sshra.s32 s10, $0x1F;
	s0 =	sshra.s32 s0, $0x1F;
	v6 =	vsel vm1, s30, v6  }
0x1b5: {  	v7 =	vsel vm2, s13, v7;
	v8 =	vsel vm0, s26, v8;
	s3 =	sadd.s32 s3, s16;
	s10 =	smul.u32 $0x10624DD3, s10;
	s17 =	sshra.s32 s2, $0x6;
	v6 =	vsel vm11, s0, v6  }
0x1b6: {  	v7 =	vcombine.low v9, v7;
	s26 =	sshra.s32 s15, $0x6;
	s6 =	sshrl.u32 s2, $0x1F;
	v8 =	vsel vm1, s25, v8;
	s16 =	sshrl.u32 s3, $0x1F;
	v6 =	vsel vm2, s17, v6  }
0x1b7: {  	s24 =	sshra.s32 s3, $0x6;
	s25 =	sshra.s32 s8, $0x6;
	v59 =	vmov s26;
	v8 =	vsel vm2, s6, v8;
	s6 =	sadd.s32 s19, s11;
	v6 =	vsel vm12, s20, v6  }
0x1b8: {  	s10 =	sadd.s32 s10, s28;
	s28 =	sshra.s32 s3, $0x1F;
	v58 =	vmov s25;
	v8 =	vsel vm4, s16, v8;
	s19 =	sshrl.u32 s6, $0x1F;
	v6 =	vsel vm4, s24, v6  }
0x1b9: {  	s5 =	sshra.s32 s5, $0x6;
	s4 =	sshra.s32 s6, $0x6;
	v9 =	vsel vm0, s29, v58;
	v8 =	vsel vm5, s19, v8;
	s30 =	sshra.s32 s9, $0x6;
	v6 =	vsel vm13, s28, v6  }
0x1ba: {  	s8 =	sshra.s32 s18, $0x6;
	s21 =	sshrl.u32 s10, $0x1F;
	s9 =	sshra.s32 s6, $0x1F;
	v9 =	vsel vm1, s5, v9;
	v10 =	vsel vm0, s30, v59;
	v6 =	vsel vm5, s4, v6  }
0x1bb: {  	s12 =	sshra.s32 s12, $0x6;
	s11 =	sshra.s32 s7, $0x6;
	s13 =	sshra.s32 s10, $0x6;
	v8 =	vsel vm6, s21, v8;
	v10 =	vsel vm1, s8, v10;
	v6 =	vsel vm14, s9, v6  }
0x1bc: {  	s15 =	sshrl.u32 s14, $0x1F;
	s16 =	sshra.s32 s10, $0x1F;
	v9 =	vsel vm2, s11, v9;
	v10 =	vsel vm2, s12, v10;
	v6 =	vsel vm6, s13, v6  }
0x1bd: {  	v8 =	vsel vm7, s15, v8;
	s17 =	sshra.s32 s14, $0x6;
	v9 =	vcombine.low v10, v9;
	v6 =	vsel vm15, s16, v6  }
0x1be: {  	v7 =	vperm.xlane v7, v2;
	v8 =	vperm.xlane v8, v3;
	v6 =	vsel vm7, s17, v6  }
0x1bf: {  	v9 =	vperm.xlane v9, v2;
	v6 =	vperm.xlane v6, v3;
	_ =	sdelay $0x1  }
0x1c0: {  	v7 =	vsel vm8, v8, v7;
	v6 =	vsel vm8, v6, v9  }
0x1c1: {  	v6 =	vadd.s32 v7, v6  }
0x1c2: {  	v6 =	vmul.u32 $0x3E8, v6;
	_ =	sdelay $0x1  }
0x1c3: {  	v5 =	vsub.s32 v5, v6  }
0x1c4: {  	[tilespmem:s31+$0x20] =	vst v5;
	v5 =	vld [tilespmem:s31+$0x30];
	_ =	sdelay $0x4  }
0x1c5: {  	(v2sf) =	vpush v5, $0xD;
	_ =	sdelay $0x1  }
0x1c6: {  	(v2sf) =	vpush v5, $0xC;
	_ =	sdelay $0x1  }
0x1c7: {  	(v2sf) =	vpush v5, $0xE;
	_ =	sdelay $0x1  }
0x1c8: {  	(v2sf) =	vpush v5, $0xF;
	_ =	sdelay $0x1  }
0x1c9: {  	(v2sf) =	vpush v5, $0x9;
	_ =	sdelay $0x1  }
0x1ca: {  	(v2sf) =	vpush v5, $0x8;
	_ =	sdelay $0x1  }
0x1cb: {  	(v2sf) =	vpush v5, $0xA;
	_ =	sdelay $0x1  }
0x1cc: {  	(v2sf) =	vpush v5, $0xB  }
0x1cd: {  	s18 =	spop (v2sf)  }
0x1ce: {  	(v2sf) =	vpush v5, $0x0;
	s2 =	smulhi.u32 $0x10624DD3, s18;
	s0 =	sshra.s32 s18, $0x1F  }
0x1cf: {  	s19 =	spop (v2sf);
	s0 =	smul.u32 $0x10624DD3, s0  }
0x1d0: {  	(v2sf) =	vpush v5, $0x1;
	s3 =	smulhi.u32 $0x10624DD3, s19;
	s1 =	sshra.s32 s19, $0x1F  }
0x1d1: {  	(v2sf) =	vpush v5, $0x2;
	s20 =	spop (v2sf);
	s6 =	smul.u32 $0x10624DD3, s1  }
0x1d2: {  	(v2sf) =	vpush v5, $0x3;
	s7 =	smulhi.u32 $0x10624DD3, s20;
	s4 =	sshra.s32 s20, $0x1F  }
0x1d3: {  	(v2sf) =	vpush v5, $0x4;
	s21 =	spop (v2sf);
	s4 =	smul.u32 $0x10624DD3, s4  }
0x1d4: {  	(v2sf) =	vpush v5, $0x5;
	s9 =	smulhi.u32 $0x10624DD3, s21;
	s1 =	sshra.s32 s21, $0x1F  }
0x1d5: {  	(v2sf) =	vpush v5, $0x6;
	s24 =	spop (v2sf);
	s11 =	smul.u32 $0x10624DD3, s1  }
0x1d6: {  	(v2sf) =	vpush v5, $0x7;
	s12 =	smulhi.u32 $0x10624DD3, s24;
	s13 =	sshra.s32 s24, $0x1F  }
0x1d7: {  	s25 =	spop (v2sf);
	s16 =	smul.u32 $0x10624DD3, s13  }
0x1d8: {  	s5 =	sadd.s32 s0, s2;
	s18 =	smulhi.u32 $0x10624DD3, s25;
	s28 =	sshra.s32 s25, $0x1F  }
0x1d9: {  	s8 =	sadd.s32 s6, s3;
	s26 =	spop (v2sf);
	s30 =	smul.u32 $0x10624DD3, s28  }
0x1da: {  	s6 =	sshrl.u32 s5, $0x1F;
	s20 =	smulhi.u32 $0x10624DD3, s26;
	s25 =	sshra.s32 s26, $0x1F  }
0x1db: {  	s5 =	sshra.s32 s5, $0x6;
	s14 =	spop (v2sf);
	s21 =	smul.u32 $0x10624DD3, s25  }
0x1dc: {  	s13 =	sshrl.u32 s8, $0x1F;
	s25 =	smulhi.u32 $0x10624DD3, s14;
	s26 =	sshra.s32 s14, $0x1F  }
0x1dd: {  	s7 =	sadd.s32 s4, s7;
	s15 =	spop (v2sf);
	s0 =	smul.u32 $0x10624DD3, s26  }
0x1de: {  	s4 =	sadd.s32 s11, s9;
	s2 =	smulhi.u32 $0x10624DD3, s15;
	s28 =	sshra.s32 s15, $0x1F  }
0x1df: {  	s17 =	spop (v2sf);
	s18 =	sadd.s32 s30, s18;
	s3 =	smul.u32 $0x10624DD3, s28  }
0x1e0: {  	s29 =	spop (v2sf);
	s26 =	smulhi.u32 $0x10624DD3, s17;
	s15 =	sshra.s32 s17, $0x1F  }
0x1e1: {  	s19 =	spop (v2sf);
	s11 =	smul.u32 $0x10624DD3, s15;
	s15 =	sadd.s32 s16, s12  }
0x1e2: {  	s14 =	smulhi.u32 $0x10624DD3, s29;
	s29 =	sshra.s32 s29, $0x1F;
	s10 =	spop (v2sf)  }
0x1e3: {  	s12 =	sadd.s32 s21, s20;
	s30 =	smul.u32 $0x10624DD3, s29;
	s24 =	spop (v2sf)  }
0x1e4: {  	s20 =	smulhi.u32 $0x10624DD3, s19;
	s19 =	sshra.s32 s19, $0x1F;
	s1 =	spop (v2sf)  }
0x1e5: {  	s9 =	sadd.s32 s0, s25;
	s0 =	smul.u32 $0x10624DD3, s19;
	s25 =	spop (v2sf)  }
0x1e6: {  	s8 =	sshra.s32 s8, $0x6;
	s29 =	smulhi.u32 $0x10624DD3, s25;
	s19 =	sshra.s32 s25, $0x1F  }
0x1e7: {  	s28 =	sshrl.u32 s7, $0x1F;
	s17 =	sshrl.u32 s4, $0x1F;
	s19 =	smul.u32 $0x10624DD3, s19  }
0x1e8: {  	s2 =	sadd.s32 s3, s2;
	s21 =	sshrl.u32 s15, $0x1F;
	s3 =	sshrl.u32 s12, $0x1F  }
0x1e9: {  	s11 =	sadd.s32 s11, s26;
	s16 =	sadd.s32 s30, s14;
	s14 =	sadd.s32 s19, s29  }
0x1ea: {  	v7 =	vmov s13;
	s26 =	sshrl.u32 s18, $0x1F;
	s30 =	smulhi.u32 $0x10624DD3, s10;
	s19 =	sshra.s32 s14, $0x1F  }
0x1eb: {  	v7 =	vsel vm0, s6, v7;
	s10 =	sshra.s32 s10, $0x1F;
	s6 =	smulhi.u32 $0x10624DD3, s24;
	s25 =	sshra.s32 s2, $0x6;
	v6 =	vmov s19  }
0x1ec: {  	s10 =	smul.u32 $0x10624DD3, s10;
	s29 =	sshrl.u32 s2, $0x1F;
	s2 =	sshra.s32 s2, $0x1F;
	v6 =	vsel vm3, s25, v6  }
0x1ed: {  	s24 =	sshra.s32 s24, $0x1F;
	s0 =	sadd.s32 s0, s20;
	v60 =	vmov s29;
	s25 =	sshra.s32 s11, $0x6;
	v6 =	vsel vm9, s2, v6  }
0x1ee: {  	v7 =	vsel vm1, s28, v7;
	s10 =	sadd.s32 s10, s30;
	s30 =	sshrl.u32 s11, $0x1F;
	v8 =	vnsel vm3, $0x0, v60;
	s11 =	sshra.s32 s11, $0x1F;
	v6 =	vsel vm0, s25, v6  }
0x1ef: {  	v61 =	vmov s26;
	s20 =	sshrl.u32 s9, $0x1F;
	s13 =	smul.u32 $0x10624DD3, s24;
	v8 =	vsel vm0, s30, v8;
	s30 =	sshra.s32 s16, $0x6;
	v6 =	vsel vm10, s11, v6  }
0x1f0: {  	v7 =	vsel vm2, s17, v7;
	s24 =	sshra.s32 s16, $0x1F;
	v9 =	vsel vm0, s21, v61;
	s17 =	smulhi.u32 $0x10624DD3, s1;
	s1 =	sshra.s32 s1, $0x1F;
	v6 =	vsel vm1, s30, v6  }
0x1f1: {  	v62 =	vmov s8;
	s28 =	sshra.s32 s0, $0x6;
	v9 =	vsel vm1, s3, v9;
	s1 =	smul.u32 $0x10624DD3, s1;
	s29 =	sshrl.u32 s16, $0x1F;
	v6 =	vsel vm11, s24, v6  }
0x1f2: {  	v9 =	vsel vm2, s20, v9;
	s26 =	sshrl.u32 s10, $0x1F;
	s19 =	sshrl.u32 s0, $0x1F;
	s0 =	sshra.s32 s0, $0x1F;
	v8 =	vsel vm1, s29, v8;
	v6 =	vsel vm2, s28, v6  }
0x1f3: {  	v7 =	vcombine.low v9, v7;
	s1 =	sadd.s32 s1, s17;
	v8 =	vsel vm2, s19, v8;
	s25 =	sadd.s32 s13, s6;
	s6 =	sshra.s32 s10, $0x6;
	v6 =	vsel vm12, s0, v6  }
0x1f4: {  	v9 =	vsel vm0, s5, v62;
	s13 =	sshra.s32 s10, $0x1F;
	v8 =	vsel vm4, s26, v8;
	s29 =	sshrl.u32 s25, $0x1F;
	s11 =	sshra.s32 s18, $0x6;
	v6 =	vsel vm4, s6, v6  }
0x1f5: {  	s16 =	sshra.s32 s15, $0x6;
	s17 =	sshra.s32 s25, $0x6;
	s18 =	sshra.s32 s7, $0x6;
	v8 =	vsel vm5, s29, v8;
	v63 =	vmov s11;
	v6 =	vsel vm13, s13, v6  }
0x1f6: {  	s19 =	sshra.s32 s12, $0x6;
	s20 =	sshra.s32 s25, $0x1F;
	s30 =	sshrl.u32 s1, $0x1F;
	v9 =	vsel vm1, s18, v9;
	v10 =	vsel vm0, s16, v63;
	v6 =	vsel vm5, s17, v6  }
0x1f7: {  	s21 =	sshra.s32 s4, $0x6;
	s25 =	sshra.s32 s1, $0x6;
	v8 =	vsel vm6, s30, v8;
	s24 =	sshra.s32 s9, $0x6;
	v10 =	vsel vm1, s19, v10;
	v6 =	vsel vm14, s20, v6  }
0x1f8: {  	s26 =	sshrl.u32 s14, $0x1F;
	v9 =	vsel vm2, s21, v9;
	s28 =	sshra.s32 s1, $0x1F;
	v10 =	vsel vm2, s24, v10;
	v6 =	vsel vm6, s25, v6  }
0x1f9: {  	s29 =	sshra.s32 s14, $0x6;
	v8 =	vsel vm7, s26, v8;
	v9 =	vcombine.low v10, v9;
	v6 =	vsel vm15, s28, v6  }
0x1fa: {  	v7 =	vperm.xlane v7, v2;
	v8 =	vperm.xlane v8, v3;
	v6 =	vsel vm7, s29, v6  }
0x1fb: {  	s30 =	rddreg [dreg:$0x13];
	v9 =	vperm.xlane v9, v2;
	v6 =	vperm.xlane v6, v3  }
0x1fc: {  	s0 =	sadd.s32 $0x8, s30  }
0x1fd: {  	p0 =	slt.u32 s0, $0x4F8;
	v7 =	vsel vm8, v8, v7;
	v6 =	vsel vm8, v6, v9  }
.Ltmp0:
0x1fe: {  	v6 =	vadd.s32 v7, v6;
	(pc) =	sbr.rel @p0 .LBB2_2-.Ltmp0, $3  }
0x1ff: {  	v6 =	vmul.u32 $0x3E8, v6;
	_ =	sdelay $0x1  }
0x200: {  	v5 =	vsub.s32 v5, v6  }
0x201: {  	[tilespmem:s31+$0x30] =	vst v5;
	s31 =	sadd.s32 $0x80, s31  }
0x202: {  	s0 =	simm.s32 $0x3  }
0x203: {  	_ =	swait.ge [sflag:s0], $0xA000  }
0x204: {  	[sflag:s0] =	ssyncset.done $0x0  }
0x205: {  	s24 =	simm.s32 $0x2;
	[sflag:s0] =	ssyncadd.s32 $0xFFFF6000  }
0x206: {  	_ =	swait.ge [sflag:s24], $0xA000  }
0x207: {  	[sflag:s24] =	ssyncset.done $0x0;
	s5 =	rddreg [dreg:$0x9]  }
0x208: {  	v5 =	vlaneseq.u32;
	s4 =	simm.s32 $0xFFFFFFF8;
	s7 =	rddreg [dreg:$0x11];
	[sflag:s24] =	ssyncadd.s32 $0xFFFF6000  }
.LBB2_4:
0x209: {  	v6 =	vld [tilespmem:s5+$0xFFFFFFC0];
	_ =	sdelay $0x4  }
0x20a: {  	v7 =	vsub.s32 v6, v0  }
0x20b: {  	v9 =	vshll.u32 v5, $0x3;
	v8 =	vshll.u32 v7, $0xA  }
0x20c: {  	v9 =	vand.u32 $0xFFFFFC00, v9;
	v6 =	vshll.u32 v6, $0x7;
	v8 =	vand.u32 $0xFFFFE000, v8  }
0x20d: {  	v6 =	vand.u32 $0x380, v6;
	v8 =	vadd.s32 v9, v8  }
0x20e: {  	vm9 =	vlt.u32 v7, $0x28;
	v7 =	vand.u32 $0x7F, v5;
	v6 =	vor.u32 v6, v8  }
0x20f: {  	v36 =	vld [tilespmem:s7+$0xFFFFFFC0];
	v6 =	vor.u32 v7, v6;
	_ =	sdelay $0x4  }
0x210: {  	[tilespmem:v6+s22+$0x0] =	vst.idx.msk vm9, v36  }
0x211: {  	v6 =	vld [tilespmem:s5+$0xFFFFFFD0];
	_ =	sdelay $0x4  }
0x212: {  	v7 =	vadd.s32 $0x10, v5;
	v37 =	vsub.s32 v6, v0  }
0x213: {  	v10 =	vshll.u32 v7, $0x3;
	v38 =	vshll.u32 v37, $0xA  }
0x214: {  	v10 =	vand.u32 $0xFFFFFC00, v10;
	v6 =	vshll.u32 v6, $0x7;
	v9 =	vand.u32 $0xFFFFE000, v38  }
0x215: {  	v6 =	vand.u32 $0x380, v6;
	v9 =	vadd.s32 v10, v9  }
0x216: {  	v7 =	vand.u32 $0x7F, v7;
	vm9 =	vlt.u32 v37, $0x28;
	v6 =	vor.u32 v6, v9  }
0x217: {  	v39 =	vld [tilespmem:s7+$0xFFFFFFD0];
	v6 =	vor.u32 v7, v6;
	_ =	sdelay $0x4  }
0x218: {  	[tilespmem:v6+s22+$0x0] =	vst.idx.msk vm9, v39  }
0x219: {  	v6 =	vld [tilespmem:s5+$0xFFFFFFE0];
	_ =	sdelay $0x4  }
0x21a: {  	v7 =	vadd.s32 $0x20, v5;
	v40 =	vsub.s32 v6, v0  }
0x21b: {  	v42 =	vshll.u32 v7, $0x3;
	v41 =	vshll.u32 v40, $0xA  }
0x21c: {  	v10 =	vand.u32 $0xFFFFFC00, v42;
	v6 =	vshll.u32 v6, $0x7;
	v9 =	vand.u32 $0xFFFFE000, v41  }
0x21d: {  	v6 =	vand.u32 $0x380, v6;
	v9 =	vadd.s32 v10, v9  }
0x21e: {  	v7 =	vand.u32 $0x7F, v7;
	vm9 =	vlt.u32 v40, $0x28;
	v6 =	vor.u32 v6, v9  }
0x21f: {  	v43 =	vld [tilespmem:s7+$0xFFFFFFE0];
	v6 =	vor.u32 v7, v6;
	_ =	sdelay $0x4  }
0x220: {  	[tilespmem:v6+s22+$0x0] =	vst.idx.msk vm9, v43  }
0x221: {  	v6 =	vld [tilespmem:s5+$0xFFFFFFF0];
	_ =	sdelay $0x4  }
0x222: {  	v7 =	vadd.s32 $0x30, v5;
	v44 =	vsub.s32 v6, v0  }
0x223: {  	v46 =	vshll.u32 v7, $0x3;
	v45 =	vshll.u32 v44, $0xA  }
0x224: {  	v10 =	vand.u32 $0xFFFFFC00, v46;
	v6 =	vshll.u32 v6, $0x7;
	v9 =	vand.u32 $0xFFFFE000, v45  }
0x225: {  	v6 =	vand.u32 $0x380, v6;
	v9 =	vadd.s32 v10, v9  }
0x226: {  	v7 =	vand.u32 $0x7F, v7;
	vm9 =	vlt.u32 v44, $0x28;
	v6 =	vor.u32 v6, v9  }
0x227: {  	v47 =	vld [tilespmem:s7+$0xFFFFFFF0];
	v6 =	vor.u32 v7, v6;
	_ =	sdelay $0x4  }
0x228: {  	[tilespmem:v6+s22+$0x0] =	vst.idx.msk vm9, v47  }
0x229: {  	v6 =	vld [tilespmem:s5+$0x0];
	_ =	sdelay $0x4  }
0x22a: {  	v7 =	vadd.s32 $0x40, v5;
	v48 =	vsub.s32 v6, v0  }
0x22b: {  	v50 =	vshll.u32 v7, $0x3;
	v49 =	vshll.u32 v48, $0xA  }
0x22c: {  	v10 =	vand.u32 $0xFFFFFC00, v50;
	v6 =	vshll.u32 v6, $0x7;
	v9 =	vand.u32 $0xFFFFE000, v49  }
0x22d: {  	v6 =	vand.u32 $0x380, v6;
	v9 =	vadd.s32 v10, v9  }
0x22e: {  	v7 =	vand.u32 $0x7F, v7;
	vm9 =	vlt.u32 v48, $0x28;
	v6 =	vor.u32 v6, v9  }
0x22f: {  	v51 =	vld [tilespmem:s7+$0x0];
	v6 =	vor.u32 v7, v6;
	_ =	sdelay $0x4  }
0x230: {  	[tilespmem:v6+s22+$0x0] =	vst.idx.msk vm9, v51  }
0x231: {  	v6 =	vld [tilespmem:s5+$0x10];
	_ =	sdelay $0x4  }
0x232: {  	v7 =	vadd.s32 $0x50, v5;
	v52 =	vsub.s32 v6, v0  }
0x233: {  	v54 =	vshll.u32 v7, $0x3;
	v53 =	vshll.u32 v52, $0xA  }
0x234: {  	v10 =	vand.u32 $0xFFFFFC00, v54;
	v6 =	vshll.u32 v6, $0x7;
	v9 =	vand.u32 $0xFFFFE000, v53  }
0x235: {  	v6 =	vand.u32 $0x380, v6;
	v9 =	vadd.s32 v10, v9  }
0x236: {  	v7 =	vand.u32 $0x7F, v7;
	vm9 =	vlt.u32 v52, $0x28;
	v6 =	vor.u32 v6, v9  }
0x237: {  	v55 =	vld [tilespmem:s7+$0x10];
	v6 =	vor.u32 v7, v6;
	_ =	sdelay $0x4  }
0x238: {  	[tilespmem:v6+s22+$0x0] =	vst.idx.msk vm9, v55  }
0x239: {  	v6 =	vld [tilespmem:s5+$0x20];
	_ =	sdelay $0x4  }
0x23a: {  	v7 =	vadd.s32 $0x60, v5;
	v56 =	vsub.s32 v6, v0  }
0x23b: {  	v58 =	vshll.u32 v7, $0x3;
	v57 =	vshll.u32 v56, $0xA  }
0x23c: {  	v10 =	vand.u32 $0xFFFFFC00, v58;
	v6 =	vshll.u32 v6, $0x7;
	v9 =	vand.u32 $0xFFFFE000, v57  }
0x23d: {  	v6 =	vand.u32 $0x380, v6;
	v9 =	vadd.s32 v10, v9  }
0x23e: {  	v7 =	vand.u32 $0x7F, v7;
	vm9 =	vlt.u32 v56, $0x28;
	v6 =	vor.u32 v6, v9  }
0x23f: {  	v59 =	vld [tilespmem:s7+$0x20];
	v6 =	vor.u32 v7, v6;
	_ =	sdelay $0x4  }
0x240: {  	[tilespmem:v6+s22+$0x0] =	vst.idx.msk vm9, v59  }
0x241: {  	v6 =	vld [tilespmem:s5+$0x30];
	_ =	sdelay $0x4  }
0x242: {  	v7 =	vadd.s32 $0x70, v5;
	v60 =	vsub.s32 v6, v0  }
0x243: {  	v62 =	vshll.u32 v7, $0x3;
	v61 =	vshll.u32 v60, $0xA  }
0x244: {  	v10 =	vand.u32 $0xFFFFFC00, v62;
	v6 =	vshll.u32 v6, $0x7;
	v9 =	vand.u32 $0xFFFFE000, v61  }
0x245: {  	v6 =	vand.u32 $0x380, v6;
	v9 =	vadd.s32 v10, v9  }
0x246: {  	s4 =	sadd.s32 $0x8, s4;
	v7 =	vand.u32 $0x7F, v7;
	vm9 =	vlt.u32 v60, $0x28;
	v6 =	vor.u32 v6, v9  }
0x247: {  	p0 =	slt.u32 s4, $0x38;
	v63 =	vld [tilespmem:s7+$0x30];
	v6 =	vor.u32 v7, v6  }
.Ltmp1:
0x248: {  	_ = 	snop;
	(pc) =	sbr.rel @p0 .LBB2_4-.Ltmp1, $2  }
0x249: {  	_ =	sdelay $0x2  }
0x24a: {  	v5 =	vadd.s32 $0x80, v5;
	s7 =	sadd.s32 $0x80, s7;
	s5 =	sadd.s32 $0x80, s5;
	[tilespmem:v6+s22+$0x0] =	vst.idx.msk vm9, v63  }
0x24b: {  	s13 =	simm.s32 $0x0;
	s0 =	rddreg [dreg:$0xa]  }
0x24c: {  	s31 =	rddreg [dreg:$0xb];
	s25 =	simm.s32 $0xE000;
	s4 =	simm.s32 $0xFFFFFFF8  }
0x24d: {  	s5 =	simm.s32 $0x5040;
	s7 =	simm.s32 $0x40;
	s11 =	rddreg [dreg:$0x1]  }
0x24e: {  	[hbm4b:s0+s13] =	stream.linear.scatter [tilespmem:s22], [sflag:$0x1], $0x4000, $0x38;
	[tilespmem:$0x1E000] =	vst v63  }
0x24f: {  	s16 =	simm.s32 $0x1;
	s17 =	rddreg [dreg:$0xe];
	s26 =	simm.s32 $0x18000  }
0x250: {  	v5 =	vlaneseq.u32;
	[hbm4b:s31+s13] =	stream.linear.scatter [tilespmem:s25], [sflag:$0x1], $0x6000, $0x38;
	[tilespmem:$0x1E000] =	vst v63  }
.LBB2_6:
0x251: {  	v6 =	vld [tilespmem:s7+$0xFFFFFFC0];
	_ =	sdelay $0x4  }
0x252: {  	v7 =	vsub.s32 v6, v1  }
0x253: {  	v9 =	vshll.u32 v5, $0x3;
	v8 =	vshll.u32 v7, $0xA  }
0x254: {  	v9 =	vand.u32 $0xFFFFFC00, v9;
	v6 =	vshll.u32 v6, $0x7;
	v8 =	vand.u32 $0xFFFFE000, v8  }
0x255: {  	v6 =	vand.u32 $0x380, v6;
	v8 =	vadd.s32 v9, v8  }
0x256: {  	vm9 =	vlt.u32 v7, $0x28;
	v7 =	vand.u32 $0x7F, v5;
	v6 =	vor.u32 v6, v8  }
0x257: {  	v36 =	vld [tilespmem:s5+$0xFFFFFFC0];
	v6 =	vor.u32 v7, v6;
	_ =	sdelay $0x4  }
0x258: {  	[tilespmem:v6+s23+$0x0] =	vst.idx.msk vm9, v36  }
0x259: {  	v6 =	vld [tilespmem:s7+$0xFFFFFFD0];
	_ =	sdelay $0x4  }
0x25a: {  	v7 =	vadd.s32 $0x10, v5;
	v37 =	vsub.s32 v6, v1  }
0x25b: {  	v10 =	vshll.u32 v7, $0x3;
	v38 =	vshll.u32 v37, $0xA  }
0x25c: {  	v10 =	vand.u32 $0xFFFFFC00, v10;
	v6 =	vshll.u32 v6, $0x7;
	v9 =	vand.u32 $0xFFFFE000, v38  }
0x25d: {  	v6 =	vand.u32 $0x380, v6;
	v9 =	vadd.s32 v10, v9  }
0x25e: {  	v7 =	vand.u32 $0x7F, v7;
	vm9 =	vlt.u32 v37, $0x28;
	v6 =	vor.u32 v6, v9  }
0x25f: {  	v39 =	vld [tilespmem:s5+$0xFFFFFFD0];
	v6 =	vor.u32 v7, v6;
	_ =	sdelay $0x4  }
0x260: {  	[tilespmem:v6+s23+$0x0] =	vst.idx.msk vm9, v39  }
0x261: {  	v6 =	vld [tilespmem:s7+$0xFFFFFFE0];
	_ =	sdelay $0x4  }
0x262: {  	v7 =	vadd.s32 $0x20, v5;
	v40 =	vsub.s32 v6, v1  }
0x263: {  	v42 =	vshll.u32 v7, $0x3;
	v41 =	vshll.u32 v40, $0xA  }
0x264: {  	v10 =	vand.u32 $0xFFFFFC00, v42;
	v6 =	vshll.u32 v6, $0x7;
	v9 =	vand.u32 $0xFFFFE000, v41  }
0x265: {  	v6 =	vand.u32 $0x380, v6;
	v9 =	vadd.s32 v10, v9  }
0x266: {  	v7 =	vand.u32 $0x7F, v7;
	vm9 =	vlt.u32 v40, $0x28;
	v6 =	vor.u32 v6, v9  }
0x267: {  	v43 =	vld [tilespmem:s5+$0xFFFFFFE0];
	v6 =	vor.u32 v7, v6;
	_ =	sdelay $0x4  }
0x268: {  	[tilespmem:v6+s23+$0x0] =	vst.idx.msk vm9, v43  }
0x269: {  	v6 =	vld [tilespmem:s7+$0xFFFFFFF0];
	_ =	sdelay $0x4  }
0x26a: {  	v7 =	vadd.s32 $0x30, v5;
	v44 =	vsub.s32 v6, v1  }
0x26b: {  	v46 =	vshll.u32 v7, $0x3;
	v45 =	vshll.u32 v44, $0xA  }
0x26c: {  	v10 =	vand.u32 $0xFFFFFC00, v46;
	v6 =	vshll.u32 v6, $0x7;
	v9 =	vand.u32 $0xFFFFE000, v45  }
0x26d: {  	v6 =	vand.u32 $0x380, v6;
	v9 =	vadd.s32 v10, v9  }
0x26e: {  	v7 =	vand.u32 $0x7F, v7;
	vm9 =	vlt.u32 v44, $0x28;
	v6 =	vor.u32 v6, v9  }
0x26f: {  	v47 =	vld [tilespmem:s5+$0xFFFFFFF0];
	v6 =	vor.u32 v7, v6;
	_ =	sdelay $0x4  }
0x270: {  	[tilespmem:v6+s23+$0x0] =	vst.idx.msk vm9, v47  }
0x271: {  	v6 =	vld [tilespmem:s7+$0x0];
	_ =	sdelay $0x4  }
0x272: {  	v7 =	vadd.s32 $0x40, v5;
	v48 =	vsub.s32 v6, v1  }
0x273: {  	v50 =	vshll.u32 v7, $0x3;
	v49 =	vshll.u32 v48, $0xA  }
0x274: {  	v10 =	vand.u32 $0xFFFFFC00, v50;
	v6 =	vshll.u32 v6, $0x7;
	v9 =	vand.u32 $0xFFFFE000, v49  }
0x275: {  	v6 =	vand.u32 $0x380, v6;
	v9 =	vadd.s32 v10, v9  }
0x276: {  	v7 =	vand.u32 $0x7F, v7;
	vm9 =	vlt.u32 v48, $0x28;
	v6 =	vor.u32 v6, v9  }
0x277: {  	v51 =	vld [tilespmem:s5+$0x0];
	v6 =	vor.u32 v7, v6;
	_ =	sdelay $0x4  }
0x278: {  	[tilespmem:v6+s23+$0x0] =	vst.idx.msk vm9, v51  }
0x279: {  	v6 =	vld [tilespmem:s7+$0x10];
	_ =	sdelay $0x4  }
0x27a: {  	v7 =	vadd.s32 $0x50, v5;
	v52 =	vsub.s32 v6, v1  }
0x27b: {  	v54 =	vshll.u32 v7, $0x3;
	v53 =	vshll.u32 v52, $0xA  }
0x27c: {  	v10 =	vand.u32 $0xFFFFFC00, v54;
	v6 =	vshll.u32 v6, $0x7;
	v9 =	vand.u32 $0xFFFFE000, v53  }
0x27d: {  	v6 =	vand.u32 $0x380, v6;
	v9 =	vadd.s32 v10, v9  }
0x27e: {  	v7 =	vand.u32 $0x7F, v7;
	vm9 =	vlt.u32 v52, $0x28;
	v6 =	vor.u32 v6, v9  }
0x27f: {  	v55 =	vld [tilespmem:s5+$0x10];
	v6 =	vor.u32 v7, v6;
	_ =	sdelay $0x4  }
0x280: {  	[tilespmem:v6+s23+$0x0] =	vst.idx.msk vm9, v55  }
0x281: {  	v6 =	vld [tilespmem:s7+$0x20];
	_ =	sdelay $0x4  }
0x282: {  	v7 =	vadd.s32 $0x60, v5;
	v56 =	vsub.s32 v6, v1  }
0x283: {  	v58 =	vshll.u32 v7, $0x3;
	v57 =	vshll.u32 v56, $0xA  }
0x284: {  	v10 =	vand.u32 $0xFFFFFC00, v58;
	v6 =	vshll.u32 v6, $0x7;
	v9 =	vand.u32 $0xFFFFE000, v57  }
0x285: {  	v6 =	vand.u32 $0x380, v6;
	v9 =	vadd.s32 v10, v9  }
0x286: {  	v7 =	vand.u32 $0x7F, v7;
	vm9 =	vlt.u32 v56, $0x28;
	v6 =	vor.u32 v6, v9  }
0x287: {  	v59 =	vld [tilespmem:s5+$0x20];
	v6 =	vor.u32 v7, v6;
	_ =	sdelay $0x4  }
0x288: {  	[tilespmem:v6+s23+$0x0] =	vst.idx.msk vm9, v59  }
0x289: {  	v6 =	vld [tilespmem:s7+$0x30];
	_ =	sdelay $0x4  }
0x28a: {  	v7 =	vadd.s32 $0x70, v5;
	v60 =	vsub.s32 v6, v1  }
0x28b: {  	v62 =	vshll.u32 v7, $0x3;
	v61 =	vshll.u32 v60, $0xA  }
0x28c: {  	v10 =	vand.u32 $0xFFFFFC00, v62;
	v6 =	vshll.u32 v6, $0x7;
	v9 =	vand.u32 $0xFFFFE000, v61  }
0x28d: {  	v6 =	vand.u32 $0x380, v6;
	v9 =	vadd.s32 v10, v9  }
0x28e: {  	s4 =	sadd.s32 $0x8, s4;
	v7 =	vand.u32 $0x7F, v7;
	vm9 =	vlt.u32 v60, $0x28;
	v6 =	vor.u32 v6, v9  }
0x28f: {  	p0 =	slt.u32 s4, $0x38;
	v63 =	vld [tilespmem:s5+$0x30];
	v6 =	vor.u32 v7, v6  }
.Ltmp2:
0x290: {  	_ = 	snop;
	(pc) =	sbr.rel @p0 .LBB2_6-.Ltmp2, $2  }
0x291: {  	_ =	sdelay $0x2  }
0x292: {  	v5 =	vadd.s32 $0x80, v5;
	s5 =	sadd.s32 $0x80, s5;
	s7 =	sadd.s32 $0x80, s7;
	[tilespmem:v6+s23+$0x0] =	vst.idx.msk vm9, v63  }
0x293: {  	s0 =	rddreg [dreg:$0xc]  }
0x294: {  	s31 =	rddreg [dreg:$0xd]  }
0x295: {  	s8 =	rddreg [dreg:$0x7]  }
0x296: {  	s7 =	rddreg [dreg:$0x6]  }
0x297: {  	s21 =	simm.s32 $0x0;
	s9 =	rddreg [dreg:$0x8]  }
0x298: {  	[hbm4b:s0+s21] =	stream.linear.scatter [tilespmem:s23], [sflag:$0x2], $0x4000, $0x38;
	[tilespmem:$0x1E000] =	vst v63  }
0x299: {  	s30 =	simm.s32 $0x0;
	s20 =	rddreg [dreg:$0xf]  }
0x29a: {  	[hbm4b:s31+s21] =	stream.linear.scatter [tilespmem:s26], [sflag:$0x2], $0x6000, $0x38;
	[tilespmem:$0x1E000] =	vst v63  }
.LBB2_8:
0x29b: {  	s4 =	sshll.u32 s30, $0x6  }
0x29c: {  	s0 =	sadd.s32 s17, s4  }
0x29d: {  	s1 =	smin.u32 s0, $0x5DB  }
0x29e: {  	s5 =	smulhi.u32 $0x369D037, s1;
	_ =	sdelay $0x1  }
0x29f: {  	s2 =	smul.u32 $0xFFFFFFB5, s5;
	_ =	sdelay $0x1  }
0x2a0: {  	s1 =	sadd.s32 s1, s2  }
0x2a1: {  	s2 =	smulhi.u32 $0x51EB851F, s1;
	s3 =	sshra.s32 s1, $0x1F  }
0x2a2: {  	s3 =	smul.u32 $0x51EB851F, s3;
	_ =	sdelay $0x1  }
0x2a3: {  	s2 =	sadd.s32 s3, s2  }
0x2a4: {  	s3 =	sshrl.u32 s2, $0x1F;
	s2 =	sshra.s32 s2, $0x3  }
0x2a5: {  	s2 =	sadd.s32 s3, s2  }
0x2a6: {  	s3 =	smul.u32 $0xFFFFFFE7, s2  }
0x2a7: {  	_ =	swait.ge [sflag:s16], $0x4000;
	s6 =	ssub.s32 $0x0, s1  }
0x2a8: {  	s10 =	simm.s32 $0x1;
	p0 =	slt.s32 s1, $0x1;
	p1 =	sne.s32 s3, s6  }
0x2a9: {  	s15 =	smov.u32 s9;
	s18 =	smov.u32 s7;
	p0 =	por !p0, !p1  }
0x2aa: {  	[sflag:s16] =	ssyncset.done $0x0;
	s3 =	simm.s32 $0x1;
	p0 =	por !p0, !p0  }
0x2ab: {  	s19 =	sshll.u32 s15, $0xC;
	s29 =	sadd.s32 $0x1, s5;
	s3 =	simm.s32 @!p0 $0x0  }
0x2ac: {  	[sflag:s16] =	ssyncadd.s32 $0xFFFFC000;
	s14 =	smulhi.u32 $0xCCCCCCD, s29;
	s12 =	ssub.s32 s2, s3  }
0x2ad: {  	_ =	swait.ge [sflag:s16], $0x6000;
	s2 =	smul.u32 $0xFFFFFFE7, s12;
	p0 =	sne.s32 s12, $0x1  }
0x2ae: {  	[sflag:s16] =	ssyncset.done $0x0;
	s6 =	smul.u32 $0x14, s14;
	s10 =	simm.s32 @!p0 $0x0  }
0x2af: {  	[sflag:s16] =	ssyncadd.s32 $0xFFFFA000;
	s1 =	sadd.s32 s1, s2;
	s9 =	ssub.s32 s5, s10  }
0x2b0: {  	s3 =	ssub.s32 s29, s6;
	s31 =	smul.u32 $0x28, s1;
	p1 =	sgt.s32 s9, $0x0  }
0x2b1: {  	p2 =	sne.s32 s12, $0x2;
	p0 =	seq.s32 s12, $0x0;
	s9 =	simm.s32 @!p1 $0x0  }
0x2b2: {  	p1 =	sgt.u32 s0, $0x4A;
	s9 =	smov.u32 @p0 s3;
	s7 =	smov.u32 s31  }
0x2b3: {  	s0 =	sshra.s32 s19, $0x2;
	s7 =	simm.s32 @!p2 $0xFFFFF830;
	s28 =	sshll.u32 s9, $0xC  }
0x2b4: {  	s19 =	simm.s32 $0xFFFFFFF8;
	s7 =	smov.u32 @p1 s31;
	s29 =	sshra.s32 s28, $0x2  }
0x2b5: {  	v7 =	vlaneseq.u32;
	v5 =	vmov s18;
	s14 =	sor.u32 $0x40, s0;
	v6 =	vmov s7;
	s15 =	sadd.s32 $0x5040, s29;
	s18 =	sor.u32 $0x40, s29  }
.LBB2_9:
0x2b6: {  	v8 =	vld [tilespmem:s14+$0xFFFFFFC0];
	_ =	sdelay $0x4  }
0x2b7: {  	v8 =	vsub.s32 v8, v5  }
0x2b8: {  	v10 =	vshll.u32 v7, $0x3;
	v9 =	vshll.u32 v8, $0xA  }
0x2b9: {  	v10 =	vand.u32 $0xFFFFFC00, v10;
	v11 =	vshll.u32 v8, $0x7;
	v9 =	vand.u32 $0xFFFFE000, v9  }
0x2ba: {  	v11 =	vand.u32 $0x380, v11;
	v9 =	vadd.s32 v10, v9  }
0x2bb: {  	vm9 =	vlt.u32 v8, $0x28;
	v8 =	vand.u32 $0x7F, v7;
	v9 =	vor.u32 v11, v9  }
0x2bc: {  	v9 =	vor.u32 v8, v9;
	_ =	sdelay $0x4  }
0x2bd: {  	[tilespmem:v9+s22+$0x0] =	vst.idx.msk vm9, v4  }
0x2be: {  	v9 =	vld [tilespmem:s18+$0xFFFFFFC0];
	_ =	sdelay $0x4  }
0x2bf: {  	v55 =	vsub.s32 v9, v6  }
0x2c0: {  	v12 =	vshll.u32 v55, $0xA  }
0x2c1: {  	v9 =	vshll.u32 v9, $0x7;
	v12 =	vand.u32 $0xFFFFE000, v12  }
0x2c2: {  	v9 =	vand.u32 $0x380, v9;
	v10 =	vadd.s32 v10, v12  }
0x2c3: {  	vm9 =	vlt.u32 v55, $0x28;
	v9 =	vor.u32 v9, v10  }
0x2c4: {  	v56 =	vld [tilespmem:s15+$0xFFFFFFC0];
	v8 =	vor.u32 v8, v9;
	_ =	sdelay $0x4  }
0x2c5: {  	[tilespmem:v8+s22+$0x0] =	vst.idx.msk vm9, v56  }
0x2c6: {  	v8 =	vld [tilespmem:s14+$0xFFFFFFD0];
	_ =	sdelay $0x4  }
0x2c7: {  	v57 =	vadd.s32 $0x10, v7;
	v8 =	vsub.s32 v8, v5  }
0x2c8: {  	v59 =	vshll.u32 v57, $0x3;
	v58 =	vshll.u32 v8, $0xA  }
0x2c9: {  	v11 =	vand.u32 $0xFFFFFC00, v59;
	v60 =	vshll.u32 v8, $0x7;
	v10 =	vand.u32 $0xFFFFE000, v58  }
0x2ca: {  	v12 =	vand.u32 $0x380, v60;
	v10 =	vadd.s32 v11, v10  }
0x2cb: {  	vm9 =	vlt.u32 v8, $0x28;
	v8 =	vand.u32 $0x7F, v57;
	v61 =	vor.u32 v12, v10  }
0x2cc: {  	v9 =	vor.u32 v8, v61;
	_ =	sdelay $0x4  }
0x2cd: {  	[tilespmem:v9+s22+$0x0] =	vst.idx.msk vm9, v4  }
0x2ce: {  	v9 =	vld [tilespmem:s18+$0xFFFFFFD0];
	_ =	sdelay $0x4  }
0x2cf: {  	v62 =	vsub.s32 v9, v6  }
0x2d0: {  	v63 =	vshll.u32 v62, $0xA  }
0x2d1: {  	v9 =	vshll.u32 v9, $0x7;
	v12 =	vand.u32 $0xFFFFE000, v63  }
0x2d2: {  	v9 =	vand.u32 $0x380, v9;
	v11 =	vadd.s32 v11, v12  }
0x2d3: {  	vm9 =	vlt.u32 v62, $0x28;
	v9 =	vor.u32 v9, v11  }
0x2d4: {  	v15 =	vld [tilespmem:s15+$0xFFFFFFD0];
	v8 =	vor.u32 v8, v9;
	_ =	sdelay $0x4  }
0x2d5: {  	[tilespmem:v8+s22+$0x0] =	vst.idx.msk vm9, v15  }
0x2d6: {  	v8 =	vld [tilespmem:s14+$0xFFFFFFE0];
	_ =	sdelay $0x4  }
0x2d7: {  	v16 =	vadd.s32 $0x20, v7;
	v8 =	vsub.s32 v8, v5  }
0x2d8: {  	v18 =	vshll.u32 v16, $0x3;
	v17 =	vshll.u32 v8, $0xA  }
0x2d9: {  	v11 =	vand.u32 $0xFFFFFC00, v18;
	v19 =	vshll.u32 v8, $0x7;
	v10 =	vand.u32 $0xFFFFE000, v17  }
0x2da: {  	v12 =	vand.u32 $0x380, v19;
	v10 =	vadd.s32 v11, v10  }
0x2db: {  	vm9 =	vlt.u32 v8, $0x28;
	v8 =	vand.u32 $0x7F, v16;
	v20 =	vor.u32 v12, v10  }
0x2dc: {  	v9 =	vor.u32 v8, v20;
	_ =	sdelay $0x4  }
0x2dd: {  	[tilespmem:v9+s22+$0x0] =	vst.idx.msk vm9, v4  }
0x2de: {  	v9 =	vld [tilespmem:s18+$0xFFFFFFE0];
	_ =	sdelay $0x4  }
0x2df: {  	v21 =	vsub.s32 v9, v6  }
0x2e0: {  	v22 =	vshll.u32 v21, $0xA  }
0x2e1: {  	v9 =	vshll.u32 v9, $0x7;
	v12 =	vand.u32 $0xFFFFE000, v22  }
0x2e2: {  	v9 =	vand.u32 $0x380, v9;
	v11 =	vadd.s32 v11, v12  }
0x2e3: {  	vm9 =	vlt.u32 v21, $0x28;
	v9 =	vor.u32 v9, v11  }
0x2e4: {  	v23 =	vld [tilespmem:s15+$0xFFFFFFE0];
	v8 =	vor.u32 v8, v9;
	_ =	sdelay $0x4  }
0x2e5: {  	[tilespmem:v8+s22+$0x0] =	vst.idx.msk vm9, v23  }
0x2e6: {  	v8 =	vld [tilespmem:s14+$0xFFFFFFF0];
	_ =	sdelay $0x4  }
0x2e7: {  	v24 =	vadd.s32 $0x30, v7;
	v8 =	vsub.s32 v8, v5  }
0x2e8: {  	v26 =	vshll.u32 v24, $0x3;
	v25 =	vshll.u32 v8, $0xA  }
0x2e9: {  	v11 =	vand.u32 $0xFFFFFC00, v26;
	v27 =	vshll.u32 v8, $0x7;
	v10 =	vand.u32 $0xFFFFE000, v25  }
0x2ea: {  	v12 =	vand.u32 $0x380, v27;
	v10 =	vadd.s32 v11, v10  }
0x2eb: {  	vm9 =	vlt.u32 v8, $0x28;
	v8 =	vand.u32 $0x7F, v24;
	v28 =	vor.u32 v12, v10  }
0x2ec: {  	v9 =	vor.u32 v8, v28;
	_ =	sdelay $0x4  }
0x2ed: {  	[tilespmem:v9+s22+$0x0] =	vst.idx.msk vm9, v4  }
0x2ee: {  	v9 =	vld [tilespmem:s18+$0xFFFFFFF0];
	_ =	sdelay $0x4  }
0x2ef: {  	v29 =	vsub.s32 v9, v6  }
0x2f0: {  	v30 =	vshll.u32 v29, $0xA  }
0x2f1: {  	v9 =	vshll.u32 v9, $0x7;
	v12 =	vand.u32 $0xFFFFE000, v30  }
0x2f2: {  	v9 =	vand.u32 $0x380, v9;
	v11 =	vadd.s32 v11, v12  }
0x2f3: {  	vm9 =	vlt.u32 v29, $0x28;
	v9 =	vor.u32 v9, v11  }
0x2f4: {  	v31 =	vld [tilespmem:s15+$0xFFFFFFF0];
	v8 =	vor.u32 v8, v9;
	_ =	sdelay $0x4  }
0x2f5: {  	[tilespmem:v8+s22+$0x0] =	vst.idx.msk vm9, v31  }
0x2f6: {  	v8 =	vld [tilespmem:s14+$0x0];
	_ =	sdelay $0x4  }
0x2f7: {  	v32 =	vadd.s32 $0x40, v7;
	v8 =	vsub.s32 v8, v5  }
0x2f8: {  	v34 =	vshll.u32 v32, $0x3;
	v33 =	vshll.u32 v8, $0xA  }
0x2f9: {  	v11 =	vand.u32 $0xFFFFFC00, v34;
	v35 =	vshll.u32 v8, $0x7;
	v10 =	vand.u32 $0xFFFFE000, v33  }
0x2fa: {  	v12 =	vand.u32 $0x380, v35;
	v10 =	vadd.s32 v11, v10  }
0x2fb: {  	vm9 =	vlt.u32 v8, $0x28;
	v8 =	vand.u32 $0x7F, v32;
	v36 =	vor.u32 v12, v10  }
0x2fc: {  	v9 =	vor.u32 v8, v36;
	_ =	sdelay $0x4  }
0x2fd: {  	[tilespmem:v9+s22+$0x0] =	vst.idx.msk vm9, v4  }
0x2fe: {  	v9 =	vld [tilespmem:s18+$0x0];
	_ =	sdelay $0x4  }
0x2ff: {  	v37 =	vsub.s32 v9, v6  }
0x300: {  	v38 =	vshll.u32 v37, $0xA  }
0x301: {  	v9 =	vshll.u32 v9, $0x7;
	v12 =	vand.u32 $0xFFFFE000, v38  }
0x302: {  	v9 =	vand.u32 $0x380, v9;
	v11 =	vadd.s32 v11, v12  }
0x303: {  	vm9 =	vlt.u32 v37, $0x28;
	v9 =	vor.u32 v9, v11  }
0x304: {  	v39 =	vld [tilespmem:s15+$0x0];
	v8 =	vor.u32 v8, v9;
	_ =	sdelay $0x4  }
0x305: {  	[tilespmem:v8+s22+$0x0] =	vst.idx.msk vm9, v39  }
0x306: {  	v8 =	vld [tilespmem:s14+$0x10];
	_ =	sdelay $0x4  }
0x307: {  	v40 =	vadd.s32 $0x50, v7;
	v8 =	vsub.s32 v8, v5  }
0x308: {  	v42 =	vshll.u32 v40, $0x3;
	v41 =	vshll.u32 v8, $0xA  }
0x309: {  	v11 =	vand.u32 $0xFFFFFC00, v42;
	v43 =	vshll.u32 v8, $0x7;
	v10 =	vand.u32 $0xFFFFE000, v41  }
0x30a: {  	v12 =	vand.u32 $0x380, v43;
	v10 =	vadd.s32 v11, v10  }
0x30b: {  	vm9 =	vlt.u32 v8, $0x28;
	v8 =	vand.u32 $0x7F, v40;
	v44 =	vor.u32 v12, v10  }
0x30c: {  	v9 =	vor.u32 v8, v44;
	_ =	sdelay $0x4  }
0x30d: {  	[tilespmem:v9+s22+$0x0] =	vst.idx.msk vm9, v4  }
0x30e: {  	v9 =	vld [tilespmem:s18+$0x10];
	_ =	sdelay $0x4  }
0x30f: {  	v45 =	vsub.s32 v9, v6  }
0x310: {  	v46 =	vshll.u32 v45, $0xA  }
0x311: {  	v9 =	vshll.u32 v9, $0x7;
	v12 =	vand.u32 $0xFFFFE000, v46  }
0x312: {  	v9 =	vand.u32 $0x380, v9;
	v11 =	vadd.s32 v11, v12  }
0x313: {  	vm9 =	vlt.u32 v45, $0x28;
	v9 =	vor.u32 v9, v11  }
0x314: {  	v47 =	vld [tilespmem:s15+$0x10];
	v8 =	vor.u32 v8, v9;
	_ =	sdelay $0x4  }
0x315: {  	[tilespmem:v8+s22+$0x0] =	vst.idx.msk vm9, v47  }
0x316: {  	v8 =	vld [tilespmem:s14+$0x20];
	_ =	sdelay $0x4  }
0x317: {  	v48 =	vadd.s32 $0x60, v7;
	v8 =	vsub.s32 v8, v5  }
0x318: {  	v50 =	vshll.u32 v48, $0x3;
	v49 =	vshll.u32 v8, $0xA  }
0x319: {  	v11 =	vand.u32 $0xFFFFFC00, v50;
	v51 =	vshll.u32 v8, $0x7;
	v10 =	vand.u32 $0xFFFFE000, v49  }
0x31a: {  	v12 =	vand.u32 $0x380, v51;
	v10 =	vadd.s32 v11, v10  }
0x31b: {  	vm9 =	vlt.u32 v8, $0x28;
	v8 =	vand.u32 $0x7F, v48;
	v52 =	vor.u32 v12, v10  }
0x31c: {  	v9 =	vor.u32 v8, v52;
	_ =	sdelay $0x4  }
0x31d: {  	[tilespmem:v9+s22+$0x0] =	vst.idx.msk vm9, v4  }
0x31e: {  	v9 =	vld [tilespmem:s18+$0x20];
	_ =	sdelay $0x4  }
0x31f: {  	v53 =	vsub.s32 v9, v6  }
0x320: {  	v54 =	vshll.u32 v53, $0xA  }
0x321: {  	v9 =	vshll.u32 v9, $0x7;
	v12 =	vand.u32 $0xFFFFE000, v54  }
0x322: {  	v9 =	vand.u32 $0x380, v9;
	v11 =	vadd.s32 v11, v12  }
0x323: {  	vm9 =	vlt.u32 v53, $0x28;
	v9 =	vor.u32 v9, v11  }
0x324: {  	v55 =	vld [tilespmem:s15+$0x20];
	v8 =	vor.u32 v8, v9;
	_ =	sdelay $0x4  }
0x325: {  	[tilespmem:v8+s22+$0x0] =	vst.idx.msk vm9, v55  }
0x326: {  	v8 =	vld [tilespmem:s14+$0x30];
	_ =	sdelay $0x4  }
0x327: {  	v56 =	vadd.s32 $0x70, v7;
	v8 =	vsub.s32 v8, v5  }
0x328: {  	v58 =	vshll.u32 v56, $0x3;
	v57 =	vshll.u32 v8, $0xA  }
0x329: {  	v11 =	vand.u32 $0xFFFFFC00, v58;
	v59 =	vshll.u32 v8, $0x7;
	v10 =	vand.u32 $0xFFFFE000, v57  }
0x32a: {  	v12 =	vand.u32 $0x380, v59;
	v10 =	vadd.s32 v11, v10  }
0x32b: {  	vm9 =	vlt.u32 v8, $0x28;
	v8 =	vand.u32 $0x7F, v56;
	v60 =	vor.u32 v12, v10  }
0x32c: {  	v9 =	vor.u32 v8, v60;
	_ =	sdelay $0x4  }
0x32d: {  	[tilespmem:v9+s22+$0x0] =	vst.idx.msk vm9, v4  }
0x32e: {  	v9 =	vld [tilespmem:s18+$0x30];
	_ =	sdelay $0x4  }
0x32f: {  	v61 =	vsub.s32 v9, v6  }
0x330: {  	v62 =	vshll.u32 v61, $0xA  }
0x331: {  	v9 =	vshll.u32 v9, $0x7;
	v12 =	vand.u32 $0xFFFFE000, v62  }
0x332: {  	v9 =	vand.u32 $0x380, v9;
	v11 =	vadd.s32 v11, v12  }
0x333: {  	s19 =	sadd.s32 $0x8, s19;
	vm9 =	vlt.u32 v61, $0x28;
	v9 =	vor.u32 v9, v11  }
0x334: {  	p0 =	slt.u32 s19, $0x38;
	v63 =	vld [tilespmem:s15+$0x30];
	v8 =	vor.u32 v8, v9  }
.Ltmp3:
0x335: {  	_ = 	snop;
	(pc) =	sbr.rel @p0 .LBB2_9-.Ltmp3, $2  }
0x336: {  	_ =	sdelay $0x2  }
0x337: {  	v7 =	vadd.s32 $0x80, v7;
	s14 =	sadd.s32 $0x80, s14;
	s15 =	sadd.s32 $0x80, s15;
	s18 =	sadd.s32 $0x80, s18;
	[tilespmem:v8+s22+$0x0] =	vst.idx.msk vm9, v63  }
0x338: {  	s0 =	smul.u32 $0x3E8, s12;
	s2 =	sadd.s32 s20, s4  }
0x339: {  	s1 =	smul.u32 $0x2EE000, s5;
	s2 =	smin.u32 s2, $0x5DB  }
0x33a: {  	s0 =	sadd.s32 s0, s31;
	s4 =	smulhi.u32 $0x369D037, s2  }
0x33b: {  	s0 =	sshll.u32 s0, $0xA  }
0x33c: {  	s0 =	sadd.s32 s1, s0;
	s3 =	smul.u32 $0xFFFFFFB5, s4  }
0x33d: {  	s1 =	sshrl.u32 s0, $0x3  }
0x33e: {  	s0 =	sadd.s32 $0x4000, s0;
	s1 =	sadd.s32 s11, s1;
	s10 =	sadd.s32 s2, s3  }
0x33f: {  	[hbm4b:s1+s13] =	stream.linear.scatter [tilespmem:s22], [sflag:$0x1], $0x4000, $0x38;
	[tilespmem:$0x1E000] =	vst v63  }
0x340: {  	s0 =	sshrl.u32 s0, $0x3;
	s2 =	smulhi.u32 $0x51EB851F, s10;
	s3 =	sshra.s32 s10, $0x1F  }
0x341: {  	s0 =	sadd.s32 s11, s0;
	s3 =	smul.u32 $0x51EB851F, s3  }
0x342: {  	[hbm4b:s0+s13] =	stream.linear.scatter [tilespmem:s25], [sflag:$0x1], $0x6000, $0x38;
	[tilespmem:$0x1E000] =	vst v63  }
0x343: {  	s12 =	sadd.s32 s3, s2  }
0x344: {  	s2 =	sshrl.u32 s12, $0x1F;
	s0 =	sshra.s32 s12, $0x3  }
0x345: {  	s0 =	sadd.s32 s2, s0  }
0x346: {  	s2 =	smul.u32 $0xFFFFFFE7, s0  }
0x347: {  	s14 =	ssub.s32 $0x0, s10  }
0x348: {  	p0 =	slt.s32 s10, $0x1;
	p1 =	sne.s32 s2, s14  }
0x349: {  	p0 =	por !p0, !p1  }
0x34a: {  	s2 =	simm.s32 $0x1;
	p0 =	por !p0, !p0  }
0x34b: {  	s15 =	sadd.s32 $0x1, s4;
	s2 =	simm.s32 @!p0 $0x0  }
0x34c: {  	s18 =	smulhi.u32 $0xCCCCCCD, s15;
	s12 =	ssub.s32 s0, s2  }
0x34d: {  	_ =	swait.ge [sflag:s24], $0x4000;
	s2 =	simm.s32 $0x1;
	p0 =	sne.s32 s12, $0x1  }
0x34e: {  	s28 =	sshll.u32 s21, $0xC;
	[sflag:s24] =	ssyncset.done $0x0;
	s2 =	simm.s32 @!p0 $0x0  }
0x34f: {  	[sflag:s24] =	ssyncadd.s32 $0xFFFFC000;
	s0 =	smul.u32 $0x14, s18;
	s5 =	ssub.s32 s4, s2  }
0x350: {  	_ =	swait.ge [sflag:s24], $0x6000;
	s19 =	smul.u32 $0xFFFFFFE7, s12;
	p0 =	sgt.s32 s5, $0x0  }
0x351: {  	p1 =	seq.s32 s12, $0x0;
	s0 =	ssub.s32 s15, s0;
	s5 =	simm.s32 @!p0 $0x0  }
0x352: {  	[sflag:s24] =	ssyncset.done $0x0;
	s1 =	sadd.s32 s10, s19;
	s5 =	smov.u32 @p1 s0  }
0x353: {  	[sflag:s24] =	ssyncadd.s32 $0xFFFFA000;
	s21 =	smul.u32 $0x28, s1;
	s29 =	sshll.u32 s5, $0xC  }
0x354: {  	s18 =	simm.s32 $0xFFFFFFF8;
	s0 =	sshra.s32 s28, $0x2;
	s31 =	sshra.s32 s29, $0x2  }
0x355: {  	v5 =	vmov s8;
	v7 =	vlaneseq.u32;
	v6 =	vmov s21;
	s14 =	sor.u32 $0x40, s0;
	s8 =	sadd.s32 $0x5040, s31;
	s15 =	sor.u32 $0x40, s31  }
.LBB2_11:
0x356: {  	v8 =	vld [tilespmem:s14+$0xFFFFFFC0];
	_ =	sdelay $0x4  }
0x357: {  	v8 =	vsub.s32 v8, v5  }
0x358: {  	v10 =	vshll.u32 v7, $0x3;
	v9 =	vshll.u32 v8, $0xA  }
0x359: {  	v10 =	vand.u32 $0xFFFFFC00, v10;
	v11 =	vshll.u32 v8, $0x7;
	v9 =	vand.u32 $0xFFFFE000, v9  }
0x35a: {  	v11 =	vand.u32 $0x380, v11;
	v9 =	vadd.s32 v10, v9  }
0x35b: {  	vm9 =	vlt.u32 v8, $0x28;
	v8 =	vand.u32 $0x7F, v7;
	v9 =	vor.u32 v11, v9  }
0x35c: {  	v9 =	vor.u32 v8, v9;
	_ =	sdelay $0x4  }
0x35d: {  	[tilespmem:v9+s23+$0x0] =	vst.idx.msk vm9, v4  }
0x35e: {  	v9 =	vld [tilespmem:s15+$0xFFFFFFC0];
	_ =	sdelay $0x4  }
0x35f: {  	v55 =	vsub.s32 v9, v6  }
0x360: {  	v12 =	vshll.u32 v55, $0xA  }
0x361: {  	v9 =	vshll.u32 v9, $0x7;
	v12 =	vand.u32 $0xFFFFE000, v12  }
0x362: {  	v9 =	vand.u32 $0x380, v9;
	v10 =	vadd.s32 v10, v12  }
0x363: {  	vm9 =	vlt.u32 v55, $0x28;
	v9 =	vor.u32 v9, v10  }
0x364: {  	v56 =	vld [tilespmem:s8+$0xFFFFFFC0];
	v8 =	vor.u32 v8, v9;
	_ =	sdelay $0x4  }
0x365: {  	[tilespmem:v8+s23+$0x0] =	vst.idx.msk vm9, v56  }
0x366: {  	v8 =	vld [tilespmem:s14+$0xFFFFFFD0];
	_ =	sdelay $0x4  }
0x367: {  	v57 =	vadd.s32 $0x10, v7;
	v8 =	vsub.s32 v8, v5  }
0x368: {  	v59 =	vshll.u32 v57, $0x3;
	v58 =	vshll.u32 v8, $0xA  }
0x369: {  	v11 =	vand.u32 $0xFFFFFC00, v59;
	v60 =	vshll.u32 v8, $0x7;
	v10 =	vand.u32 $0xFFFFE000, v58  }
0x36a: {  	v12 =	vand.u32 $0x380, v60;
	v10 =	vadd.s32 v11, v10  }
0x36b: {  	vm9 =	vlt.u32 v8, $0x28;
	v8 =	vand.u32 $0x7F, v57;
	v61 =	vor.u32 v12, v10  }
0x36c: {  	v9 =	vor.u32 v8, v61;
	_ =	sdelay $0x4  }
0x36d: {  	[tilespmem:v9+s23+$0x0] =	vst.idx.msk vm9, v4  }
0x36e: {  	v9 =	vld [tilespmem:s15+$0xFFFFFFD0];
	_ =	sdelay $0x4  }
0x36f: {  	v62 =	vsub.s32 v9, v6  }
0x370: {  	v63 =	vshll.u32 v62, $0xA  }
0x371: {  	v9 =	vshll.u32 v9, $0x7;
	v12 =	vand.u32 $0xFFFFE000, v63  }
0x372: {  	v9 =	vand.u32 $0x380, v9;
	v11 =	vadd.s32 v11, v12  }
0x373: {  	vm9 =	vlt.u32 v62, $0x28;
	v9 =	vor.u32 v9, v11  }
0x374: {  	v15 =	vld [tilespmem:s8+$0xFFFFFFD0];
	v8 =	vor.u32 v8, v9;
	_ =	sdelay $0x4  }
0x375: {  	[tilespmem:v8+s23+$0x0] =	vst.idx.msk vm9, v15  }
0x376: {  	v8 =	vld [tilespmem:s14+$0xFFFFFFE0];
	_ =	sdelay $0x4  }
0x377: {  	v16 =	vadd.s32 $0x20, v7;
	v8 =	vsub.s32 v8, v5  }
0x378: {  	v18 =	vshll.u32 v16, $0x3;
	v17 =	vshll.u32 v8, $0xA  }
0x379: {  	v11 =	vand.u32 $0xFFFFFC00, v18;
	v19 =	vshll.u32 v8, $0x7;
	v10 =	vand.u32 $0xFFFFE000, v17  }
0x37a: {  	v12 =	vand.u32 $0x380, v19;
	v10 =	vadd.s32 v11, v10  }
0x37b: {  	vm9 =	vlt.u32 v8, $0x28;
	v8 =	vand.u32 $0x7F, v16;
	v20 =	vor.u32 v12, v10  }
0x37c: {  	v9 =	vor.u32 v8, v20;
	_ =	sdelay $0x4  }
0x37d: {  	[tilespmem:v9+s23+$0x0] =	vst.idx.msk vm9, v4  }
0x37e: {  	v9 =	vld [tilespmem:s15+$0xFFFFFFE0];
	_ =	sdelay $0x4  }
0x37f: {  	v21 =	vsub.s32 v9, v6  }
0x380: {  	v22 =	vshll.u32 v21, $0xA  }
0x381: {  	v9 =	vshll.u32 v9, $0x7;
	v12 =	vand.u32 $0xFFFFE000, v22  }
0x382: {  	v9 =	vand.u32 $0x380, v9;
	v11 =	vadd.s32 v11, v12  }
0x383: {  	vm9 =	vlt.u32 v21, $0x28;
	v9 =	vor.u32 v9, v11  }
0x384: {  	v23 =	vld [tilespmem:s8+$0xFFFFFFE0];
	v8 =	vor.u32 v8, v9;
	_ =	sdelay $0x4  }
0x385: {  	[tilespmem:v8+s23+$0x0] =	vst.idx.msk vm9, v23  }
0x386: {  	v8 =	vld [tilespmem:s14+$0xFFFFFFF0];
	_ =	sdelay $0x4  }
0x387: {  	v24 =	vadd.s32 $0x30, v7;
	v8 =	vsub.s32 v8, v5  }
0x388: {  	v26 =	vshll.u32 v24, $0x3;
	v25 =	vshll.u32 v8, $0xA  }
0x389: {  	v11 =	vand.u32 $0xFFFFFC00, v26;
	v27 =	vshll.u32 v8, $0x7;
	v10 =	vand.u32 $0xFFFFE000, v25  }
0x38a: {  	v12 =	vand.u32 $0x380, v27;
	v10 =	vadd.s32 v11, v10  }
0x38b: {  	vm9 =	vlt.u32 v8, $0x28;
	v8 =	vand.u32 $0x7F, v24;
	v28 =	vor.u32 v12, v10  }
0x38c: {  	v9 =	vor.u32 v8, v28;
	_ =	sdelay $0x4  }
0x38d: {  	[tilespmem:v9+s23+$0x0] =	vst.idx.msk vm9, v4  }
0x38e: {  	v9 =	vld [tilespmem:s15+$0xFFFFFFF0];
	_ =	sdelay $0x4  }
0x38f: {  	v29 =	vsub.s32 v9, v6  }
0x390: {  	v30 =	vshll.u32 v29, $0xA  }
0x391: {  	v9 =	vshll.u32 v9, $0x7;
	v12 =	vand.u32 $0xFFFFE000, v30  }
0x392: {  	v9 =	vand.u32 $0x380, v9;
	v11 =	vadd.s32 v11, v12  }
0x393: {  	vm9 =	vlt.u32 v29, $0x28;
	v9 =	vor.u32 v9, v11  }
0x394: {  	v31 =	vld [tilespmem:s8+$0xFFFFFFF0];
	v8 =	vor.u32 v8, v9;
	_ =	sdelay $0x4  }
0x395: {  	[tilespmem:v8+s23+$0x0] =	vst.idx.msk vm9, v31  }
0x396: {  	v8 =	vld [tilespmem:s14+$0x0];
	_ =	sdelay $0x4  }
0x397: {  	v32 =	vadd.s32 $0x40, v7;
	v8 =	vsub.s32 v8, v5  }
0x398: {  	v34 =	vshll.u32 v32, $0x3;
	v33 =	vshll.u32 v8, $0xA  }
0x399: {  	v11 =	vand.u32 $0xFFFFFC00, v34;
	v35 =	vshll.u32 v8, $0x7;
	v10 =	vand.u32 $0xFFFFE000, v33  }
0x39a: {  	v12 =	vand.u32 $0x380, v35;
	v10 =	vadd.s32 v11, v10  }
0x39b: {  	vm9 =	vlt.u32 v8, $0x28;
	v8 =	vand.u32 $0x7F, v32;
	v36 =	vor.u32 v12, v10  }
0x39c: {  	v9 =	vor.u32 v8, v36;
	_ =	sdelay $0x4  }
0x39d: {  	[tilespmem:v9+s23+$0x0] =	vst.idx.msk vm9, v4  }
0x39e: {  	v9 =	vld [tilespmem:s15+$0x0];
	_ =	sdelay $0x4  }
0x39f: {  	v37 =	vsub.s32 v9, v6  }
0x3a0: {  	v38 =	vshll.u32 v37, $0xA  }
0x3a1: {  	v9 =	vshll.u32 v9, $0x7;
	v12 =	vand.u32 $0xFFFFE000, v38  }
0x3a2: {  	v9 =	vand.u32 $0x380, v9;
	v11 =	vadd.s32 v11, v12  }
0x3a3: {  	vm9 =	vlt.u32 v37, $0x28;
	v9 =	vor.u32 v9, v11  }
0x3a4: {  	v39 =	vld [tilespmem:s8+$0x0];
	v8 =	vor.u32 v8, v9;
	_ =	sdelay $0x4  }
0x3a5: {  	[tilespmem:v8+s23+$0x0] =	vst.idx.msk vm9, v39  }
0x3a6: {  	v8 =	vld [tilespmem:s14+$0x10];
	_ =	sdelay $0x4  }
0x3a7: {  	v40 =	vadd.s32 $0x50, v7;
	v8 =	vsub.s32 v8, v5  }
0x3a8: {  	v42 =	vshll.u32 v40, $0x3;
	v41 =	vshll.u32 v8, $0xA  }
0x3a9: {  	v11 =	vand.u32 $0xFFFFFC00, v42;
	v43 =	vshll.u32 v8, $0x7;
	v10 =	vand.u32 $0xFFFFE000, v41  }
0x3aa: {  	v12 =	vand.u32 $0x380, v43;
	v10 =	vadd.s32 v11, v10  }
0x3ab: {  	vm9 =	vlt.u32 v8, $0x28;
	v8 =	vand.u32 $0x7F, v40;
	v44 =	vor.u32 v12, v10  }
0x3ac: {  	v9 =	vor.u32 v8, v44;
	_ =	sdelay $0x4  }
0x3ad: {  	[tilespmem:v9+s23+$0x0] =	vst.idx.msk vm9, v4  }
0x3ae: {  	v9 =	vld [tilespmem:s15+$0x10];
	_ =	sdelay $0x4  }
0x3af: {  	v45 =	vsub.s32 v9, v6  }
0x3b0: {  	v46 =	vshll.u32 v45, $0xA  }
0x3b1: {  	v9 =	vshll.u32 v9, $0x7;
	v12 =	vand.u32 $0xFFFFE000, v46  }
0x3b2: {  	v9 =	vand.u32 $0x380, v9;
	v11 =	vadd.s32 v11, v12  }
0x3b3: {  	vm9 =	vlt.u32 v45, $0x28;
	v9 =	vor.u32 v9, v11  }
0x3b4: {  	v47 =	vld [tilespmem:s8+$0x10];
	v8 =	vor.u32 v8, v9;
	_ =	sdelay $0x4  }
0x3b5: {  	[tilespmem:v8+s23+$0x0] =	vst.idx.msk vm9, v47  }
0x3b6: {  	v8 =	vld [tilespmem:s14+$0x20];
	_ =	sdelay $0x4  }
0x3b7: {  	v48 =	vadd.s32 $0x60, v7;
	v8 =	vsub.s32 v8, v5  }
0x3b8: {  	v50 =	vshll.u32 v48, $0x3;
	v49 =	vshll.u32 v8, $0xA  }
0x3b9: {  	v11 =	vand.u32 $0xFFFFFC00, v50;
	v51 =	vshll.u32 v8, $0x7;
	v10 =	vand.u32 $0xFFFFE000, v49  }
0x3ba: {  	v12 =	vand.u32 $0x380, v51;
	v10 =	vadd.s32 v11, v10  }
0x3bb: {  	vm9 =	vlt.u32 v8, $0x28;
	v8 =	vand.u32 $0x7F, v48;
	v52 =	vor.u32 v12, v10  }
0x3bc: {  	v9 =	vor.u32 v8, v52;
	_ =	sdelay $0x4  }
0x3bd: {  	[tilespmem:v9+s23+$0x0] =	vst.idx.msk vm9, v4  }
0x3be: {  	v9 =	vld [tilespmem:s15+$0x20];
	_ =	sdelay $0x4  }
0x3bf: {  	v53 =	vsub.s32 v9, v6  }
0x3c0: {  	v54 =	vshll.u32 v53, $0xA  }
0x3c1: {  	v9 =	vshll.u32 v9, $0x7;
	v12 =	vand.u32 $0xFFFFE000, v54  }
0x3c2: {  	v9 =	vand.u32 $0x380, v9;
	v11 =	vadd.s32 v11, v12  }
0x3c3: {  	vm9 =	vlt.u32 v53, $0x28;
	v9 =	vor.u32 v9, v11  }
0x3c4: {  	v55 =	vld [tilespmem:s8+$0x20];
	v8 =	vor.u32 v8, v9;
	_ =	sdelay $0x4  }
0x3c5: {  	[tilespmem:v8+s23+$0x0] =	vst.idx.msk vm9, v55  }
0x3c6: {  	v8 =	vld [tilespmem:s14+$0x30];
	_ =	sdelay $0x4  }
0x3c7: {  	v56 =	vadd.s32 $0x70, v7;
	v8 =	vsub.s32 v8, v5  }
0x3c8: {  	v58 =	vshll.u32 v56, $0x3;
	v57 =	vshll.u32 v8, $0xA  }
0x3c9: {  	v11 =	vand.u32 $0xFFFFFC00, v58;
	v59 =	vshll.u32 v8, $0x7;
	v10 =	vand.u32 $0xFFFFE000, v57  }
0x3ca: {  	v12 =	vand.u32 $0x380, v59;
	v10 =	vadd.s32 v11, v10  }
0x3cb: {  	vm9 =	vlt.u32 v8, $0x28;
	v8 =	vand.u32 $0x7F, v56;
	v60 =	vor.u32 v12, v10  }
0x3cc: {  	v9 =	vor.u32 v8, v60;
	_ =	sdelay $0x4  }
0x3cd: {  	[tilespmem:v9+s23+$0x0] =	vst.idx.msk vm9, v4  }
0x3ce: {  	v9 =	vld [tilespmem:s15+$0x30];
	_ =	sdelay $0x4  }
0x3cf: {  	v61 =	vsub.s32 v9, v6  }
0x3d0: {  	v62 =	vshll.u32 v61, $0xA  }
0x3d1: {  	v9 =	vshll.u32 v9, $0x7;
	v12 =	vand.u32 $0xFFFFE000, v62  }
0x3d2: {  	v9 =	vand.u32 $0x380, v9;
	v11 =	vadd.s32 v11, v12  }
0x3d3: {  	s18 =	sadd.s32 $0x8, s18;
	vm9 =	vlt.u32 v61, $0x28;
	v9 =	vor.u32 v9, v11  }
0x3d4: {  	p0 =	slt.u32 s18, $0x38;
	v63 =	vld [tilespmem:s8+$0x30];
	v8 =	vor.u32 v8, v9  }
.Ltmp4:
0x3d5: {  	_ = 	snop;
	(pc) =	sbr.rel @p0 .LBB2_11-.Ltmp4, $2  }
0x3d6: {  	_ =	sdelay $0x2  }
0x3d7: {  	v7 =	vadd.s32 $0x80, v7;
	s14 =	sadd.s32 $0x80, s14;
	s8 =	sadd.s32 $0x80, s8;
	s15 =	sadd.s32 $0x80, s15;
	[tilespmem:v8+s23+$0x0] =	vst.idx.msk vm9, v63  }
0x3d8: {  	s0 =	smul.u32 $0x3E8, s12;
	_ =	sdelay $0x1  }
0x3d9: {  	s1 =	smul.u32 $0x2EE000, s4;
	s0 =	sadd.s32 s0, s21  }
0x3da: {  	s30 =	sadd.s32 $0x1, s30;
	s0 =	sshll.u32 s0, $0xA  }
0x3db: {  	p0 =	sne.s32 s30, $0x17;
	s0 =	sadd.s32 s1, s0  }
.Ltmp5:
0x3dc: {  	s1 =	sshrl.u32 s0, $0x3;
	s0 =	sadd.s32 $0x4000, s0;
	(pc) =	sbr.rel @p0 .LBB2_8-.Ltmp5, $4  }
0x3dd: {  	s1 =	sadd.s32 s11, s1;
	s0 =	sshrl.u32 s0, $0x3  }
0x3de: {  	[hbm4b:s1+s13] =	stream.linear.scatter [tilespmem:s23], [sflag:$0x2], $0x4000, $0x38;
	[tilespmem:$0x1E000] =	vst v63  }
0x3df: {  	s8 =	smov.u32 s21;
	s21 =	smov.u32 s5;
	s0 =	sadd.s32 s11, s0  }
0x3e0: {  	[hbm4b:s0+s13] =	stream.linear.scatter [tilespmem:s26], [sflag:$0x2], $0x6000, $0x38;
	[tilespmem:$0x1E000] =	vst v63  }
0x3e1: {  	_ =	swait.ge [sflag:s16], $0x4000  }
0x3e2: {  	[sflag:s16] =	ssyncset.done $0x0  }
0x3e3: {  	[sflag:s16] =	ssyncadd.s32 $0xFFFFC000  }
0x3e4: {  	_ =	swait.ge [sflag:s16], $0x6000  }
0x3e5: {  	[sflag:s16] =	ssyncset.done $0x0  }
0x3e6: {  	[sflag:s16] =	ssyncadd.s32 $0xFFFFA000  }
0x3e7: {  	_ =	swait.ge [sflag:s24], $0x4000  }
0x3e8: {  	[sflag:s24] =	ssyncset.done $0x0  }
0x3e9: {  	[sflag:s24] =	ssyncadd.s32 $0xFFFFC000  }
0x3ea: {  	_ =	swait.ge [sflag:s24], $0x6000  }
0x3eb: {  	s1 =	rddreg [dreg:$0x12]  }
0x3ec: {  	s0 =	rddreg [dreg:$0x10];
	s1 =	sadd.s32 $0x1, s1  }
0x3ed: {  	p0 =	sne.s32 s1, s0  }
.Ltmp6:
0x3ee: {  	_ = 	snop;
	(pc) =	sbr.rel @p0 .LBB2_1-.Ltmp6, $3  }
0x3ef: {  	_ =	sdelay $0x1  }
0x3f0: {  	[sflag:s24] =	ssyncset.done $0x0  }
0x3f1: {  	vm9 =	vcmask $0x704;
	[sflag:s24] =	ssyncadd.s32 $0xFFFFA000  }
0x3f2: {  	_ =	sfence.sel $0x180000  }
0x3f3: {  	[bflag:$0x0] =	sbarrier.arrive $0xFFFF  }
0x3f4: {  	_ =	strace $0x90000047  }
0x3f5: {  	s0 =	stileid.u32;
	[bflag:$0x2] =	sbarrier.arrive $0xFFFF  }
0x3f6: {  	p0 =	sne.s32 s0, $0x0;
	s0 =	rddreg [dreg:$0x2]  }
0x3f7: {  	s0 =	sadd.s32 @!p0 $0x100000, s0  }
0x3f8: {  	[sflag:s0] =	ssyncadd.tile.s32 @!p0 $0x1;
	_ =	shalt  }
.Lfunc_end2:
_tile_overlayer_lowered:
.L_overlay_start_2:
0x3f9: {  	(tag) =	ssettag $0x2  }
0x3fa: {  	s0 =	rddreg [dreg:$0x0];
	s2 =	stileid.u32  }
0x3fb: {  	s1 =	rddreg [dreg:$0x1];
	p0 =	sne.s32 s2, $0x0  }
0x3fc: {  	s3 =	rddreg [dreg:$0x2];
	[bflag:$0x3] =	sbarrier.arrive $0xFFFF;
	s2 =	simm.s32 @!p0 $0x1C04  }
0x3fd: {  	[timem:s3], [sflag:s2] =	dma.local @!p0 [hbm:s0], s1  }
0x3fe: {  	s0 =	simm.s32 @!p0 $0x4  }
0x3ff: {  	_ =	swait.ge @!p0 [sflag:s0], s1  }
0x400: {  	s1 =	ssub.s32 @!p0 $0x0, s1;
	[sflag:s0] =	ssyncset.done @!p0 $0x0  }
0x401: {  	[sflag:s0] =	ssyncadd.s32 @!p0 s1  }
0x402: {  	[bflag:$0x3] =	sbarrier.arrive $0xFFFF  }
0x403: {  	_ =	shalt  }

</sc_bundles>
